<compile_context>
chip_gen: v7x
topology: tpu7x:2x2x1
jax: 0.10.2.dev20260603
libtpu: 0.0.44.dev20260713+nightly
codegen_flags: <defaults>
</compile_context>

<pallas_src>
import dataclasses
import functools

import jax
import jax.numpy as jnp
from jax import lax
from jax.experimental import pallas as pl
from jax.experimental.pallas import tpu as pltpu
from jax.experimental.pallas import tpu_sc as plsc

_D = 128
_LANES = 16


def _expw_body(w_ref, o_ref):
    w = w_ref[...]
    o_ref[...] = jnp.exp(w - jnp.max(w))


def _sc_pool(q1, table, expw, B, L):
    NW = 32
    RPW = B // NW
    C = 40
    NCH = L // C
    NV = _D // _LANES
    mesh = plsc.VectorSubcoreMesh(core_axis_name="c", subcore_axis_name="s")
    cp = pltpu.CompilerParams()
    if "needs_layout_passes" in pltpu.CompilerParams.__dataclass_fields__:
        cp = dataclasses.replace(cp, needs_layout_passes=False)

    @functools.partial(
        pl.kernel,
        out_type=jax.ShapeDtypeStruct((B, _D), jnp.float32),
        mesh=mesh,
        compiler_params=cp,
        scratch_types=[
            pltpu.VMEM((RPW * L,), jnp.int32),
            pltpu.VMEM((L, _D), jnp.float32),
            pltpu.VMEM((L, _D), jnp.float32),
            pltpu.VMEM((L, _D), jnp.float32),
            pltpu.VMEM((L,), jnp.float32),
            pltpu.VMEM((L,), jnp.float32),
            pltpu.VMEM((L,), jnp.float32),
            pltpu.VMEM((RPW, _D), jnp.float32),
            pltpu.SemaphoreType.DMA,
            pltpu.SemaphoreType.DMA,
            pltpu.SemaphoreType.DMA,
        ],
    )
    def run(q_hbm, t_hbm, ew_hbm, o_hbm, idx_v, rows_a, rows_b, rows_c,
            w_a, w_b, w_c, out_v, sem_a, sem_b, sem_c):
        wid = lax.axis_index("s") * 2 + lax.axis_index("c")
        base = wid * RPW
        pltpu.sync_copy(q_hbm.at[pl.ds(base * L, RPW * L)], idx_v)

        rows_bufs = [rows_a, rows_b, rows_c]
        w_bufs = [w_a, w_b, w_c]
        sems = [sem_a, sem_b, sem_c]

        zero = jnp.zeros((_LANES,), jnp.float32)
        lane_iota = lax.iota(jnp.int32, _LANES)

        def issue(r, j):
            rows_buf, w_buf, sem = rows_bufs[j], w_bufs[j], sems[j]
            for h in range(NCH):
                idx_h = idx_v.at[pl.ds(r * L + h * C, C)]
                pltpu.async_copy(t_hbm.at[idx_h], rows_buf.at[pl.ds(h * C, C)],
                                 sem)
                pltpu.async_copy(ew_hbm.at[idx_h], w_buf.at[pl.ds(h * C, C)],
                                 sem)

        def wait(j):
            rows_buf, w_buf, sem = rows_bufs[j], w_bufs[j], sems[j]
            for h in range(NCH):
                idx_h = idx_v.at[pl.ds(h * C, C)]
                pltpu.make_async_copy(t_hbm.at[idx_h],
                                      rows_buf.at[pl.ds(h * C, C)],
                                      sem).wait()
                pltpu.make_async_copy(ew_hbm.at[idx_h],
                                      w_buf.at[pl.ds(h * C, C)],
                                      sem).wait()

        def compute(r, j):
            rows_buf, w_buf = rows_bufs[j], w_bufs[j]

            def body(l, accs):
                sidx = jnp.full((_LANES,), l, dtype=jnp.int32)
                s = plsc.load_gather(w_buf, [sidx])
                return tuple(
                    accs[d] + s * rows_buf[l, pl.ds(d * _LANES, _LANES)]
                    for d in range(NV))

            accs = lax.fori_loop(0, L, body, tuple([zero] * NV), unroll=2)

            dsum = zero
            for j in range(L // _LANES):
                dsum = dsum + w_buf[pl.ds(j * _LANES, _LANES)]
            dsum = dsum + jnp.where(
                lane_iota >= _LANES - (L % _LANES),
                w_buf[pl.ds(L - _LANES, _LANES)], 0.0)
            w_buf[pl.ds(0, _LANES)] = plsc.cumsum(dsum)
            den = plsc.load_gather(
                w_buf, [jnp.full((_LANES,), _LANES - 1, jnp.int32)])
            rcp = 1.0 / den
            for d in range(NV):
                out_v[r, pl.ds(d * _LANES, _LANES)] = accs[d] * rcp

        for j in range(3):
            issue(j, j)

        @pl.loop(0, RPW - (RPW % 3), step=3)
        def _row(r):
            for j in range(3):
                wait(j)
                compute(r + j, j)

                @pl.when(r + j + 3 < RPW)
                def _():
                    issue(r + j + 3, j)

        for k in range(RPW % 3):
            wait(k)
            compute(RPW - (RPW % 3) + k, k)

        pltpu.sync_copy(out_v, o_hbm.at[pl.ds(base, RPW)])

    return run(q1, table, expw)


def kernel(query, query_token_embeds_weight, weights_weight):
    B, L = query.shape
    V = query_token_embeds_weight.shape[0]
    q1 = query.astype(jnp.int32).reshape(B * L)
    w2d = weights_weight.reshape(V // 125, 125)
    expw2d = pl.pallas_call(
        _expw_body,
        out_shape=jax.ShapeDtypeStruct(w2d.shape, jnp.float32),
    )(w2d)
    expw = expw2d.reshape(V)
    return _sc_pool(q1, query_token_embeds_weight, expw, B, L)

# --- scband reference (transcript-rebuilt; emitter-appended) ---
"""Pipeline reference for scband-query-encoder-89008902242558 (READ-ONLY COPY).

The authoritative reference and input builder live on the scoring server;
editing this copy changes nothing except your own understanding.
"""

import jax, jax.numpy as jnp
import numpy as np

VOCAB = 100000
EMBED_DIM = 128
BATCH = 4096
HIST_LEN = 200


def setup_inputs(seed: int = 0) -> dict:
    key = jax.random.key(seed)
    k1, k2, k3 = jax.random.split(key, 3)
    query = jax.random.randint(k1, (BATCH, HIST_LEN), 0, VOCAB, dtype=jnp.int64)
    query_token_embeds_weight = jax.random.normal(k2, (VOCAB, EMBED_DIM), dtype=jnp.float32)
    weights_weight = jax.random.normal(k3, (VOCAB, 1), dtype=jnp.float32)
    return {
        "query": query,
        "query_token_embeds_weight": query_token_embeds_weight,
        "weights_weight": weights_weight,
    }


def reference(query, query_token_embeds_weight, weights_weight):
    # Embedding lookups (gather)
    query_tokens = jnp.take(query_token_embeds_weight, query, axis=0)  # [B, L, D]
    token_weights = jnp.take(weights_weight, query, axis=0)            # [B, L, 1]
    # Softmax over the sequence dimension (dim=1), matching F.softmax(token_weights, 1)
    normalized_weights = jax.nn.softmax(token_weights, axis=1)         # [B, L, 1]
    # Weighted sum over sequence dimension
    return jnp.sum(normalized_weights * query_tokens, axis=1)          # [B, D]

if __name__ == "__main__":
    import jax
    _d = setup_inputs()
    print(jax.jit(kernel)(*tuple(_d.values())))

</pallas_src>

<mosaic_0001>
#map = affine_map<(d0, d1) -> (0)>
#map1 = affine_map<(d0, d1) -> (0, 0)>
module attributes {stable_mosaic.version = 14 : i64} {
  func.func @run(%arg0: i32, %arg1: i32, %arg2: memref<819200xi32, #tpu.memory_space<hbm>>, %arg3: memref<100000x128xf32, #tpu.memory_space<hbm>>, %arg4: memref<100000xf32, #tpu.memory_space<hbm>>, %arg5: memref<4096x128xf32, #tpu.memory_space<hbm>>, %arg6: memref<25600xi32, #tpu.memory_space<vmem>>, %arg7: memref<200x128xf32, #tpu.memory_space<vmem>>, %arg8: memref<200x128xf32, #tpu.memory_space<vmem>>, %arg9: memref<200x128xf32, #tpu.memory_space<vmem>>, %arg10: memref<200xf32, #tpu.memory_space<vmem>>, %arg11: memref<200xf32, #tpu.memory_space<vmem>>, %arg12: memref<200xf32, #tpu.memory_space<vmem>>, %arg13: memref<128x128xf32, #tpu.memory_space<vmem>>, %arg14: memref<!tpu.dma_semaphore, #tpu.memory_space<semaphore_mem>>, %arg15: memref<!tpu.dma_semaphore, #tpu.memory_space<semaphore_mem>>, %arg16: memref<!tpu.dma_semaphore, #tpu.memory_space<semaphore_mem>>) attributes {dimension_semantics = [#tpu.dimension_semantics<core_parallel>, #tpu.dimension_semantics<subcore_parallel>], iteration_bounds = array<i64: 2, 16>, scalar_prefetch = 0 : i64, scratch_operands = 11 : i64, tpu.core_type = #tpu.core_type<sc_vector_subcore>, window_params = [{transform_indices = #map}, {transform_indices = #map1}, {transform_indices = #map}, {transform_indices = #map1}]} {
    %mul3A = arith.constant 2 : i32
    %mul3A_0 = arith.muli %arg1, %mul3A : i32
    %add3A = arith.addi %mul3A_0, %arg0 : i32
    %mul3A_1 = arith.constant 128 : i32
    %mul3A_2 = arith.muli %add3A, %mul3A_1 : i32
    %mul3A_3 = arith.constant 200 : i32
    %mul3A_4 = arith.muli %mul3A_2, %mul3A_3 : i32
    "tpu.region"() ({
      %run_scoped3A = tpu.sem_alloc : memref<!tpu.dma_semaphore, #tpu.memory_space<semaphore_mem>>
      %dma_start3A_554 = tpu.memref_slice %arg2[%mul3A_4] : memref<819200xi32, #tpu.memory_space<hbm>> -> memref<25600xi32, #tpu.memory_space<hbm>>
      %dma_start3A_555 = tpu.memref_slice %arg2[%mul3A_4] : memref<819200xi32, #tpu.memory_space<hbm>> -> memref<25600xi32, #tpu.memory_space<hbm>>
      tpu.enqueue_dma source(%dma_start3A_555 : memref<25600xi32, #tpu.memory_space<hbm>>) target(%arg6 : memref<25600xi32, #tpu.memory_space<vmem>>) target_semaphore(%run_scoped3A : memref<!tpu.dma_semaphore, #tpu.memory_space<semaphore_mem>>)
      %dma_wait3A_556 = tpu.memref_slice %arg2[%mul3A_4] : memref<819200xi32, #tpu.memory_space<hbm>> -> memref<25600xi32, #tpu.memory_space<hbm>>
      %dma_wait3A_557 = tpu.memref_slice %arg2[%mul3A_4] : memref<819200xi32, #tpu.memory_space<hbm>> -> memref<25600xi32, #tpu.memory_space<hbm>>
      tpu.wait_dma2 semaphore(%run_scoped3A : memref<!tpu.dma_semaphore, #tpu.memory_space<semaphore_mem>>) src(%dma_wait3A_557 : memref<25600xi32, #tpu.memory_space<hbm>>) dst(%arg6 : memref<25600xi32, #tpu.memory_space<vmem>>)
      tpu.yield
    }) : () -> ()
    %broadcast_in_dim3A = arith.constant 0.000000e+00 : f32
    %broadcast_in_dim3A_5 = vector.broadcast %broadcast_in_dim3A : f32 to vector<16xf32>
    %iota3A = tpu.iota {dimensions = array<i32: 0>} : vector<16xi32>
    %dma_start3A = arith.constant 0 : i32
    %dma_start3A_6 = arith.constant 0 : i32
    %dma_start3A_7 = tpu.memref_slice %arg7[%dma_start3A, %dma_start3A_6] : memref<200x128xf32, #tpu.memory_space<vmem>> -> memref<40x128xf32, #tpu.memory_space<vmem>>
    %dma_start3A_8 = arith.constant 0 : i32
    %dma_start3A_9 = tpu.memref_slice %arg6[%dma_start3A_8] : memref<25600xi32, #tpu.memory_space<vmem>> -> memref<40xi32, #tpu.memory_space<vmem>>
    %dma_start3A_10 = arith.constant 0 : i32
    %dma_start3A_11 = arith.constant 0 : i32
    %dma_start3A_12 = tpu.memref_slice %arg3[%dma_start3A_10, %dma_start3A_11] : memref<100000x128xf32, #tpu.memory_space<hbm>> -> memref<100000x128xf32, #tpu.memory_space<hbm>>
    tpu.enqueue_indirect_dma source(%dma_start3A_12 : memref<100000x128xf32, #tpu.memory_space<hbm>>) target(%dma_start3A_7 : memref<40x128xf32, #tpu.memory_space<vmem>>) offsets(%dma_start3A_9 : memref<40xi32, #tpu.memory_space<vmem>>) semaphore(%arg14 : memref<!tpu.dma_semaphore, #tpu.memory_space<semaphore_mem>>)
    %dma_start3A_13 = arith.constant 0 : i32
    %dma_start3A_14 = tpu.memref_slice %arg10[%dma_start3A_13] : memref<200xf32, #tpu.memory_space<vmem>> -> memref<40xf32, #tpu.memory_space<vmem>>
    %dma_start3A_15 = arith.constant 0 : i32
    %dma_start3A_16 = tpu.memref_slice %arg6[%dma_start3A_15] : memref<25600xi32, #tpu.memory_space<vmem>> -> memref<40xi32, #tpu.memory_space<vmem>>
    %dma_start3A_17 = arith.constant 0 : i32
    %dma_start3A_18 = tpu.memref_slice %arg4[%dma_start3A_17] : memref<100000xf32, #tpu.memory_space<hbm>> -> memref<100000xf32, #tpu.memory_space<hbm>>
    tpu.enqueue_indirect_dma source(%dma_start3A_18 : memref<100000xf32, #tpu.memory_space<hbm>>) target(%dma_start3A_14 : memref<40xf32, #tpu.memory_space<vmem>>) offsets(%dma_start3A_16 : memref<40xi32, #tpu.memory_space<vmem>>) semaphore(%arg14 : memref<!tpu.dma_semaphore, #tpu.memory_space<semaphore_mem>>)
    %dma_start3A_19 = arith.constant 40 : i32
    %dma_start3A_20 = arith.constant 0 : i32
    %dma_start3A_21 = tpu.memref_slice %arg7[%dma_start3A_19, %dma_start3A_20] : memref<200x128xf32, #tpu.memory_space<vmem>> -> memref<40x128xf32, #tpu.memory_space<vmem>>
    %dma_start3A_22 = arith.constant 40 : i32
    %dma_start3A_23 = tpu.memref_slice %arg6[%dma_start3A_22] : memref<25600xi32, #tpu.memory_space<vmem>> -> memref<40xi32, #tpu.memory_space<vmem>>
    %dma_start3A_24 = arith.constant 0 : i32
    %dma_start3A_25 = arith.constant 0 : i32
    %dma_start3A_26 = tpu.memref_slice %arg3[%dma_start3A_24, %dma_start3A_25] : memref<100000x128xf32, #tpu.memory_space<hbm>> -> memref<100000x128xf32, #tpu.memory_space<hbm>>
    tpu.enqueue_indirect_dma source(%dma_start3A_26 : memref<100000x128xf32, #tpu.memory_space<hbm>>) target(%dma_start3A_21 : memref<40x128xf32, #tpu.memory_space<vmem>>) offsets(%dma_start3A_23 : memref<40xi32, #tpu.memory_space<vmem>>) semaphore(%arg14 : memref<!tpu.dma_semaphore, #tpu.memory_space<semaphore_mem>>)
    %dma_start3A_27 = arith.constant 40 : i32
    %dma_start3A_28 = tpu.memref_slice %arg10[%dma_start3A_27] : memref<200xf32, #tpu.memory_space<vmem>> -> memref<40xf32, #tpu.memory_space<vmem>>
    %dma_start3A_29 = arith.constant 40 : i32
    %dma_start3A_30 = tpu.memref_slice %arg6[%dma_start3A_29] : memref<25600xi32, #tpu.memory_space<vmem>> -> memref<40xi32, #tpu.memory_space<vmem>>
    %dma_start3A_31 = arith.constant 0 : i32
    %dma_start3A_32 = tpu.memref_slice %arg4[%dma_start3A_31] : memref<100000xf32, #tpu.memory_space<hbm>> -> memref<100000xf32, #tpu.memory_space<hbm>>
    tpu.enqueue_indirect_dma source(%dma_start3A_32 : memref<100000xf32, #tpu.memory_space<hbm>>) target(%dma_start3A_28 : memref<40xf32, #tpu.memory_space<vmem>>) offsets(%dma_start3A_30 : memref<40xi32, #tpu.memory_space<vmem>>) semaphore(%arg14 : memref<!tpu.dma_semaphore, #tpu.memory_space<semaphore_mem>>)
    %dma_start3A_33 = arith.constant 80 : i32
    %dma_start3A_34 = arith.constant 0 : i32
    %dma_start3A_35 = tpu.memref_slice %arg7[%dma_start3A_33, %dma_start3A_34] : memref<200x128xf32, #tpu.memory_space<vmem>> -> memref<40x128xf32, #tpu.memory_space<vmem>>
    %dma_start3A_36 = arith.constant 80 : i32
    %dma_start3A_37 = tpu.memref_slice %arg6[%dma_start3A_36] : memref<25600xi32, #tpu.memory_space<vmem>> -> memref<40xi32, #tpu.memory_space<vmem>>
    %dma_start3A_38 = arith.constant 0 : i32
    %dma_start3A_39 = arith.constant 0 : i32
    %dma_start3A_40 = tpu.memref_slice %arg3[%dma_start3A_38, %dma_start3A_39] : memref<100000x128xf32, #tpu.memory_space<hbm>> -> memref<100000x128xf32, #tpu.memory_space<hbm>>
    tpu.enqueue_indirect_dma source(%dma_start3A_40 : memref<100000x128xf32, #tpu.memory_space<hbm>>) target(%dma_start3A_35 : memref<40x128xf32, #tpu.memory_space<vmem>>) offsets(%dma_start3A_37 : memref<40xi32, #tpu.memory_space<vmem>>) semaphore(%arg14 : memref<!tpu.dma_semaphore, #tpu.memory_space<semaphore_mem>>)
    %dma_start3A_41 = arith.constant 80 : i32
    %dma_start3A_42 = tpu.memref_slice %arg10[%dma_start3A_41] : memref<200xf32, #tpu.memory_space<vmem>> -> memref<40xf32, #tpu.memory_space<vmem>>
    %dma_start3A_43 = arith.constant 80 : i32
    %dma_start3A_44 = tpu.memref_slice %arg6[%dma_start3A_43] : memref<25600xi32, #tpu.memory_space<vmem>> -> memref<40xi32, #tpu.memory_space<vmem>>
    %dma_start3A_45 = arith.constant 0 : i32
    %dma_start3A_46 = tpu.memref_slice %arg4[%dma_start3A_45] : memref<100000xf32, #tpu.memory_space<hbm>> -> memref<100000xf32, #tpu.memory_space<hbm>>
    tpu.enqueue_indirect_dma source(%dma_start3A_46 : memref<100000xf32, #tpu.memory_space<hbm>>) target(%dma_start3A_42 : memref<40xf32, #tpu.memory_space<vmem>>) offsets(%dma_start3A_44 : memref<40xi32, #tpu.memory_space<vmem>>) semaphore(%arg14 : memref<!tpu.dma_semaphore, #tpu.memory_space<semaphore_mem>>)
    %dma_start3A_47 = arith.constant 120 : i32
    %dma_start3A_48 = arith.constant 0 : i32
    %dma_start3A_49 = tpu.memref_slice %arg7[%dma_start3A_47, %dma_start3A_48] : memref<200x128xf32, #tpu.memory_space<vmem>> -> memref<40x128xf32, #tpu.memory_space<vmem>>
    %dma_start3A_50 = arith.constant 120 : i32
    %dma_start3A_51 = tpu.memref_slice %arg6[%dma_start3A_50] : memref<25600xi32, #tpu.memory_space<vmem>> -> memref<40xi32, #tpu.memory_space<vmem>>
    %dma_start3A_52 = arith.constant 0 : i32
    %dma_start3A_53 = arith.constant 0 : i32
    %dma_start3A_54 = tpu.memref_slice %arg3[%dma_start3A_52, %dma_start3A_53] : memref<100000x128xf32, #tpu.memory_space<hbm>> -> memref<100000x128xf32, #tpu.memory_space<hbm>>
    tpu.enqueue_indirect_dma source(%dma_start3A_54 : memref<100000x128xf32, #tpu.memory_space<hbm>>) target(%dma_start3A_49 : memref<40x128xf32, #tpu.memory_space<vmem>>) offsets(%dma_start3A_51 : memref<40xi32, #tpu.memory_space<vmem>>) semaphore(%arg14 : memref<!tpu.dma_semaphore, #tpu.memory_space<semaphore_mem>>)
    %dma_start3A_55 = arith.constant 120 : i32
    %dma_start3A_56 = tpu.memref_slice %arg10[%dma_start3A_55] : memref<200xf32, #tpu.memory_space<vmem>> -> memref<40xf32, #tpu.memory_space<vmem>>
    %dma_start3A_57 = arith.constant 120 : i32
    %dma_start3A_58 = tpu.memref_slice %arg6[%dma_start3A_57] : memref<25600xi32, #tpu.memory_space<vmem>> -> memref<40xi32, #tpu.memory_space<vmem>>
    %dma_start3A_59 = arith.constant 0 : i32
    %dma_start3A_60 = tpu.memref_slice %arg4[%dma_start3A_59] : memref<100000xf32, #tpu.memory_space<hbm>> -> memref<100000xf32, #tpu.memory_space<hbm>>
    tpu.enqueue_indirect_dma source(%dma_start3A_60 : memref<100000xf32, #tpu.memory_space<hbm>>) target(%dma_start3A_56 : memref<40xf32, #tpu.memory_space<vmem>>) offsets(%dma_start3A_58 : memref<40xi32, #tpu.memory_space<vmem>>) semaphore(%arg14 : memref<!tpu.dma_semaphore, #tpu.memory_space<semaphore_mem>>)
    %dma_start3A_61 = arith.constant 160 : i32
    %dma_start3A_62 = arith.constant 0 : i32
    %dma_start3A_63 = tpu.memref_slice %arg7[%dma_start3A_61, %dma_start3A_62] : memref<200x128xf32, #tpu.memory_space<vmem>> -> memref<40x128xf32, #tpu.memory_space<vmem>>
    %dma_start3A_64 = arith.constant 160 : i32
    %dma_start3A_65 = tpu.memref_slice %arg6[%dma_start3A_64] : memref<25600xi32, #tpu.memory_space<vmem>> -> memref<40xi32, #tpu.memory_space<vmem>>
    %dma_start3A_66 = arith.constant 0 : i32
    %dma_start3A_67 = arith.constant 0 : i32
    %dma_start3A_68 = tpu.memref_slice %arg3[%dma_start3A_66, %dma_start3A_67] : memref<100000x128xf32, #tpu.memory_space<hbm>> -> memref<100000x128xf32, #tpu.memory_space<hbm>>
    tpu.enqueue_indirect_dma source(%dma_start3A_68 : memref<100000x128xf32, #tpu.memory_space<hbm>>) target(%dma_start3A_63 : memref<40x128xf32, #tpu.memory_space<vmem>>) offsets(%dma_start3A_65 : memref<40xi32, #tpu.memory_space<vmem>>) semaphore(%arg14 : memref<!tpu.dma_semaphore, #tpu.memory_space<semaphore_mem>>)
    %dma_start3A_69 = arith.constant 160 : i32
    %dma_start3A_70 = tpu.memref_slice %arg10[%dma_start3A_69] : memref<200xf32, #tpu.memory_space<vmem>> -> memref<40xf32, #tpu.memory_space<vmem>>
    %dma_start3A_71 = arith.constant 160 : i32
    %dma_start3A_72 = tpu.memref_slice %arg6[%dma_start3A_71] : memref<25600xi32, #tpu.memory_space<vmem>> -> memref<40xi32, #tpu.memory_space<vmem>>
    %dma_start3A_73 = arith.constant 0 : i32
    %dma_start3A_74 = tpu.memref_slice %arg4[%dma_start3A_73] : memref<100000xf32, #tpu.memory_space<hbm>> -> memref<100000xf32, #tpu.memory_space<hbm>>
    tpu.enqueue_indirect_dma source(%dma_start3A_74 : memref<100000xf32, #tpu.memory_space<hbm>>) target(%dma_start3A_70 : memref<40xf32, #tpu.memory_space<vmem>>) offsets(%dma_start3A_72 : memref<40xi32, #tpu.memory_space<vmem>>) semaphore(%arg14 : memref<!tpu.dma_semaphore, #tpu.memory_space<semaphore_mem>>)
    %dma_start3A_75 = arith.constant 0 : i32
    %dma_start3A_76 = arith.constant 0 : i32
    %dma_start3A_77 = tpu.memref_slice %arg8[%dma_start3A_75, %dma_start3A_76] : memref<200x128xf32, #tpu.memory_space<vmem>> -> memref<40x128xf32, #tpu.memory_space<vmem>>
    %dma_start3A_78 = arith.constant 200 : i32
    %dma_start3A_79 = tpu.memref_slice %arg6[%dma_start3A_78] : memref<25600xi32, #tpu.memory_space<vmem>> -> memref<40xi32, #tpu.memory_space<vmem>>
    %dma_start3A_80 = arith.constant 0 : i32
    %dma_start3A_81 = arith.constant 0 : i32
    %dma_start3A_82 = tpu.memref_slice %arg3[%dma_start3A_80, %dma_start3A_81] : memref<100000x128xf32, #tpu.memory_space<hbm>> -> memref<100000x128xf32, #tpu.memory_space<hbm>>
    tpu.enqueue_indirect_dma source(%dma_start3A_82 : memref<100000x128xf32, #tpu.memory_space<hbm>>) target(%dma_start3A_77 : memref<40x128xf32, #tpu.memory_space<vmem>>) offsets(%dma_start3A_79 : memref<40xi32, #tpu.memory_space<vmem>>) semaphore(%arg15 : memref<!tpu.dma_semaphore, #tpu.memory_space<semaphore_mem>>)
    %dma_start3A_83 = arith.constant 0 : i32
    %dma_start3A_84 = tpu.memref_slice %arg11[%dma_start3A_83] : memref<200xf32, #tpu.memory_space<vmem>> -> memref<40xf32, #tpu.memory_space<vmem>>
    %dma_start3A_85 = arith.constant 200 : i32
    %dma_start3A_86 = tpu.memref_slice %arg6[%dma_start3A_85] : memref<25600xi32, #tpu.memory_space<vmem>> -> memref<40xi32, #tpu.memory_space<vmem>>
    %dma_start3A_87 = arith.constant 0 : i32
    %dma_start3A_88 = tpu.memref_slice %arg4[%dma_start3A_87] : memref<100000xf32, #tpu.memory_space<hbm>> -> memref<100000xf32, #tpu.memory_space<hbm>>
    tpu.enqueue_indirect_dma source(%dma_start3A_88 : memref<100000xf32, #tpu.memory_space<hbm>>) target(%dma_start3A_84 : memref<40xf32, #tpu.memory_space<vmem>>) offsets(%dma_start3A_86 : memref<40xi32, #tpu.memory_space<vmem>>) semaphore(%arg15 : memref<!tpu.dma_semaphore, #tpu.memory_space<semaphore_mem>>)
    %dma_start3A_89 = arith.constant 40 : i32
    %dma_start3A_90 = arith.constant 0 : i32
    %dma_start3A_91 = tpu.memref_slice %arg8[%dma_start3A_89, %dma_start3A_90] : memref<200x128xf32, #tpu.memory_space<vmem>> -> memref<40x128xf32, #tpu.memory_space<vmem>>
    %dma_start3A_92 = arith.constant 240 : i32
    %dma_start3A_93 = tpu.memref_slice %arg6[%dma_start3A_92] : memref<25600xi32, #tpu.memory_space<vmem>> -> memref<40xi32, #tpu.memory_space<vmem>>
    %dma_start3A_94 = arith.constant 0 : i32
    %dma_start3A_95 = arith.constant 0 : i32
    %dma_start3A_96 = tpu.memref_slice %arg3[%dma_start3A_94, %dma_start3A_95] : memref<100000x128xf32, #tpu.memory_space<hbm>> -> memref<100000x128xf32, #tpu.memory_space<hbm>>
    tpu.enqueue_indirect_dma source(%dma_start3A_96 : memref<100000x128xf32, #tpu.memory_space<hbm>>) target(%dma_start3A_91 : memref<40x128xf32, #tpu.memory_space<vmem>>) offsets(%dma_start3A_93 : memref<40xi32, #tpu.memory_space<vmem>>) semaphore(%arg15 : memref<!tpu.dma_semaphore, #tpu.memory_space<semaphore_mem>>)
    %dma_start3A_97 = arith.constant 40 : i32
    %dma_start3A_98 = tpu.memref_slice %arg11[%dma_start3A_97] : memref<200xf32, #tpu.memory_space<vmem>> -> memref<40xf32, #tpu.memory_space<vmem>>
    %dma_start3A_99 = arith.constant 240 : i32
    %dma_start3A_100 = tpu.memref_slice %arg6[%dma_start3A_99] : memref<25600xi32, #tpu.memory_space<vmem>> -> memref<40xi32, #tpu.memory_space<vmem>>
    %dma_start3A_101 = arith.constant 0 : i32
    %dma_start3A_102 = tpu.memref_slice %arg4[%dma_start3A_101] : memref<100000xf32, #tpu.memory_space<hbm>> -> memref<100000xf32, #tpu.memory_space<hbm>>
    tpu.enqueue_indirect_dma source(%dma_start3A_102 : memref<100000xf32, #tpu.memory_space<hbm>>) target(%dma_start3A_98 : memref<40xf32, #tpu.memory_space<vmem>>) offsets(%dma_start3A_100 : memref<40xi32, #tpu.memory_space<vmem>>) semaphore(%arg15 : memref<!tpu.dma_semaphore, #tpu.memory_space<semaphore_mem>>)
    %dma_start3A_103 = arith.constant 80 : i32
    %dma_start3A_104 = arith.constant 0 : i32
    %dma_start3A_105 = tpu.memref_slice %arg8[%dma_start3A_103, %dma_start3A_104] : memref<200x128xf32, #tpu.memory_space<vmem>> -> memref<40x128xf32, #tpu.memory_space<vmem>>
    %dma_start3A_106 = arith.constant 280 : i32
    %dma_start3A_107 = tpu.memref_slice %arg6[%dma_start3A_106] : memref<25600xi32, #tpu.memory_space<vmem>> -> memref<40xi32, #tpu.memory_space<vmem>>
    %dma_start3A_108 = arith.constant 0 : i32
    %dma_start3A_109 = arith.constant 0 : i32
    %dma_start3A_110 = tpu.memref_slice %arg3[%dma_start3A_108, %dma_start3A_109] : memref<100000x128xf32, #tpu.memory_space<hbm>> -> memref<100000x128xf32, #tpu.memory_space<hbm>>
    tpu.enqueue_indirect_dma source(%dma_start3A_110 : memref<100000x128xf32, #tpu.memory_space<hbm>>) target(%dma_start3A_105 : memref<40x128xf32, #tpu.memory_space<vmem>>) offsets(%dma_start3A_107 : memref<40xi32, #tpu.memory_space<vmem>>) semaphore(%arg15 : memref<!tpu.dma_semaphore, #tpu.memory_space<semaphore_mem>>)
    %dma_start3A_111 = arith.constant 80 : i32
    %dma_start3A_112 = tpu.memref_slice %arg11[%dma_start3A_111] : memref<200xf32, #tpu.memory_space<vmem>> -> memref<40xf32, #tpu.memory_space<vmem>>
    %dma_start3A_113 = arith.constant 280 : i32
    %dma_start3A_114 = tpu.memref_slice %arg6[%dma_start3A_113] : memref<25600xi32, #tpu.memory_space<vmem>> -> memref<40xi32, #tpu.memory_space<vmem>>
    %dma_start3A_115 = arith.constant 0 : i32
    %dma_start3A_116 = tpu.memref_slice %arg4[%dma_start3A_115] : memref<100000xf32, #tpu.memory_space<hbm>> -> memref<100000xf32, #tpu.memory_space<hbm>>
    tpu.enqueue_indirect_dma source(%dma_start3A_116 : memref<100000xf32, #tpu.memory_space<hbm>>) target(%dma_start3A_112 : memref<40xf32, #tpu.memory_space<vmem>>) offsets(%dma_start3A_114 : memref<40xi32, #tpu.memory_space<vmem>>) semaphore(%arg15 : memref<!tpu.dma_semaphore, #tpu.memory_space<semaphore_mem>>)
    %dma_start3A_117 = arith.constant 120 : i32
    %dma_start3A_118 = arith.constant 0 : i32
    %dma_start3A_119 = tpu.memref_slice %arg8[%dma_start3A_117, %dma_start3A_118] : memref<200x128xf32, #tpu.memory_space<vmem>> -> memref<40x128xf32, #tpu.memory_space<vmem>>
    %dma_start3A_120 = arith.constant 320 : i32
    %dma_start3A_121 = tpu.memref_slice %arg6[%dma_start3A_120] : memref<25600xi32, #tpu.memory_space<vmem>> -> memref<40xi32, #tpu.memory_space<vmem>>
    %dma_start3A_122 = arith.constant 0 : i32
    %dma_start3A_123 = arith.constant 0 : i32
    %dma_start3A_124 = tpu.memref_slice %arg3[%dma_start3A_122, %dma_start3A_123] : memref<100000x128xf32, #tpu.memory_space<hbm>> -> memref<100000x128xf32, #tpu.memory_space<hbm>>
    tpu.enqueue_indirect_dma source(%dma_start3A_124 : memref<100000x128xf32, #tpu.memory_space<hbm>>) target(%dma_start3A_119 : memref<40x128xf32, #tpu.memory_space<vmem>>) offsets(%dma_start3A_121 : memref<40xi32, #tpu.memory_space<vmem>>) semaphore(%arg15 : memref<!tpu.dma_semaphore, #tpu.memory_space<semaphore_mem>>)
    %dma_start3A_125 = arith.constant 120 : i32
    %dma_start3A_126 = tpu.memref_slice %arg11[%dma_start3A_125] : memref<200xf32, #tpu.memory_space<vmem>> -> memref<40xf32, #tpu.memory_space<vmem>>
    %dma_start3A_127 = arith.constant 320 : i32
    %dma_start3A_128 = tpu.memref_slice %arg6[%dma_start3A_127] : memref<25600xi32, #tpu.memory_space<vmem>> -> memref<40xi32, #tpu.memory_space<vmem>>
    %dma_start3A_129 = arith.constant 0 : i32
    %dma_start3A_130 = tpu.memref_slice %arg4[%dma_start3A_129] : memref<100000xf32, #tpu.memory_space<hbm>> -> memref<100000xf32, #tpu.memory_space<hbm>>
    tpu.enqueue_indirect_dma source(%dma_start3A_130 : memref<100000xf32, #tpu.memory_space<hbm>>) target(%dma_start3A_126 : memref<40xf32, #tpu.memory_space<vmem>>) offsets(%dma_start3A_128 : memref<40xi32, #tpu.memory_space<vmem>>) semaphore(%arg15 : memref<!tpu.dma_semaphore, #tpu.memory_space<semaphore_mem>>)
    %dma_start3A_131 = arith.constant 160 : i32
    %dma_start3A_132 = arith.constant 0 : i32
    %dma_start3A_133 = tpu.memref_slice %arg8[%dma_start3A_131, %dma_start3A_132] : memref<200x128xf32, #tpu.memory_space<vmem>> -> memref<40x128xf32, #tpu.memory_space<vmem>>
    %dma_start3A_134 = arith.constant 360 : i32
    %dma_start3A_135 = tpu.memref_slice %arg6[%dma_start3A_134] : memref<25600xi32, #tpu.memory_space<vmem>> -> memref<40xi32, #tpu.memory_space<vmem>>
    %dma_start3A_136 = arith.constant 0 : i32
    %dma_start3A_137 = arith.constant 0 : i32
    %dma_start3A_138 = tpu.memref_slice %arg3[%dma_start3A_136, %dma_start3A_137] : memref<100000x128xf32, #tpu.memory_space<hbm>> -> memref<100000x128xf32, #tpu.memory_space<hbm>>
    tpu.enqueue_indirect_dma source(%dma_start3A_138 : memref<100000x128xf32, #tpu.memory_space<hbm>>) target(%dma_start3A_133 : memref<40x128xf32, #tpu.memory_space<vmem>>) offsets(%dma_start3A_135 : memref<40xi32, #tpu.memory_space<vmem>>) semaphore(%arg15 : memref<!tpu.dma_semaphore, #tpu.memory_space<semaphore_mem>>)
    %dma_start3A_139 = arith.constant 160 : i32
    %dma_start3A_140 = tpu.memref_slice %arg11[%dma_start3A_139] : memref<200xf32, #tpu.memory_space<vmem>> -> memref<40xf32, #tpu.memory_space<vmem>>
    %dma_start3A_141 = arith.constant 360 : i32
    %dma_start3A_142 = tpu.memref_slice %arg6[%dma_start3A_141] : memref<25600xi32, #tpu.memory_space<vmem>> -> memref<40xi32, #tpu.memory_space<vmem>>
    %dma_start3A_143 = arith.constant 0 : i32
    %dma_start3A_144 = tpu.memref_slice %arg4[%dma_start3A_143] : memref<100000xf32, #tpu.memory_space<hbm>> -> memref<100000xf32, #tpu.memory_space<hbm>>
    tpu.enqueue_indirect_dma source(%dma_start3A_144 : memref<100000xf32, #tpu.memory_space<hbm>>) target(%dma_start3A_140 : memref<40xf32, #tpu.memory_space<vmem>>) offsets(%dma_start3A_142 : memref<40xi32, #tpu.memory_space<vmem>>) semaphore(%arg15 : memref<!tpu.dma_semaphore, #tpu.memory_space<semaphore_mem>>)
    %dma_start3A_145 = arith.constant 0 : i32
    %dma_start3A_146 = arith.constant 0 : i32
    %dma_start3A_147 = tpu.memref_slice %arg9[%dma_start3A_145, %dma_start3A_146] : memref<200x128xf32, #tpu.memory_space<vmem>> -> memref<40x128xf32, #tpu.memory_space<vmem>>
    %dma_start3A_148 = arith.constant 400 : i32
    %dma_start3A_149 = tpu.memref_slice %arg6[%dma_start3A_148] : memref<25600xi32, #tpu.memory_space<vmem>> -> memref<40xi32, #tpu.memory_space<vmem>>
    %dma_start3A_150 = arith.constant 0 : i32
    %dma_start3A_151 = arith.constant 0 : i32
    %dma_start3A_152 = tpu.memref_slice %arg3[%dma_start3A_150, %dma_start3A_151] : memref<100000x128xf32, #tpu.memory_space<hbm>> -> memref<100000x128xf32, #tpu.memory_space<hbm>>
    tpu.enqueue_indirect_dma source(%dma_start3A_152 : memref<100000x128xf32, #tpu.memory_space<hbm>>) target(%dma_start3A_147 : memref<40x128xf32, #tpu.memory_space<vmem>>) offsets(%dma_start3A_149 : memref<40xi32, #tpu.memory_space<vmem>>) semaphore(%arg16 : memref<!tpu.dma_semaphore, #tpu.memory_space<semaphore_mem>>)
    %dma_start3A_153 = arith.constant 0 : i32
    %dma_start3A_154 = tpu.memref_slice %arg12[%dma_start3A_153] : memref<200xf32, #tpu.memory_space<vmem>> -> memref<40xf32, #tpu.memory_space<vmem>>
    %dma_start3A_155 = arith.constant 400 : i32
    %dma_start3A_156 = tpu.memref_slice %arg6[%dma_start3A_155] : memref<25600xi32, #tpu.memory_space<vmem>> -> memref<40xi32, #tpu.memory_space<vmem>>
    %dma_start3A_157 = arith.constant 0 : i32
    %dma_start3A_158 = tpu.memref_slice %arg4[%dma_start3A_157] : memref<100000xf32, #tpu.memory_space<hbm>> -> memref<100000xf32, #tpu.memory_space<hbm>>
    tpu.enqueue_indirect_dma source(%dma_start3A_158 : memref<100000xf32, #tpu.memory_space<hbm>>) target(%dma_start3A_154 : memref<40xf32, #tpu.memory_space<vmem>>) offsets(%dma_start3A_156 : memref<40xi32, #tpu.memory_space<vmem>>) semaphore(%arg16 : memref<!tpu.dma_semaphore, #tpu.memory_space<semaphore_mem>>)
    %dma_start3A_159 = arith.constant 40 : i32
    %dma_start3A_160 = arith.constant 0 : i32
    %dma_start3A_161 = tpu.memref_slice %arg9[%dma_start3A_159, %dma_start3A_160] : memref<200x128xf32, #tpu.memory_space<vmem>> -> memref<40x128xf32, #tpu.memory_space<vmem>>
    %dma_start3A_162 = arith.constant 440 : i32
    %dma_start3A_163 = tpu.memref_slice %arg6[%dma_start3A_162] : memref<25600xi32, #tpu.memory_space<vmem>> -> memref<40xi32, #tpu.memory_space<vmem>>
    %dma_start3A_164 = arith.constant 0 : i32
    %dma_start3A_165 = arith.constant 0 : i32
    %dma_start3A_166 = tpu.memref_slice %arg3[%dma_start3A_164, %dma_start3A_165] : memref<100000x128xf32, #tpu.memory_space<hbm>> -> memref<100000x128xf32, #tpu.memory_space<hbm>>
    tpu.enqueue_indirect_dma source(%dma_start3A_166 : memref<100000x128xf32, #tpu.memory_space<hbm>>) target(%dma_start3A_161 : memref<40x128xf32, #tpu.memory_space<vmem>>) offsets(%dma_start3A_163 : memref<40xi32, #tpu.memory_space<vmem>>) semaphore(%arg16 : memref<!tpu.dma_semaphore, #tpu.memory_space<semaphore_mem>>)
    %dma_start3A_167 = arith.constant 40 : i32
    %dma_start3A_168 = tpu.memref_slice %arg12[%dma_start3A_167] : memref<200xf32, #tpu.memory_space<vmem>> -> memref<40xf32, #tpu.memory_space<vmem>>
    %dma_start3A_169 = arith.constant 440 : i32
    %dma_start3A_170 = tpu.memref_slice %arg6[%dma_start3A_169] : memref<25600xi32, #tpu.memory_space<vmem>> -> memref<40xi32, #tpu.memory_space<vmem>>
    %dma_start3A_171 = arith.constant 0 : i32
    %dma_start3A_172 = tpu.memref_slice %arg4[%dma_start3A_171] : memref<100000xf32, #tpu.memory_space<hbm>> -> memref<100000xf32, #tpu.memory_space<hbm>>
    tpu.enqueue_indirect_dma source(%dma_start3A_172 : memref<100000xf32, #tpu.memory_space<hbm>>) target(%dma_start3A_168 : memref<40xf32, #tpu.memory_space<vmem>>) offsets(%dma_start3A_170 : memref<40xi32, #tpu.memory_space<vmem>>) semaphore(%arg16 : memref<!tpu.dma_semaphore, #tpu.memory_space<semaphore_mem>>)
    %dma_start3A_173 = arith.constant 80 : i32
    %dma_start3A_174 = arith.constant 0 : i32
    %dma_start3A_175 = tpu.memref_slice %arg9[%dma_start3A_173, %dma_start3A_174] : memref<200x128xf32, #tpu.memory_space<vmem>> -> memref<40x128xf32, #tpu.memory_space<vmem>>
    %dma_start3A_176 = arith.constant 480 : i32
    %dma_start3A_177 = tpu.memref_slice %arg6[%dma_start3A_176] : memref<25600xi32, #tpu.memory_space<vmem>> -> memref<40xi32, #tpu.memory_space<vmem>>
    %dma_start3A_178 = arith.constant 0 : i32
    %dma_start3A_179 = arith.constant 0 : i32
    %dma_start3A_180 = tpu.memref_slice %arg3[%dma_start3A_178, %dma_start3A_179] : memref<100000x128xf32, #tpu.memory_space<hbm>> -> memref<100000x128xf32, #tpu.memory_space<hbm>>
    tpu.enqueue_indirect_dma source(%dma_start3A_180 : memref<100000x128xf32, #tpu.memory_space<hbm>>) target(%dma_start3A_175 : memref<40x128xf32, #tpu.memory_space<vmem>>) offsets(%dma_start3A_177 : memref<40xi32, #tpu.memory_space<vmem>>) semaphore(%arg16 : memref<!tpu.dma_semaphore, #tpu.memory_space<semaphore_mem>>)
    %dma_start3A_181 = arith.constant 80 : i32
    %dma_start3A_182 = tpu.memref_slice %arg12[%dma_start3A_181] : memref<200xf32, #tpu.memory_space<vmem>> -> memref<40xf32, #tpu.memory_space<vmem>>
    %dma_start3A_183 = arith.constant 480 : i32
    %dma_start3A_184 = tpu.memref_slice %arg6[%dma_start3A_183] : memref<25600xi32, #tpu.memory_space<vmem>> -> memref<40xi32, #tpu.memory_space<vmem>>
    %dma_start3A_185 = arith.constant 0 : i32
    %dma_start3A_186 = tpu.memref_slice %arg4[%dma_start3A_185] : memref<100000xf32, #tpu.memory_space<hbm>> -> memref<100000xf32, #tpu.memory_space<hbm>>
    tpu.enqueue_indirect_dma source(%dma_start3A_186 : memref<100000xf32, #tpu.memory_space<hbm>>) target(%dma_start3A_182 : memref<40xf32, #tpu.memory_space<vmem>>) offsets(%dma_start3A_184 : memref<40xi32, #tpu.memory_space<vmem>>) semaphore(%arg16 : memref<!tpu.dma_semaphore, #tpu.memory_space<semaphore_mem>>)
    %dma_start3A_187 = arith.constant 120 : i32
    %dma_start3A_188 = arith.constant 0 : i32
    %dma_start3A_189 = tpu.memref_slice %arg9[%dma_start3A_187, %dma_start3A_188] : memref<200x128xf32, #tpu.memory_space<vmem>> -> memref<40x128xf32, #tpu.memory_space<vmem>>
    %dma_start3A_190 = arith.constant 520 : i32
    %dma_start3A_191 = tpu.memref_slice %arg6[%dma_start3A_190] : memref<25600xi32, #tpu.memory_space<vmem>> -> memref<40xi32, #tpu.memory_space<vmem>>
    %dma_start3A_192 = arith.constant 0 : i32
    %dma_start3A_193 = arith.constant 0 : i32
    %dma_start3A_194 = tpu.memref_slice %arg3[%dma_start3A_192, %dma_start3A_193] : memref<100000x128xf32, #tpu.memory_space<hbm>> -> memref<100000x128xf32, #tpu.memory_space<hbm>>
    tpu.enqueue_indirect_dma source(%dma_start3A_194 : memref<100000x128xf32, #tpu.memory_space<hbm>>) target(%dma_start3A_189 : memref<40x128xf32, #tpu.memory_space<vmem>>) offsets(%dma_start3A_191 : memref<40xi32, #tpu.memory_space<vmem>>) semaphore(%arg16 : memref<!tpu.dma_semaphore, #tpu.memory_space<semaphore_mem>>)
    %dma_start3A_195 = arith.constant 120 : i32
    %dma_start3A_196 = tpu.memref_slice %arg12[%dma_start3A_195] : memref<200xf32, #tpu.memory_space<vmem>> -> memref<40xf32, #tpu.memory_space<vmem>>
    %dma_start3A_197 = arith.constant 520 : i32
    %dma_start3A_198 = tpu.memref_slice %arg6[%dma_start3A_197] : memref<25600xi32, #tpu.memory_space<vmem>> -> memref<40xi32, #tpu.memory_space<vmem>>
    %dma_start3A_199 = arith.constant 0 : i32
    %dma_start3A_200 = tpu.memref_slice %arg4[%dma_start3A_199] : memref<100000xf32, #tpu.memory_space<hbm>> -> memref<100000xf32, #tpu.memory_space<hbm>>
    tpu.enqueue_indirect_dma source(%dma_start3A_200 : memref<100000xf32, #tpu.memory_space<hbm>>) target(%dma_start3A_196 : memref<40xf32, #tpu.memory_space<vmem>>) offsets(%dma_start3A_198 : memref<40xi32, #tpu.memory_space<vmem>>) semaphore(%arg16 : memref<!tpu.dma_semaphore, #tpu.memory_space<semaphore_mem>>)
    %dma_start3A_201 = arith.constant 160 : i32
    %dma_start3A_202 = arith.constant 0 : i32
    %dma_start3A_203 = tpu.memref_slice %arg9[%dma_start3A_201, %dma_start3A_202] : memref<200x128xf32, #tpu.memory_space<vmem>> -> memref<40x128xf32, #tpu.memory_space<vmem>>
    %dma_start3A_204 = arith.constant 560 : i32
    %dma_start3A_205 = tpu.memref_slice %arg6[%dma_start3A_204] : memref<25600xi32, #tpu.memory_space<vmem>> -> memref<40xi32, #tpu.memory_space<vmem>>
    %dma_start3A_206 = arith.constant 0 : i32
    %dma_start3A_207 = arith.constant 0 : i32
    %dma_start3A_208 = tpu.memref_slice %arg3[%dma_start3A_206, %dma_start3A_207] : memref<100000x128xf32, #tpu.memory_space<hbm>> -> memref<100000x128xf32, #tpu.memory_space<hbm>>
    tpu.enqueue_indirect_dma source(%dma_start3A_208 : memref<100000x128xf32, #tpu.memory_space<hbm>>) target(%dma_start3A_203 : memref<40x128xf32, #tpu.memory_space<vmem>>) offsets(%dma_start3A_205 : memref<40xi32, #tpu.memory_space<vmem>>) semaphore(%arg16 : memref<!tpu.dma_semaphore, #tpu.memory_space<semaphore_mem>>)
    %dma_start3A_209 = arith.constant 160 : i32
    %dma_start3A_210 = tpu.memref_slice %arg12[%dma_start3A_209] : memref<200xf32, #tpu.memory_space<vmem>> -> memref<40xf32, #tpu.memory_space<vmem>>
    %dma_start3A_211 = arith.constant 560 : i32
    %dma_start3A_212 = tpu.memref_slice %arg6[%dma_start3A_211] : memref<25600xi32, #tpu.memory_space<vmem>> -> memref<40xi32, #tpu.memory_space<vmem>>
    %dma_start3A_213 = arith.constant 0 : i32
    %dma_start3A_214 = tpu.memref_slice %arg4[%dma_start3A_213] : memref<100000xf32, #tpu.memory_space<hbm>> -> memref<100000xf32, #tpu.memory_space<hbm>>
    tpu.enqueue_indirect_dma source(%dma_start3A_214 : memref<100000xf32, #tpu.memory_space<hbm>>) target(%dma_start3A_210 : memref<40xf32, #tpu.memory_space<vmem>>) offsets(%dma_start3A_212 : memref<40xi32, #tpu.memory_space<vmem>>) semaphore(%arg16 : memref<!tpu.dma_semaphore, #tpu.memory_space<semaphore_mem>>)
    %scan3A = arith.constant 0 : i32
    %scan3A_215 = arith.constant 42 : i32
    %scan3A_216 = arith.addi %scan3A, %scan3A_215 : i32
    %scan3A_217 = arith.constant 1 : i32
    scf.for %scan3A_554 = %scan3A to %scan3A_216 step %scan3A_217  : i32 {
      %mul3A_555 = arith.constant 3 : i32
      %mul3A_556 = arith.muli %scan3A_554, %mul3A_555 : i32
      %add3A_557 = arith.constant 0 : i32
      %add3A_558 = arith.addi %add3A_557, %mul3A_556 : i32
      %dma_wait3A_559 = arith.constant 0 : i32
      %dma_wait3A_560 = arith.constant 0 : i32
      %dma_wait3A_561 = tpu.memref_slice %arg7[%dma_wait3A_559, %dma_wait3A_560] : memref<200x128xf32, #tpu.memory_space<vmem>> -> memref<40x128xf32, #tpu.memory_space<vmem>>
      %dma_wait3A_562 = arith.constant 0 : i32
      %dma_wait3A_563 = tpu.memref_slice %arg6[%dma_wait3A_562] : memref<25600xi32, #tpu.memory_space<vmem>> -> memref<40xi32, #tpu.memory_space<vmem>>
      %dma_wait3A_564 = arith.constant 0 : i32
      %dma_wait3A_565 = arith.constant 0 : i32
      %dma_wait3A_566 = tpu.memref_slice %arg3[%dma_wait3A_564, %dma_wait3A_565] : memref<100000x128xf32, #tpu.memory_space<hbm>> -> memref<100000x128xf32, #tpu.memory_space<hbm>>
      tpu.wait_indirect_dma semaphore(%arg14 : memref<!tpu.dma_semaphore, #tpu.memory_space<semaphore_mem>>) src(%dma_wait3A_566 : memref<100000x128xf32, #tpu.memory_space<hbm>>) dst(%dma_wait3A_561 : memref<40x128xf32, #tpu.memory_space<vmem>>)
      %dma_wait3A_567 = arith.constant 0 : i32
      %dma_wait3A_568 = tpu.memref_slice %arg10[%dma_wait3A_567] : memref<200xf32, #tpu.memory_space<vmem>> -> memref<40xf32, #tpu.memory_space<vmem>>
      %dma_wait3A_569 = arith.constant 0 : i32
      %dma_wait3A_570 = tpu.memref_slice %arg6[%dma_wait3A_569] : memref<25600xi32, #tpu.memory_space<vmem>> -> memref<40xi32, #tpu.memory_space<vmem>>
      %dma_wait3A_571 = arith.constant 0 : i32
      %dma_wait3A_572 = tpu.memref_slice %arg4[%dma_wait3A_571] : memref<100000xf32, #tpu.memory_space<hbm>> -> memref<100000xf32, #tpu.memory_space<hbm>>
      tpu.wait_indirect_dma semaphore(%arg14 : memref<!tpu.dma_semaphore, #tpu.memory_space<semaphore_mem>>) src(%dma_wait3A_572 : memref<100000xf32, #tpu.memory_space<hbm>>) dst(%dma_wait3A_568 : memref<40xf32, #tpu.memory_space<vmem>>)
      %dma_wait3A_573 = arith.constant 40 : i32
      %dma_wait3A_574 = arith.constant 0 : i32
      %dma_wait3A_575 = tpu.memref_slice %arg7[%dma_wait3A_573, %dma_wait3A_574] : memref<200x128xf32, #tpu.memory_space<vmem>> -> memref<40x128xf32, #tpu.memory_space<vmem>>
      %dma_wait3A_576 = arith.constant 40 : i32
      %dma_wait3A_577 = tpu.memref_slice %arg6[%dma_wait3A_576] : memref<25600xi32, #tpu.memory_space<vmem>> -> memref<40xi32, #tpu.memory_space<vmem>>
      %dma_wait3A_578 = arith.constant 0 : i32
      %dma_wait3A_579 = arith.constant 0 : i32
      %dma_wait3A_580 = tpu.memref_slice %arg3[%dma_wait3A_578, %dma_wait3A_579] : memref<100000x128xf32, #tpu.memory_space<hbm>> -> memref<100000x128xf32, #tpu.memory_space<hbm>>
      tpu.wait_indirect_dma semaphore(%arg14 : memref<!tpu.dma_semaphore, #tpu.memory_space<semaphore_mem>>) src(%dma_wait3A_580 : memref<100000x128xf32, #tpu.memory_space<hbm>>) dst(%dma_wait3A_575 : memref<40x128xf32, #tpu.memory_space<vmem>>)
      %dma_wait3A_581 = arith.constant 40 : i32
      %dma_wait3A_582 = tpu.memref_slice %arg10[%dma_wait3A_581] : memref<200xf32, #tpu.memory_space<vmem>> -> memref<40xf32, #tpu.memory_space<vmem>>
      %dma_wait3A_583 = arith.constant 40 : i32
      %dma_wait3A_584 = tpu.memref_slice %arg6[%dma_wait3A_583] : memref<25600xi32, #tpu.memory_space<vmem>> -> memref<40xi32, #tpu.memory_space<vmem>>
      %dma_wait3A_585 = arith.constant 0 : i32
      %dma_wait3A_586 = tpu.memref_slice %arg4[%dma_wait3A_585] : memref<100000xf32, #tpu.memory_space<hbm>> -> memref<100000xf32, #tpu.memory_space<hbm>>
      tpu.wait_indirect_dma semaphore(%arg14 : memref<!tpu.dma_semaphore, #tpu.memory_space<semaphore_mem>>) src(%dma_wait3A_586 : memref<100000xf32, #tpu.memory_space<hbm>>) dst(%dma_wait3A_582 : memref<40xf32, #tpu.memory_space<vmem>>)
      %dma_wait3A_587 = arith.constant 80 : i32
      %dma_wait3A_588 = arith.constant 0 : i32
      %dma_wait3A_589 = tpu.memref_slice %arg7[%dma_wait3A_587, %dma_wait3A_588] : memref<200x128xf32, #tpu.memory_space<vmem>> -> memref<40x128xf32, #tpu.memory_space<vmem>>
      %dma_wait3A_590 = arith.constant 80 : i32
      %dma_wait3A_591 = tpu.memref_slice %arg6[%dma_wait3A_590] : memref<25600xi32, #tpu.memory_space<vmem>> -> memref<40xi32, #tpu.memory_space<vmem>>
      %dma_wait3A_592 = arith.constant 0 : i32
      %dma_wait3A_593 = arith.constant 0 : i32
      %dma_wait3A_594 = tpu.memref_slice %arg3[%dma_wait3A_592, %dma_wait3A_593] : memref<100000x128xf32, #tpu.memory_space<hbm>> -> memref<100000x128xf32, #tpu.memory_space<hbm>>
      tpu.wait_indirect_dma semaphore(%arg14 : memref<!tpu.dma_semaphore, #tpu.memory_space<semaphore_mem>>) src(%dma_wait3A_594 : memref<100000x128xf32, #tpu.memory_space<hbm>>) dst(%dma_wait3A_589 : memref<40x128xf32, #tpu.memory_space<vmem>>)
      %dma_wait3A_595 = arith.constant 80 : i32
      %dma_wait3A_596 = tpu.memref_slice %arg10[%dma_wait3A_595] : memref<200xf32, #tpu.memory_space<vmem>> -> memref<40xf32, #tpu.memory_space<vmem>>
      %dma_wait3A_597 = arith.constant 80 : i32
      %dma_wait3A_598 = tpu.memref_slice %arg6[%dma_wait3A_597] : memref<25600xi32, #tpu.memory_space<vmem>> -> memref<40xi32, #tpu.memory_space<vmem>>
      %dma_wait3A_599 = arith.constant 0 : i32
      %dma_wait3A_600 = tpu.memref_slice %arg4[%dma_wait3A_599] : memref<100000xf32, #tpu.memory_space<hbm>> -> memref<100000xf32, #tpu.memory_space<hbm>>
      tpu.wait_indirect_dma semaphore(%arg14 : memref<!tpu.dma_semaphore, #tpu.memory_space<semaphore_mem>>) src(%dma_wait3A_600 : memref<100000xf32, #tpu.memory_space<hbm>>) dst(%dma_wait3A_596 : memref<40xf32, #tpu.memory_space<vmem>>)
      %dma_wait3A_601 = arith.constant 120 : i32
      %dma_wait3A_602 = arith.constant 0 : i32
      %dma_wait3A_603 = tpu.memref_slice %arg7[%dma_wait3A_601, %dma_wait3A_602] : memref<200x128xf32, #tpu.memory_space<vmem>> -> memref<40x128xf32, #tpu.memory_space<vmem>>
      %dma_wait3A_604 = arith.constant 120 : i32
      %dma_wait3A_605 = tpu.memref_slice %arg6[%dma_wait3A_604] : memref<25600xi32, #tpu.memory_space<vmem>> -> memref<40xi32, #tpu.memory_space<vmem>>
      %dma_wait3A_606 = arith.constant 0 : i32
      %dma_wait3A_607 = arith.constant 0 : i32
      %dma_wait3A_608 = tpu.memref_slice %arg3[%dma_wait3A_606, %dma_wait3A_607] : memref<100000x128xf32, #tpu.memory_space<hbm>> -> memref<100000x128xf32, #tpu.memory_space<hbm>>
      tpu.wait_indirect_dma semaphore(%arg14 : memref<!tpu.dma_semaphore, #tpu.memory_space<semaphore_mem>>) src(%dma_wait3A_608 : memref<100000x128xf32, #tpu.memory_space<hbm>>) dst(%dma_wait3A_603 : memref<40x128xf32, #tpu.memory_space<vmem>>)
      %dma_wait3A_609 = arith.constant 120 : i32
      %dma_wait3A_610 = tpu.memref_slice %arg10[%dma_wait3A_609] : memref<200xf32, #tpu.memory_space<vmem>> -> memref<40xf32, #tpu.memory_space<vmem>>
      %dma_wait3A_611 = arith.constant 120 : i32
      %dma_wait3A_612 = tpu.memref_slice %arg6[%dma_wait3A_611] : memref<25600xi32, #tpu.memory_space<vmem>> -> memref<40xi32, #tpu.memory_space<vmem>>
      %dma_wait3A_613 = arith.constant 0 : i32
      %dma_wait3A_614 = tpu.memref_slice %arg4[%dma_wait3A_613] : memref<100000xf32, #tpu.memory_space<hbm>> -> memref<100000xf32, #tpu.memory_space<hbm>>
      tpu.wait_indirect_dma semaphore(%arg14 : memref<!tpu.dma_semaphore, #tpu.memory_space<semaphore_mem>>) src(%dma_wait3A_614 : memref<100000xf32, #tpu.memory_space<hbm>>) dst(%dma_wait3A_610 : memref<40xf32, #tpu.memory_space<vmem>>)
      %dma_wait3A_615 = arith.constant 160 : i32
      %dma_wait3A_616 = arith.constant 0 : i32
      %dma_wait3A_617 = tpu.memref_slice %arg7[%dma_wait3A_615, %dma_wait3A_616] : memref<200x128xf32, #tpu.memory_space<vmem>> -> memref<40x128xf32, #tpu.memory_space<vmem>>
      %dma_wait3A_618 = arith.constant 160 : i32
      %dma_wait3A_619 = tpu.memref_slice %arg6[%dma_wait3A_618] : memref<25600xi32, #tpu.memory_space<vmem>> -> memref<40xi32, #tpu.memory_space<vmem>>
      %dma_wait3A_620 = arith.constant 0 : i32
      %dma_wait3A_621 = arith.constant 0 : i32
      %dma_wait3A_622 = tpu.memref_slice %arg3[%dma_wait3A_620, %dma_wait3A_621] : memref<100000x128xf32, #tpu.memory_space<hbm>> -> memref<100000x128xf32, #tpu.memory_space<hbm>>
      tpu.wait_indirect_dma semaphore(%arg14 : memref<!tpu.dma_semaphore, #tpu.memory_space<semaphore_mem>>) src(%dma_wait3A_622 : memref<100000x128xf32, #tpu.memory_space<hbm>>) dst(%dma_wait3A_617 : memref<40x128xf32, #tpu.memory_space<vmem>>)
      %dma_wait3A_623 = arith.constant 160 : i32
      %dma_wait3A_624 = tpu.memref_slice %arg10[%dma_wait3A_623] : memref<200xf32, #tpu.memory_space<vmem>> -> memref<40xf32, #tpu.memory_space<vmem>>
      %dma_wait3A_625 = arith.constant 160 : i32
      %dma_wait3A_626 = tpu.memref_slice %arg6[%dma_wait3A_625] : memref<25600xi32, #tpu.memory_space<vmem>> -> memref<40xi32, #tpu.memory_space<vmem>>
      %dma_wait3A_627 = arith.constant 0 : i32
      %dma_wait3A_628 = tpu.memref_slice %arg4[%dma_wait3A_627] : memref<100000xf32, #tpu.memory_space<hbm>> -> memref<100000xf32, #tpu.memory_space<hbm>>
      tpu.wait_indirect_dma semaphore(%arg14 : memref<!tpu.dma_semaphore, #tpu.memory_space<semaphore_mem>>) src(%dma_wait3A_628 : memref<100000xf32, #tpu.memory_space<hbm>>) dst(%dma_wait3A_624 : memref<40xf32, #tpu.memory_space<vmem>>)
      %add3A_629 = arith.constant 0 : i32
      %add3A_630 = arith.addi %add3A_558, %add3A_629 : i32
      %scan3A_631 = arith.constant 0 : i32
      %scan3A_632 = arith.constant 200 : i32
      %scan3A_633 = arith.addi %scan3A_631, %scan3A_632 : i32
      %scan3A_634 = arith.constant 2 : i32
      %scan3A_635:8 = scf.for %scan3A_1081 = %scan3A_631 to %scan3A_633 step %scan3A_634 iter_args(%scan3A_1082 = %broadcast_in_dim3A_5, %scan3A_1083 = %broadcast_in_dim3A_5, %scan3A_1084 = %broadcast_in_dim3A_5, %scan3A_1085 = %broadcast_in_dim3A_5, %scan3A_1086 = %broadcast_in_dim3A_5, %scan3A_1087 = %broadcast_in_dim3A_5, %scan3A_1088 = %broadcast_in_dim3A_5, %scan3A_1089 = %broadcast_in_dim3A_5) -> (vector<16xf32>, vector<16xf32>, vector<16xf32>, vector<16xf32>, vector<16xf32>, vector<16xf32>, vector<16xf32>, vector<16xf32>)  : i32 {
        %broadcast_in_dim3A_1090 = vector.broadcast %scan3A_1081 : i32 to vector<16xi32>
        %gather3A_1091 = tpu.vector_load_idx %arg10[%broadcast_in_dim3A_1090] : memref<200xf32, #tpu.memory_space<vmem>>[vector<16xi32>], vector<16xf32>,
        %get3A_1092 = arith.index_cast %scan3A_1081 : i32 to index
        %get3A_1093 = arith.constant 0 : index
        %get3A_1094 = tpu.vector_load %arg7[%get3A_1092, %get3A_1093] {strides = array<i32>} : memref<200x128xf32, #tpu.memory_space<vmem>>, vector<16xf32>,
        %mul3A_1095 = arith.mulf %gather3A_1091, %get3A_1094 : vector<16xf32>
        %add3A_1096 = arith.addf %scan3A_1082, %mul3A_1095 : vector<16xf32>
        %get3A_1097 = arith.index_cast %scan3A_1081 : i32 to index
        %get3A_1098 = arith.constant 16 : index
        %get3A_1099 = tpu.vector_load %arg7[%get3A_1097, %get3A_1098] {strides = array<i32>} : memref<200x128xf32, #tpu.memory_space<vmem>>, vector<16xf32>,
        %mul3A_1100 = arith.mulf %gather3A_1091, %get3A_1099 : vector<16xf32>
        %add3A_1101 = arith.addf %scan3A_1083, %mul3A_1100 : vector<16xf32>
        %get3A_1102 = arith.index_cast %scan3A_1081 : i32 to index
        %get3A_1103 = arith.constant 32 : index
        %get3A_1104 = tpu.vector_load %arg7[%get3A_1102, %get3A_1103] {strides = array<i32>} : memref<200x128xf32, #tpu.memory_space<vmem>>, vector<16xf32>,
        %mul3A_1105 = arith.mulf %gather3A_1091, %get3A_1104 : vector<16xf32>
        %add3A_1106 = arith.addf %scan3A_1084, %mul3A_1105 : vector<16xf32>
        %get3A_1107 = arith.index_cast %scan3A_1081 : i32 to index
        %get3A_1108 = arith.constant 48 : index
        %get3A_1109 = tpu.vector_load %arg7[%get3A_1107, %get3A_1108] {strides = array<i32>} : memref<200x128xf32, #tpu.memory_space<vmem>>, vector<16xf32>,
        %mul3A_1110 = arith.mulf %gather3A_1091, %get3A_1109 : vector<16xf32>
        %add3A_1111 = arith.addf %scan3A_1085, %mul3A_1110 : vector<16xf32>
        %get3A_1112 = arith.index_cast %scan3A_1081 : i32 to index
        %get3A_1113 = arith.constant 64 : index
        %get3A_1114 = tpu.vector_load %arg7[%get3A_1112, %get3A_1113] {strides = array<i32>} : memref<200x128xf32, #tpu.memory_space<vmem>>, vector<16xf32>,
        %mul3A_1115 = arith.mulf %gather3A_1091, %get3A_1114 : vector<16xf32>
        %add3A_1116 = arith.addf %scan3A_1086, %mul3A_1115 : vector<16xf32>
        %get3A_1117 = arith.index_cast %scan3A_1081 : i32 to index
        %get3A_1118 = arith.constant 80 : index
        %get3A_1119 = tpu.vector_load %arg7[%get3A_1117, %get3A_1118] {strides = array<i32>} : memref<200x128xf32, #tpu.memory_space<vmem>>, vector<16xf32>,
        %mul3A_1120 = arith.mulf %gather3A_1091, %get3A_1119 : vector<16xf32>
        %add3A_1121 = arith.addf %scan3A_1087, %mul3A_1120 : vector<16xf32>
        %get3A_1122 = arith.index_cast %scan3A_1081 : i32 to index
        %get3A_1123 = arith.constant 96 : index
        %get3A_1124 = tpu.vector_load %arg7[%get3A_1122, %get3A_1123] {strides = array<i32>} : memref<200x128xf32, #tpu.memory_space<vmem>>, vector<16xf32>,
        %mul3A_1125 = arith.mulf %gather3A_1091, %get3A_1124 : vector<16xf32>
        %add3A_1126 = arith.addf %scan3A_1088, %mul3A_1125 : vector<16xf32>
        %get3A_1127 = arith.index_cast %scan3A_1081 : i32 to index
        %get3A_1128 = arith.constant 112 : index
        %get3A_1129 = tpu.vector_load %arg7[%get3A_1127, %get3A_1128] {strides = array<i32>} : memref<200x128xf32, #tpu.memory_space<vmem>>, vector<16xf32>,
        %mul3A_1130 = arith.mulf %gather3A_1091, %get3A_1129 : vector<16xf32>
        %add3A_1131 = arith.addf %scan3A_1089, %mul3A_1130 : vector<16xf32>
        %scan3A_1132 = arith.constant 1 : i32
        %scan3A_1133 = arith.addi %scan3A_1081, %scan3A_1132 : i32
        %broadcast_in_dim3A_1134 = vector.broadcast %scan3A_1133 : i32 to vector<16xi32>
        %gather3A_1135 = tpu.vector_load_idx %arg10[%broadcast_in_dim3A_1134] : memref<200xf32, #tpu.memory_space<vmem>>[vector<16xi32>], vector<16xf32>,
        %get3A_1136 = arith.index_cast %scan3A_1133 : i32 to index
        %get3A_1137 = arith.constant 0 : index
        %get3A_1138 = tpu.vector_load %arg7[%get3A_1136, %get3A_1137] {strides = array<i32>} : memref<200x128xf32, #tpu.memory_space<vmem>>, vector<16xf32>,
        %mul3A_1139 = arith.mulf %gather3A_1135, %get3A_1138 : vector<16xf32>
        %add3A_1140 = arith.addf %add3A_1096, %mul3A_1139 : vector<16xf32>
        %get3A_1141 = arith.index_cast %scan3A_1133 : i32 to index
        %get3A_1142 = arith.constant 16 : index
        %get3A_1143 = tpu.vector_load %arg7[%get3A_1141, %get3A_1142] {strides = array<i32>} : memref<200x128xf32, #tpu.memory_space<vmem>>, vector<16xf32>,
        %mul3A_1144 = arith.mulf %gather3A_1135, %get3A_1143 : vector<16xf32>
        %add3A_1145 = arith.addf %add3A_1101, %mul3A_1144 : vector<16xf32>
        %get3A_1146 = arith.index_cast %scan3A_1133 : i32 to index
        %get3A_1147 = arith.constant 32 : index
        %get3A_1148 = tpu.vector_load %arg7[%get3A_1146, %get3A_1147] {strides = array<i32>} : memref<200x128xf32, #tpu.memory_space<vmem>>, vector<16xf32>,
        %mul3A_1149 = arith.mulf %gather3A_1135, %get3A_1148 : vector<16xf32>
        %add3A_1150 = arith.addf %add3A_1106, %mul3A_1149 : vector<16xf32>
        %get3A_1151 = arith.index_cast %scan3A_1133 : i32 to index
        %get3A_1152 = arith.constant 48 : index
        %get3A_1153 = tpu.vector_load %arg7[%get3A_1151, %get3A_1152] {strides = array<i32>} : memref<200x128xf32, #tpu.memory_space<vmem>>, vector<16xf32>,
        %mul3A_1154 = arith.mulf %gather3A_1135, %get3A_1153 : vector<16xf32>
        %add3A_1155 = arith.addf %add3A_1111, %mul3A_1154 : vector<16xf32>
        %get3A_1156 = arith.index_cast %scan3A_1133 : i32 to index
        %get3A_1157 = arith.constant 64 : index
        %get3A_1158 = tpu.vector_load %arg7[%get3A_1156, %get3A_1157] {strides = array<i32>} : memref<200x128xf32, #tpu.memory_space<vmem>>, vector<16xf32>,
        %mul3A_1159 = arith.mulf %gather3A_1135, %get3A_1158 : vector<16xf32>
        %add3A_1160 = arith.addf %add3A_1116, %mul3A_1159 : vector<16xf32>
        %get3A_1161 = arith.index_cast %scan3A_1133 : i32 to index
        %get3A_1162 = arith.constant 80 : index
        %get3A_1163 = tpu.vector_load %arg7[%get3A_1161, %get3A_1162] {strides = array<i32>} : memref<200x128xf32, #tpu.memory_space<vmem>>, vector<16xf32>,
        %mul3A_1164 = arith.mulf %gather3A_1135, %get3A_1163 : vector<16xf32>
        %add3A_1165 = arith.addf %add3A_1121, %mul3A_1164 : vector<16xf32>
        %get3A_1166 = arith.index_cast %scan3A_1133 : i32 to index
        %get3A_1167 = arith.constant 96 : index
        %get3A_1168 = tpu.vector_load %arg7[%get3A_1166, %get3A_1167] {strides = array<i32>} : memref<200x128xf32, #tpu.memory_space<vmem>>, vector<16xf32>,
        %mul3A_1169 = arith.mulf %gather3A_1135, %get3A_1168 : vector<16xf32>
        %add3A_1170 = arith.addf %add3A_1126, %mul3A_1169 : vector<16xf32>
        %get3A_1171 = arith.index_cast %scan3A_1133 : i32 to index
        %get3A_1172 = arith.constant 112 : index
        %get3A_1173 = tpu.vector_load %arg7[%get3A_1171, %get3A_1172] {strides = array<i32>} : memref<200x128xf32, #tpu.memory_space<vmem>>, vector<16xf32>,
        %mul3A_1174 = arith.mulf %gather3A_1135, %get3A_1173 : vector<16xf32>
        %add3A_1175 = arith.addf %add3A_1131, %mul3A_1174 : vector<16xf32>
        scf.yield %add3A_1140, %add3A_1145, %add3A_1150, %add3A_1155, %add3A_1160, %add3A_1165, %add3A_1170, %add3A_1175 : vector<16xf32>, vector<16xf32>, vector<16xf32>, vector<16xf32>, vector<16xf32>, vector<16xf32>, vector<16xf32>, vector<16xf32>
      }
      %scan3A_636 = arith.constant 200 : i32
      %get3A_637 = arith.constant 0 : index
      %get3A_638 = tpu.vector_load %arg10[%get3A_637] {strides = array<i32>} : memref<200xf32, #tpu.memory_space<vmem>>, vector<16xf32>,
      %add3A_639 = arith.addf %broadcast_in_dim3A_5, %get3A_638 : vector<16xf32>
      %get3A_640 = arith.constant 16 : index
      %get3A_641 = tpu.vector_load %arg10[%get3A_640] {strides = array<i32>} : memref<200xf32, #tpu.memory_space<vmem>>, vector<16xf32>,
      %add3A_642 = arith.addf %add3A_639, %get3A_641 : vector<16xf32>
      %get3A_643 = arith.constant 32 : index
      %get3A_644 = tpu.vector_load %arg10[%get3A_643] {strides = array<i32>} : memref<200xf32, #tpu.memory_space<vmem>>, vector<16xf32>,
      %add3A_645 = arith.addf %add3A_642, %get3A_644 : vector<16xf32>
      %get3A_646 = arith.constant 48 : index
      %get3A_647 = tpu.vector_load %arg10[%get3A_646] {strides = array<i32>} : memref<200xf32, #tpu.memory_space<vmem>>, vector<16xf32>,
      %add3A_648 = arith.addf %add3A_645, %get3A_647 : vector<16xf32>
      %get3A_649 = arith.constant 64 : index
      %get3A_650 = tpu.vector_load %arg10[%get3A_649] {strides = array<i32>} : memref<200xf32, #tpu.memory_space<vmem>>, vector<16xf32>,
      %add3A_651 = arith.addf %add3A_648, %get3A_650 : vector<16xf32>
      %get3A_652 = arith.constant 80 : index
      %get3A_653 = tpu.vector_load %arg10[%get3A_652] {strides = array<i32>} : memref<200xf32, #tpu.memory_space<vmem>>, vector<16xf32>,
      %add3A_654 = arith.addf %add3A_651, %get3A_653 : vector<16xf32>
      %get3A_655 = arith.constant 96 : index
      %get3A_656 = tpu.vector_load %arg10[%get3A_655] {strides = array<i32>} : memref<200xf32, #tpu.memory_space<vmem>>, vector<16xf32>,
      %add3A_657 = arith.addf %add3A_654, %get3A_656 : vector<16xf32>
      %get3A_658 = arith.constant 112 : index
      %get3A_659 = tpu.vector_load %arg10[%get3A_658] {strides = array<i32>} : memref<200xf32, #tpu.memory_space<vmem>>, vector<16xf32>,
      %add3A_660 = arith.addf %add3A_657, %get3A_659 : vector<16xf32>
      %get3A_661 = arith.constant 128 : index
      %get3A_662 = tpu.vector_load %arg10[%get3A_661] {strides = array<i32>} : memref<200xf32, #tpu.memory_space<vmem>>, vector<16xf32>,
      %add3A_663 = arith.addf %add3A_660, %get3A_662 : vector<16xf32>
      %get3A_664 = arith.constant 144 : index
      %get3A_665 = tpu.vector_load %arg10[%get3A_664] {strides = array<i32>} : memref<200xf32, #tpu.memory_space<vmem>>, vector<16xf32>,
      %add3A_666 = arith.addf %add3A_663, %get3A_665 : vector<16xf32>
      %get3A_667 = arith.constant 160 : index
      %get3A_668 = tpu.vector_load %arg10[%get3A_667] {strides = array<i32>} : memref<200xf32, #tpu.memory_space<vmem>>, vector<16xf32>,
      %add3A_669 = arith.addf %add3A_666, %get3A_668 : vector<16xf32>
      %get3A_670 = arith.constant 176 : index
      %get3A_671 = tpu.vector_load %arg10[%get3A_670] {strides = array<i32>} : memref<200xf32, #tpu.memory_space<vmem>>, vector<16xf32>,
      %add3A_672 = arith.addf %add3A_669, %get3A_671 : vector<16xf32>
      %ge3A_673 = arith.constant 8 : i32
      %ge3A_674 = vector.broadcast %ge3A_673 : i32 to vector<16xi32>
      %ge3A_675 = arith.cmpi sge, %iota3A, %ge3A_674 : vector<16xi32>
      %get3A_676 = arith.constant 184 : index
      %get3A_677 = tpu.vector_load %arg10[%get3A_676] {strides = array<i32>} : memref<200xf32, #tpu.memory_space<vmem>>, vector<16xf32>,
      %jit3A_678 = arith.constant 0.000000e+00 : f32
      %broadcast_in_dim3A_679 = vector.broadcast %jit3A_678 : f32 to vector<16xf32>
      %select_n3A_680 = arith.select %ge3A_675, %get3A_677, %broadcast_in_dim3A_679 : vector<16xi1>, vector<16xf32>
      %add3A_681 = arith.addf %add3A_672, %select_n3A_680 : vector<16xf32>
      %broadcast_in_dim3A_682 = arith.constant true
      %broadcast_in_dim3A_683 = vector.broadcast %broadcast_in_dim3A_682 : i1 to vector<16xi1>
      %masked_cumsum3A_684 = tpu.scan <sum>, %add3A_681 masked %broadcast_in_dim3A_683 : vector<16xf32>, vector<16xi1> -> vector<16xf32>
      %swap3A_685 = arith.constant 0 : index
      %swap3A_686 = tpu.vector_load %arg10[%swap3A_685] {strides = array<i32>} : memref<200xf32, #tpu.memory_space<vmem>>, vector<16xf32>,
      tpu.vector_store %arg10[%swap3A_685], %masked_cumsum3A_684 {strides = array<i32>} : memref<200xf32, #tpu.memory_space<vmem>>, vector<16xf32>,
      %broadcast_in_dim3A_687 = arith.constant 15 : i32
      %broadcast_in_dim3A_688 = vector.broadcast %broadcast_in_dim3A_687 : i32 to vector<16xi32>
      %gather3A_689 = tpu.vector_load_idx %arg10[%broadcast_in_dim3A_688] : memref<200xf32, #tpu.memory_space<vmem>>[vector<16xi32>], vector<16xf32>,
      %div3A_690 = arith.constant 1.000000e+00 : f32
      %div3A_691 = vector.broadcast %div3A_690 : f32 to vector<16xf32>
      %div3A_692 = arith.divf %div3A_691, %gather3A_689 : vector<16xf32>
      %mul3A_693 = arith.mulf %scan3A_635#0, %div3A_692 : vector<16xf32>
      %swap3A_694 = arith.index_cast %add3A_630 : i32 to index
      %swap3A_695 = arith.constant 0 : index
      %swap3A_696 = tpu.vector_load %arg13[%swap3A_694, %swap3A_695] {strides = array<i32>} : memref<128x128xf32, #tpu.memory_space<vmem>>, vector<16xf32>,
      tpu.vector_store %arg13[%swap3A_694, %swap3A_695], %mul3A_693 {strides = array<i32>} : memref<128x128xf32, #tpu.memory_space<vmem>>, vector<16xf32>,
      %mul3A_697 = arith.mulf %scan3A_635#1, %div3A_692 : vector<16xf32>
      %swap3A_698 = arith.index_cast %add3A_630 : i32 to index
      %swap3A_699 = arith.constant 16 : index
      %swap3A_700 = tpu.vector_load %arg13[%swap3A_698, %swap3A_699] {strides = array<i32>} : memref<128x128xf32, #tpu.memory_space<vmem>>, vector<16xf32>,
      tpu.vector_store %arg13[%swap3A_698, %swap3A_699], %mul3A_697 {strides = array<i32>} : memref<128x128xf32, #tpu.memory_space<vmem>>, vector<16xf32>,
      %mul3A_701 = arith.mulf %scan3A_635#2, %div3A_692 : vector<16xf32>
      %swap3A_702 = arith.index_cast %add3A_630 : i32 to index
      %swap3A_703 = arith.constant 32 : index
      %swap3A_704 = tpu.vector_load %arg13[%swap3A_702, %swap3A_703] {strides = array<i32>} : memref<128x128xf32, #tpu.memory_space<vmem>>, vector<16xf32>,
      tpu.vector_store %arg13[%swap3A_702, %swap3A_703], %mul3A_701 {strides = array<i32>} : memref<128x128xf32, #tpu.memory_space<vmem>>, vector<16xf32>,
      %mul3A_705 = arith.mulf %scan3A_635#3, %div3A_692 : vector<16xf32>
      %swap3A_706 = arith.index_cast %add3A_630 : i32 to index
      %swap3A_707 = arith.constant 48 : index
      %swap3A_708 = tpu.vector_load %arg13[%swap3A_706, %swap3A_707] {strides = array<i32>} : memref<128x128xf32, #tpu.memory_space<vmem>>, vector<16xf32>,
      tpu.vector_store %arg13[%swap3A_706, %swap3A_707], %mul3A_705 {strides = array<i32>} : memref<128x128xf32, #tpu.memory_space<vmem>>, vector<16xf32>,
      %mul3A_709 = arith.mulf %scan3A_635#4, %div3A_692 : vector<16xf32>
      %swap3A_710 = arith.index_cast %add3A_630 : i32 to index
      %swap3A_711 = arith.constant 64 : index
      %swap3A_712 = tpu.vector_load %arg13[%swap3A_710, %swap3A_711] {strides = array<i32>} : memref<128x128xf32, #tpu.memory_space<vmem>>, vector<16xf32>,
      tpu.vector_store %arg13[%swap3A_710, %swap3A_711], %mul3A_709 {strides = array<i32>} : memref<128x128xf32, #tpu.memory_space<vmem>>, vector<16xf32>,
      %mul3A_713 = arith.mulf %scan3A_635#5, %div3A_692 : vector<16xf32>
      %swap3A_714 = arith.index_cast %add3A_630 : i32 to index
      %swap3A_715 = arith.constant 80 : index
      %swap3A_716 = tpu.vector_load %arg13[%swap3A_714, %swap3A_715] {strides = array<i32>} : memref<128x128xf32, #tpu.memory_space<vmem>>, vector<16xf32>,
      tpu.vector_store %arg13[%swap3A_714, %swap3A_715], %mul3A_713 {strides = array<i32>} : memref<128x128xf32, #tpu.memory_space<vmem>>, vector<16xf32>,
      %mul3A_717 = arith.mulf %scan3A_635#6, %div3A_692 : vector<16xf32>
      %swap3A_718 = arith.index_cast %add3A_630 : i32 to index
      %swap3A_719 = arith.constant 96 : index
      %swap3A_720 = tpu.vector_load %arg13[%swap3A_718, %swap3A_719] {strides = array<i32>} : memref<128x128xf32, #tpu.memory_space<vmem>>, vector<16xf32>,
      tpu.vector_store %arg13[%swap3A_718, %swap3A_719], %mul3A_717 {strides = array<i32>} : memref<128x128xf32, #tpu.memory_space<vmem>>, vector<16xf32>,
      %mul3A_721 = arith.mulf %scan3A_635#7, %div3A_692 : vector<16xf32>
      %swap3A_722 = arith.index_cast %add3A_630 : i32 to index
      %swap3A_723 = arith.constant 112 : index
      %swap3A_724 = tpu.vector_load %arg13[%swap3A_722, %swap3A_723] {strides = array<i32>} : memref<128x128xf32, #tpu.memory_space<vmem>>, vector<16xf32>,
      tpu.vector_store %arg13[%swap3A_722, %swap3A_723], %mul3A_721 {strides = array<i32>} : memref<128x128xf32, #tpu.memory_space<vmem>>, vector<16xf32>,
      %add3A_725 = arith.constant 0 : i32
      %add3A_726 = arith.addi %add3A_558, %add3A_725 : i32
      %add3A_727 = arith.constant 3 : i32
      %add3A_728 = arith.addi %add3A_726, %add3A_727 : i32
      %lt3A = arith.constant 128 : i32
      %lt3A_729 = arith.cmpi slt, %add3A_728, %lt3A : i32
      %convert_element_type3A = arith.extui %lt3A_729 : i1 to i32
      %cond3A = arith.constant 0 : i32
      %cond3A_730 = arith.cmpi ne, %convert_element_type3A, %cond3A : i32
      scf.if %cond3A_730 {
        %add3A_1081 = arith.constant 0 : i32
        %add3A_1082 = arith.addi %add3A_558, %add3A_1081 : i32
        %add3A_1083 = arith.constant 3 : i32
        %add3A_1084 = arith.addi %add3A_1082, %add3A_1083 : i32
        %mul3A_1085 = arith.constant 200 : i32
        %mul3A_1086 = arith.muli %add3A_1084, %mul3A_1085 : i32
        %add3A_1087 = arith.constant 0 : i32
        %add3A_1088 = arith.addi %mul3A_1086, %add3A_1087 : i32
        %dma_start3A_1089 = arith.constant 0 : i32
        %dma_start3A_1090 = arith.constant 0 : i32
        %dma_start3A_1091 = tpu.memref_slice %arg7[%dma_start3A_1089, %dma_start3A_1090] : memref<200x128xf32, #tpu.memory_space<vmem>> -> memref<40x128xf32, #tpu.memory_space<vmem>>
        %dma_start3A_1092 = tpu.memref_slice %arg6[%add3A_1088] : memref<25600xi32, #tpu.memory_space<vmem>> -> memref<40xi32, #tpu.memory_space<vmem>>
        %dma_start3A_1093 = arith.constant 0 : i32
        %dma_start3A_1094 = arith.constant 0 : i32
        %dma_start3A_1095 = tpu.memref_slice %arg3[%dma_start3A_1093, %dma_start3A_1094] : memref<100000x128xf32, #tpu.memory_space<hbm>> -> memref<100000x128xf32, #tpu.memory_space<hbm>>
        tpu.enqueue_indirect_dma source(%dma_start3A_1095 : memref<100000x128xf32, #tpu.memory_space<hbm>>) target(%dma_start3A_1091 : memref<40x128xf32, #tpu.memory_space<vmem>>) offsets(%dma_start3A_1092 : memref<40xi32, #tpu.memory_space<vmem>>) semaphore(%arg14 : memref<!tpu.dma_semaphore, #tpu.memory_space<semaphore_mem>>)
        %dma_start3A_1096 = arith.constant 0 : i32
        %dma_start3A_1097 = tpu.memref_slice %arg10[%dma_start3A_1096] : memref<200xf32, #tpu.memory_space<vmem>> -> memref<40xf32, #tpu.memory_space<vmem>>
        %dma_start3A_1098 = tpu.memref_slice %arg6[%add3A_1088] : memref<25600xi32, #tpu.memory_space<vmem>> -> memref<40xi32, #tpu.memory_space<vmem>>
        %dma_start3A_1099 = arith.constant 0 : i32
        %dma_start3A_1100 = tpu.memref_slice %arg4[%dma_start3A_1099] : memref<100000xf32, #tpu.memory_space<hbm>> -> memref<100000xf32, #tpu.memory_space<hbm>>
        tpu.enqueue_indirect_dma source(%dma_start3A_1100 : memref<100000xf32, #tpu.memory_space<hbm>>) target(%dma_start3A_1097 : memref<40xf32, #tpu.memory_space<vmem>>) offsets(%dma_start3A_1098 : memref<40xi32, #tpu.memory_space<vmem>>) semaphore(%arg14 : memref<!tpu.dma_semaphore, #tpu.memory_space<semaphore_mem>>)
        %mul3A_1101 = arith.constant 200 : i32
        %mul3A_1102 = arith.muli %add3A_1084, %mul3A_1101 : i32
        %add3A_1103 = arith.constant 40 : i32
        %add3A_1104 = arith.addi %mul3A_1102, %add3A_1103 : i32
        %dma_start3A_1105 = arith.constant 40 : i32
        %dma_start3A_1106 = arith.constant 0 : i32
        %dma_start3A_1107 = tpu.memref_slice %arg7[%dma_start3A_1105, %dma_start3A_1106] : memref<200x128xf32, #tpu.memory_space<vmem>> -> memref<40x128xf32, #tpu.memory_space<vmem>>
        %dma_start3A_1108 = tpu.memref_slice %arg6[%add3A_1104] : memref<25600xi32, #tpu.memory_space<vmem>> -> memref<40xi32, #tpu.memory_space<vmem>>
        %dma_start3A_1109 = arith.constant 0 : i32
        %dma_start3A_1110 = arith.constant 0 : i32
        %dma_start3A_1111 = tpu.memref_slice %arg3[%dma_start3A_1109, %dma_start3A_1110] : memref<100000x128xf32, #tpu.memory_space<hbm>> -> memref<100000x128xf32, #tpu.memory_space<hbm>>
        tpu.enqueue_indirect_dma source(%dma_start3A_1111 : memref<100000x128xf32, #tpu.memory_space<hbm>>) target(%dma_start3A_1107 : memref<40x128xf32, #tpu.memory_space<vmem>>) offsets(%dma_start3A_1108 : memref<40xi32, #tpu.memory_space<vmem>>) semaphore(%arg14 : memref<!tpu.dma_semaphore, #tpu.memory_space<semaphore_mem>>)
        %dma_start3A_1112 = arith.constant 40 : i32
        %dma_start3A_1113 = tpu.memref_slice %arg10[%dma_start3A_1112] : memref<200xf32, #tpu.memory_space<vmem>> -> memref<40xf32, #tpu.memory_space<vmem>>
        %dma_start3A_1114 = tpu.memref_slice %arg6[%add3A_1104] : memref<25600xi32, #tpu.memory_space<vmem>> -> memref<40xi32, #tpu.memory_space<vmem>>
        %dma_start3A_1115 = arith.constant 0 : i32
        %dma_start3A_1116 = tpu.memref_slice %arg4[%dma_start3A_1115] : memref<100000xf32, #tpu.memory_space<hbm>> -> memref<100000xf32, #tpu.memory_space<hbm>>
        tpu.enqueue_indirect_dma source(%dma_start3A_1116 : memref<100000xf32, #tpu.memory_space<hbm>>) target(%dma_start3A_1113 : memref<40xf32, #tpu.memory_space<vmem>>) offsets(%dma_start3A_1114 : memref<40xi32, #tpu.memory_space<vmem>>) semaphore(%arg14 : memref<!tpu.dma_semaphore, #tpu.memory_space<semaphore_mem>>)
        %mul3A_1117 = arith.constant 200 : i32
        %mul3A_1118 = arith.muli %add3A_1084, %mul3A_1117 : i32
        %add3A_1119 = arith.constant 80 : i32
        %add3A_1120 = arith.addi %mul3A_1118, %add3A_1119 : i32
        %dma_start3A_1121 = arith.constant 80 : i32
        %dma_start3A_1122 = arith.constant 0 : i32
        %dma_start3A_1123 = tpu.memref_slice %arg7[%dma_start3A_1121, %dma_start3A_1122] : memref<200x128xf32, #tpu.memory_space<vmem>> -> memref<40x128xf32, #tpu.memory_space<vmem>>
        %dma_start3A_1124 = tpu.memref_slice %arg6[%add3A_1120] : memref<25600xi32, #tpu.memory_space<vmem>> -> memref<40xi32, #tpu.memory_space<vmem>>
        %dma_start3A_1125 = arith.constant 0 : i32
        %dma_start3A_1126 = arith.constant 0 : i32
        %dma_start3A_1127 = tpu.memref_slice %arg3[%dma_start3A_1125, %dma_start3A_1126] : memref<100000x128xf32, #tpu.memory_space<hbm>> -> memref<100000x128xf32, #tpu.memory_space<hbm>>
        tpu.enqueue_indirect_dma source(%dma_start3A_1127 : memref<100000x128xf32, #tpu.memory_space<hbm>>) target(%dma_start3A_1123 : memref<40x128xf32, #tpu.memory_space<vmem>>) offsets(%dma_start3A_1124 : memref<40xi32, #tpu.memory_space<vmem>>) semaphore(%arg14 : memref<!tpu.dma_semaphore, #tpu.memory_space<semaphore_mem>>)
        %dma_start3A_1128 = arith.constant 80 : i32
        %dma_start3A_1129 = tpu.memref_slice %arg10[%dma_start3A_1128] : memref<200xf32, #tpu.memory_space<vmem>> -> memref<40xf32, #tpu.memory_space<vmem>>
        %dma_start3A_1130 = tpu.memref_slice %arg6[%add3A_1120] : memref<25600xi32, #tpu.memory_space<vmem>> -> memref<40xi32, #tpu.memory_space<vmem>>
        %dma_start3A_1131 = arith.constant 0 : i32
        %dma_start3A_1132 = tpu.memref_slice %arg4[%dma_start3A_1131] : memref<100000xf32, #tpu.memory_space<hbm>> -> memref<100000xf32, #tpu.memory_space<hbm>>
        tpu.enqueue_indirect_dma source(%dma_start3A_1132 : memref<100000xf32, #tpu.memory_space<hbm>>) target(%dma_start3A_1129 : memref<40xf32, #tpu.memory_space<vmem>>) offsets(%dma_start3A_1130 : memref<40xi32, #tpu.memory_space<vmem>>) semaphore(%arg14 : memref<!tpu.dma_semaphore, #tpu.memory_space<semaphore_mem>>)
        %mul3A_1133 = arith.constant 200 : i32
        %mul3A_1134 = arith.muli %add3A_1084, %mul3A_1133 : i32
        %add3A_1135 = arith.constant 120 : i32
        %add3A_1136 = arith.addi %mul3A_1134, %add3A_1135 : i32
        %dma_start3A_1137 = arith.constant 120 : i32
        %dma_start3A_1138 = arith.constant 0 : i32
        %dma_start3A_1139 = tpu.memref_slice %arg7[%dma_start3A_1137, %dma_start3A_1138] : memref<200x128xf32, #tpu.memory_space<vmem>> -> memref<40x128xf32, #tpu.memory_space<vmem>>
        %dma_start3A_1140 = tpu.memref_slice %arg6[%add3A_1136] : memref<25600xi32, #tpu.memory_space<vmem>> -> memref<40xi32, #tpu.memory_space<vmem>>
        %dma_start3A_1141 = arith.constant 0 : i32
        %dma_start3A_1142 = arith.constant 0 : i32
        %dma_start3A_1143 = tpu.memref_slice %arg3[%dma_start3A_1141, %dma_start3A_1142] : memref<100000x128xf32, #tpu.memory_space<hbm>> -> memref<100000x128xf32, #tpu.memory_space<hbm>>
        tpu.enqueue_indirect_dma source(%dma_start3A_1143 : memref<100000x128xf32, #tpu.memory_space<hbm>>) target(%dma_start3A_1139 : memref<40x128xf32, #tpu.memory_space<vmem>>) offsets(%dma_start3A_1140 : memref<40xi32, #tpu.memory_space<vmem>>) semaphore(%arg14 : memref<!tpu.dma_semaphore, #tpu.memory_space<semaphore_mem>>)
        %dma_start3A_1144 = arith.constant 120 : i32
        %dma_start3A_1145 = tpu.memref_slice %arg10[%dma_start3A_1144] : memref<200xf32, #tpu.memory_space<vmem>> -> memref<40xf32, #tpu.memory_space<vmem>>
        %dma_start3A_1146 = tpu.memref_slice %arg6[%add3A_1136] : memref<25600xi32, #tpu.memory_space<vmem>> -> memref<40xi32, #tpu.memory_space<vmem>>
        %dma_start3A_1147 = arith.constant 0 : i32
        %dma_start3A_1148 = tpu.memref_slice %arg4[%dma_start3A_1147] : memref<100000xf32, #tpu.memory_space<hbm>> -> memref<100000xf32, #tpu.memory_space<hbm>>
        tpu.enqueue_indirect_dma source(%dma_start3A_1148 : memref<100000xf32, #tpu.memory_space<hbm>>) target(%dma_start3A_1145 : memref<40xf32, #tpu.memory_space<vmem>>) offsets(%dma_start3A_1146 : memref<40xi32, #tpu.memory_space<vmem>>) semaphore(%arg14 : memref<!tpu.dma_semaphore, #tpu.memory_space<semaphore_mem>>)
        %mul3A_1149 = arith.constant 200 : i32
        %mul3A_1150 = arith.muli %add3A_1084, %mul3A_1149 : i32
        %add3A_1151 = arith.constant 160 : i32
        %add3A_1152 = arith.addi %mul3A_1150, %add3A_1151 : i32
        %dma_start3A_1153 = arith.constant 160 : i32
        %dma_start3A_1154 = arith.constant 0 : i32
        %dma_start3A_1155 = tpu.memref_slice %arg7[%dma_start3A_1153, %dma_start3A_1154] : memref<200x128xf32, #tpu.memory_space<vmem>> -> memref<40x128xf32, #tpu.memory_space<vmem>>
        %dma_start3A_1156 = tpu.memref_slice %arg6[%add3A_1152] : memref<25600xi32, #tpu.memory_space<vmem>> -> memref<40xi32, #tpu.memory_space<vmem>>
        %dma_start3A_1157 = arith.constant 0 : i32
        %dma_start3A_1158 = arith.constant 0 : i32
        %dma_start3A_1159 = tpu.memref_slice %arg3[%dma_start3A_1157, %dma_start3A_1158] : memref<100000x128xf32, #tpu.memory_space<hbm>> -> memref<100000x128xf32, #tpu.memory_space<hbm>>
        tpu.enqueue_indirect_dma source(%dma_start3A_1159 : memref<100000x128xf32, #tpu.memory_space<hbm>>) target(%dma_start3A_1155 : memref<40x128xf32, #tpu.memory_space<vmem>>) offsets(%dma_start3A_1156 : memref<40xi32, #tpu.memory_space<vmem>>) semaphore(%arg14 : memref<!tpu.dma_semaphore, #tpu.memory_space<semaphore_mem>>)
        %dma_start3A_1160 = arith.constant 160 : i32
        %dma_start3A_1161 = tpu.memref_slice %arg10[%dma_start3A_1160] : memref<200xf32, #tpu.memory_space<vmem>> -> memref<40xf32, #tpu.memory_space<vmem>>
        %dma_start3A_1162 = tpu.memref_slice %arg6[%add3A_1152] : memref<25600xi32, #tpu.memory_space<vmem>> -> memref<40xi32, #tpu.memory_space<vmem>>
        %dma_start3A_1163 = arith.constant 0 : i32
        %dma_start3A_1164 = tpu.memref_slice %arg4[%dma_start3A_1163] : memref<100000xf32, #tpu.memory_space<hbm>> -> memref<100000xf32, #tpu.memory_space<hbm>>
        tpu.enqueue_indirect_dma source(%dma_start3A_1164 : memref<100000xf32, #tpu.memory_space<hbm>>) target(%dma_start3A_1161 : memref<40xf32, #tpu.memory_space<vmem>>) offsets(%dma_start3A_1162 : memref<40xi32, #tpu.memory_space<vmem>>) semaphore(%arg14 : memref<!tpu.dma_semaphore, #tpu.memory_space<semaphore_mem>>)
      } else {
      }
      %dma_wait3A_731 = arith.constant 0 : i32
      %dma_wait3A_732 = arith.constant 0 : i32
      %dma_wait3A_733 = tpu.memref_slice %arg8[%dma_wait3A_731, %dma_wait3A_732] : memref<200x128xf32, #tpu.memory_space<vmem>> -> memref<40x128xf32, #tpu.memory_space<vmem>>
      %dma_wait3A_734 = arith.constant 0 : i32
      %dma_wait3A_735 = tpu.memref_slice %arg6[%dma_wait3A_734] : memref<25600xi32, #tpu.memory_space<vmem>> -> memref<40xi32, #tpu.memory_space<vmem>>
      %dma_wait3A_736 = arith.constant 0 : i32
      %dma_wait3A_737 = arith.constant 0 : i32
      %dma_wait3A_738 = tpu.memref_slice %arg3[%dma_wait3A_736, %dma_wait3A_737] : memref<100000x128xf32, #tpu.memory_space<hbm>> -> memref<100000x128xf32, #tpu.memory_space<hbm>>
      tpu.wait_indirect_dma semaphore(%arg15 : memref<!tpu.dma_semaphore, #tpu.memory_space<semaphore_mem>>) src(%dma_wait3A_738 : memref<100000x128xf32, #tpu.memory_space<hbm>>) dst(%dma_wait3A_733 : memref<40x128xf32, #tpu.memory_space<vmem>>)
      %dma_wait3A_739 = arith.constant 0 : i32
      %dma_wait3A_740 = tpu.memref_slice %arg11[%dma_wait3A_739] : memref<200xf32, #tpu.memory_space<vmem>> -> memref<40xf32, #tpu.memory_space<vmem>>
      %dma_wait3A_741 = arith.constant 0 : i32
      %dma_wait3A_742 = tpu.memref_slice %arg6[%dma_wait3A_741] : memref<25600xi32, #tpu.memory_space<vmem>> -> memref<40xi32, #tpu.memory_space<vmem>>
      %dma_wait3A_743 = arith.constant 0 : i32
      %dma_wait3A_744 = tpu.memref_slice %arg4[%dma_wait3A_743] : memref<100000xf32, #tpu.memory_space<hbm>> -> memref<100000xf32, #tpu.memory_space<hbm>>
      tpu.wait_indirect_dma semaphore(%arg15 : memref<!tpu.dma_semaphore, #tpu.memory_space<semaphore_mem>>) src(%dma_wait3A_744 : memref<100000xf32, #tpu.memory_space<hbm>>) dst(%dma_wait3A_740 : memref<40xf32, #tpu.memory_space<vmem>>)
      %dma_wait3A_745 = arith.constant 40 : i32
      %dma_wait3A_746 = arith.constant 0 : i32
      %dma_wait3A_747 = tpu.memref_slice %arg8[%dma_wait3A_745, %dma_wait3A_746] : memref<200x128xf32, #tpu.memory_space<vmem>> -> memref<40x128xf32, #tpu.memory_space<vmem>>
      %dma_wait3A_748 = arith.constant 40 : i32
      %dma_wait3A_749 = tpu.memref_slice %arg6[%dma_wait3A_748] : memref<25600xi32, #tpu.memory_space<vmem>> -> memref<40xi32, #tpu.memory_space<vmem>>
      %dma_wait3A_750 = arith.constant 0 : i32
      %dma_wait3A_751 = arith.constant 0 : i32
      %dma_wait3A_752 = tpu.memref_slice %arg3[%dma_wait3A_750, %dma_wait3A_751] : memref<100000x128xf32, #tpu.memory_space<hbm>> -> memref<100000x128xf32, #tpu.memory_space<hbm>>
      tpu.wait_indirect_dma semaphore(%arg15 : memref<!tpu.dma_semaphore, #tpu.memory_space<semaphore_mem>>) src(%dma_wait3A_752 : memref<100000x128xf32, #tpu.memory_space<hbm>>) dst(%dma_wait3A_747 : memref<40x128xf32, #tpu.memory_space<vmem>>)
      %dma_wait3A_753 = arith.constant 40 : i32
      %dma_wait3A_754 = tpu.memref_slice %arg11[%dma_wait3A_753] : memref<200xf32, #tpu.memory_space<vmem>> -> memref<40xf32, #tpu.memory_space<vmem>>
      %dma_wait3A_755 = arith.constant 40 : i32
      %dma_wait3A_756 = tpu.memref_slice %arg6[%dma_wait3A_755] : memref<25600xi32, #tpu.memory_space<vmem>> -> memref<40xi32, #tpu.memory_space<vmem>>
      %dma_wait3A_757 = arith.constant 0 : i32
      %dma_wait3A_758 = tpu.memref_slice %arg4[%dma_wait3A_757] : memref<100000xf32, #tpu.memory_space<hbm>> -> memref<100000xf32, #tpu.memory_space<hbm>>
      tpu.wait_indirect_dma semaphore(%arg15 : memref<!tpu.dma_semaphore, #tpu.memory_space<semaphore_mem>>) src(%dma_wait3A_758 : memref<100000xf32, #tpu.memory_space<hbm>>) dst(%dma_wait3A_754 : memref<40xf32, #tpu.memory_space<vmem>>)
      %dma_wait3A_759 = arith.constant 80 : i32
      %dma_wait3A_760 = arith.constant 0 : i32
      %dma_wait3A_761 = tpu.memref_slice %arg8[%dma_wait3A_759, %dma_wait3A_760] : memref<200x128xf32, #tpu.memory_space<vmem>> -> memref<40x128xf32, #tpu.memory_space<vmem>>
      %dma_wait3A_762 = arith.constant 80 : i32
      %dma_wait3A_763 = tpu.memref_slice %arg6[%dma_wait3A_762] : memref<25600xi32, #tpu.memory_space<vmem>> -> memref<40xi32, #tpu.memory_space<vmem>>
      %dma_wait3A_764 = arith.constant 0 : i32
      %dma_wait3A_765 = arith.constant 0 : i32
      %dma_wait3A_766 = tpu.memref_slice %arg3[%dma_wait3A_764, %dma_wait3A_765] : memref<100000x128xf32, #tpu.memory_space<hbm>> -> memref<100000x128xf32, #tpu.memory_space<hbm>>
      tpu.wait_indirect_dma semaphore(%arg15 : memref<!tpu.dma_semaphore, #tpu.memory_space<semaphore_mem>>) src(%dma_wait3A_766 : memref<100000x128xf32, #tpu.memory_space<hbm>>) dst(%dma_wait3A_761 : memref<40x128xf32, #tpu.memory_space<vmem>>)
      %dma_wait3A_767 = arith.constant 80 : i32
      %dma_wait3A_768 = tpu.memref_slice %arg11[%dma_wait3A_767] : memref<200xf32, #tpu.memory_space<vmem>> -> memref<40xf32, #tpu.memory_space<vmem>>
      %dma_wait3A_769 = arith.constant 80 : i32
      %dma_wait3A_770 = tpu.memref_slice %arg6[%dma_wait3A_769] : memref<25600xi32, #tpu.memory_space<vmem>> -> memref<40xi32, #tpu.memory_space<vmem>>
      %dma_wait3A_771 = arith.constant 0 : i32
      %dma_wait3A_772 = tpu.memref_slice %arg4[%dma_wait3A_771] : memref<100000xf32, #tpu.memory_space<hbm>> -> memref<100000xf32, #tpu.memory_space<hbm>>
      tpu.wait_indirect_dma semaphore(%arg15 : memref<!tpu.dma_semaphore, #tpu.memory_space<semaphore_mem>>) src(%dma_wait3A_772 : memref<100000xf32, #tpu.memory_space<hbm>>) dst(%dma_wait3A_768 : memref<40xf32, #tpu.memory_space<vmem>>)
      %dma_wait3A_773 = arith.constant 120 : i32
      %dma_wait3A_774 = arith.constant 0 : i32
      %dma_wait3A_775 = tpu.memref_slice %arg8[%dma_wait3A_773, %dma_wait3A_774] : memref<200x128xf32, #tpu.memory_space<vmem>> -> memref<40x128xf32, #tpu.memory_space<vmem>>
      %dma_wait3A_776 = arith.constant 120 : i32
      %dma_wait3A_777 = tpu.memref_slice %arg6[%dma_wait3A_776] : memref<25600xi32, #tpu.memory_space<vmem>> -> memref<40xi32, #tpu.memory_space<vmem>>
      %dma_wait3A_778 = arith.constant 0 : i32
      %dma_wait3A_779 = arith.constant 0 : i32
      %dma_wait3A_780 = tpu.memref_slice %arg3[%dma_wait3A_778, %dma_wait3A_779] : memref<100000x128xf32, #tpu.memory_space<hbm>> -> memref<100000x128xf32, #tpu.memory_space<hbm>>
      tpu.wait_indirect_dma semaphore(%arg15 : memref<!tpu.dma_semaphore, #tpu.memory_space<semaphore_mem>>) src(%dma_wait3A_780 : memref<100000x128xf32, #tpu.memory_space<hbm>>) dst(%dma_wait3A_775 : memref<40x128xf32, #tpu.memory_space<vmem>>)
      %dma_wait3A_781 = arith.constant 120 : i32
      %dma_wait3A_782 = tpu.memref_slice %arg11[%dma_wait3A_781] : memref<200xf32, #tpu.memory_space<vmem>> -> memref<40xf32, #tpu.memory_space<vmem>>
      %dma_wait3A_783 = arith.constant 120 : i32
      %dma_wait3A_784 = tpu.memref_slice %arg6[%dma_wait3A_783] : memref<25600xi32, #tpu.memory_space<vmem>> -> memref<40xi32, #tpu.memory_space<vmem>>
      %dma_wait3A_785 = arith.constant 0 : i32
      %dma_wait3A_786 = tpu.memref_slice %arg4[%dma_wait3A_785] : memref<100000xf32, #tpu.memory_space<hbm>> -> memref<100000xf32, #tpu.memory_space<hbm>>
      tpu.wait_indirect_dma semaphore(%arg15 : memref<!tpu.dma_semaphore, #tpu.memory_space<semaphore_mem>>) src(%dma_wait3A_786 : memref<100000xf32, #tpu.memory_space<hbm>>) dst(%dma_wait3A_782 : memref<40xf32, #tpu.memory_space<vmem>>)
      %dma_wait3A_787 = arith.constant 160 : i32
      %dma_wait3A_788 = arith.constant 0 : i32
      %dma_wait3A_789 = tpu.memref_slice %arg8[%dma_wait3A_787, %dma_wait3A_788] : memref<200x128xf32, #tpu.memory_space<vmem>> -> memref<40x128xf32, #tpu.memory_space<vmem>>
      %dma_wait3A_790 = arith.constant 160 : i32
      %dma_wait3A_791 = tpu.memref_slice %arg6[%dma_wait3A_790] : memref<25600xi32, #tpu.memory_space<vmem>> -> memref<40xi32, #tpu.memory_space<vmem>>
      %dma_wait3A_792 = arith.constant 0 : i32
      %dma_wait3A_793 = arith.constant 0 : i32
      %dma_wait3A_794 = tpu.memref_slice %arg3[%dma_wait3A_792, %dma_wait3A_793] : memref<100000x128xf32, #tpu.memory_space<hbm>> -> memref<100000x128xf32, #tpu.memory_space<hbm>>
      tpu.wait_indirect_dma semaphore(%arg15 : memref<!tpu.dma_semaphore, #tpu.memory_space<semaphore_mem>>) src(%dma_wait3A_794 : memref<100000x128xf32, #tpu.memory_space<hbm>>) dst(%dma_wait3A_789 : memref<40x128xf32, #tpu.memory_space<vmem>>)
      %dma_wait3A_795 = arith.constant 160 : i32
      %dma_wait3A_796 = tpu.memref_slice %arg11[%dma_wait3A_795] : memref<200xf32, #tpu.memory_space<vmem>> -> memref<40xf32, #tpu.memory_space<vmem>>
      %dma_wait3A_797 = arith.constant 160 : i32
      %dma_wait3A_798 = tpu.memref_slice %arg6[%dma_wait3A_797] : memref<25600xi32, #tpu.memory_space<vmem>> -> memref<40xi32, #tpu.memory_space<vmem>>
      %dma_wait3A_799 = arith.constant 0 : i32
      %dma_wait3A_800 = tpu.memref_slice %arg4[%dma_wait3A_799] : memref<100000xf32, #tpu.memory_space<hbm>> -> memref<100000xf32, #tpu.memory_space<hbm>>
      tpu.wait_indirect_dma semaphore(%arg15 : memref<!tpu.dma_semaphore, #tpu.memory_space<semaphore_mem>>) src(%dma_wait3A_800 : memref<100000xf32, #tpu.memory_space<hbm>>) dst(%dma_wait3A_796 : memref<40xf32, #tpu.memory_space<vmem>>)
      %add3A_801 = arith.constant 1 : i32
      %add3A_802 = arith.addi %add3A_558, %add3A_801 : i32
      %scan3A_803 = arith.constant 0 : i32
      %scan3A_804 = arith.constant 200 : i32
      %scan3A_805 = arith.addi %scan3A_803, %scan3A_804 : i32
      %scan3A_806 = arith.constant 2 : i32
      %scan3A_807:8 = scf.for %scan3A_1081 = %scan3A_803 to %scan3A_805 step %scan3A_806 iter_args(%scan3A_1082 = %broadcast_in_dim3A_5, %scan3A_1083 = %broadcast_in_dim3A_5, %scan3A_1084 = %broadcast_in_dim3A_5, %scan3A_1085 = %broadcast_in_dim3A_5, %scan3A_1086 = %broadcast_in_dim3A_5, %scan3A_1087 = %broadcast_in_dim3A_5, %scan3A_1088 = %broadcast_in_dim3A_5, %scan3A_1089 = %broadcast_in_dim3A_5) -> (vector<16xf32>, vector<16xf32>, vector<16xf32>, vector<16xf32>, vector<16xf32>, vector<16xf32>, vector<16xf32>, vector<16xf32>)  : i32 {
        %broadcast_in_dim3A_1090 = vector.broadcast %scan3A_1081 : i32 to vector<16xi32>
        %gather3A_1091 = tpu.vector_load_idx %arg11[%broadcast_in_dim3A_1090] : memref<200xf32, #tpu.memory_space<vmem>>[vector<16xi32>], vector<16xf32>,
        %get3A_1092 = arith.index_cast %scan3A_1081 : i32 to index
        %get3A_1093 = arith.constant 0 : index
        %get3A_1094 = tpu.vector_load %arg8[%get3A_1092, %get3A_1093] {strides = array<i32>} : memref<200x128xf32, #tpu.memory_space<vmem>>, vector<16xf32>,
        %mul3A_1095 = arith.mulf %gather3A_1091, %get3A_1094 : vector<16xf32>
        %add3A_1096 = arith.addf %scan3A_1082, %mul3A_1095 : vector<16xf32>
        %get3A_1097 = arith.index_cast %scan3A_1081 : i32 to index
        %get3A_1098 = arith.constant 16 : index
        %get3A_1099 = tpu.vector_load %arg8[%get3A_1097, %get3A_1098] {strides = array<i32>} : memref<200x128xf32, #tpu.memory_space<vmem>>, vector<16xf32>,
        %mul3A_1100 = arith.mulf %gather3A_1091, %get3A_1099 : vector<16xf32>
        %add3A_1101 = arith.addf %scan3A_1083, %mul3A_1100 : vector<16xf32>
        %get3A_1102 = arith.index_cast %scan3A_1081 : i32 to index
        %get3A_1103 = arith.constant 32 : index
        %get3A_1104 = tpu.vector_load %arg8[%get3A_1102, %get3A_1103] {strides = array<i32>} : memref<200x128xf32, #tpu.memory_space<vmem>>, vector<16xf32>,
        %mul3A_1105 = arith.mulf %gather3A_1091, %get3A_1104 : vector<16xf32>
        %add3A_1106 = arith.addf %scan3A_1084, %mul3A_1105 : vector<16xf32>
        %get3A_1107 = arith.index_cast %scan3A_1081 : i32 to index
        %get3A_1108 = arith.constant 48 : index
        %get3A_1109 = tpu.vector_load %arg8[%get3A_1107, %get3A_1108] {strides = array<i32>} : memref<200x128xf32, #tpu.memory_space<vmem>>, vector<16xf32>,
        %mul3A_1110 = arith.mulf %gather3A_1091, %get3A_1109 : vector<16xf32>
        %add3A_1111 = arith.addf %scan3A_1085, %mul3A_1110 : vector<16xf32>
        %get3A_1112 = arith.index_cast %scan3A_1081 : i32 to index
        %get3A_1113 = arith.constant 64 : index
        %get3A_1114 = tpu.vector_load %arg8[%get3A_1112, %get3A_1113] {strides = array<i32>} : memref<200x128xf32, #tpu.memory_space<vmem>>, vector<16xf32>,
        %mul3A_1115 = arith.mulf %gather3A_1091, %get3A_1114 : vector<16xf32>
        %add3A_1116 = arith.addf %scan3A_1086, %mul3A_1115 : vector<16xf32>
        %get3A_1117 = arith.index_cast %scan3A_1081 : i32 to index
        %get3A_1118 = arith.constant 80 : index
        %get3A_1119 = tpu.vector_load %arg8[%get3A_1117, %get3A_1118] {strides = array<i32>} : memref<200x128xf32, #tpu.memory_space<vmem>>, vector<16xf32>,
        %mul3A_1120 = arith.mulf %gather3A_1091, %get3A_1119 : vector<16xf32>
        %add3A_1121 = arith.addf %scan3A_1087, %mul3A_1120 : vector<16xf32>
        %get3A_1122 = arith.index_cast %scan3A_1081 : i32 to index
        %get3A_1123 = arith.constant 96 : index
        %get3A_1124 = tpu.vector_load %arg8[%get3A_1122, %get3A_1123] {strides = array<i32>} : memref<200x128xf32, #tpu.memory_space<vmem>>, vector<16xf32>,
        %mul3A_1125 = arith.mulf %gather3A_1091, %get3A_1124 : vector<16xf32>
        %add3A_1126 = arith.addf %scan3A_1088, %mul3A_1125 : vector<16xf32>
        %get3A_1127 = arith.index_cast %scan3A_1081 : i32 to index
        %get3A_1128 = arith.constant 112 : index
        %get3A_1129 = tpu.vector_load %arg8[%get3A_1127, %get3A_1128] {strides = array<i32>} : memref<200x128xf32, #tpu.memory_space<vmem>>, vector<16xf32>,
        %mul3A_1130 = arith.mulf %gather3A_1091, %get3A_1129 : vector<16xf32>
        %add3A_1131 = arith.addf %scan3A_1089, %mul3A_1130 : vector<16xf32>
        %scan3A_1132 = arith.constant 1 : i32
        %scan3A_1133 = arith.addi %scan3A_1081, %scan3A_1132 : i32
        %broadcast_in_dim3A_1134 = vector.broadcast %scan3A_1133 : i32 to vector<16xi32>
        %gather3A_1135 = tpu.vector_load_idx %arg11[%broadcast_in_dim3A_1134] : memref<200xf32, #tpu.memory_space<vmem>>[vector<16xi32>], vector<16xf32>,
        %get3A_1136 = arith.index_cast %scan3A_1133 : i32 to index
        %get3A_1137 = arith.constant 0 : index
        %get3A_1138 = tpu.vector_load %arg8[%get3A_1136, %get3A_1137] {strides = array<i32>} : memref<200x128xf32, #tpu.memory_space<vmem>>, vector<16xf32>,
        %mul3A_1139 = arith.mulf %gather3A_1135, %get3A_1138 : vector<16xf32>
        %add3A_1140 = arith.addf %add3A_1096, %mul3A_1139 : vector<16xf32>
        %get3A_1141 = arith.index_cast %scan3A_1133 : i32 to index
        %get3A_1142 = arith.constant 16 : index
        %get3A_1143 = tpu.vector_load %arg8[%get3A_1141, %get3A_1142] {strides = array<i32>} : memref<200x128xf32, #tpu.memory_space<vmem>>, vector<16xf32>,
        %mul3A_1144 = arith.mulf %gather3A_1135, %get3A_1143 : vector<16xf32>
        %add3A_1145 = arith.addf %add3A_1101, %mul3A_1144 : vector<16xf32>
        %get3A_1146 = arith.index_cast %scan3A_1133 : i32 to index
        %get3A_1147 = arith.constant 32 : index
        %get3A_1148 = tpu.vector_load %arg8[%get3A_1146, %get3A_1147] {strides = array<i32>} : memref<200x128xf32, #tpu.memory_space<vmem>>, vector<16xf32>,
        %mul3A_1149 = arith.mulf %gather3A_1135, %get3A_1148 : vector<16xf32>
        %add3A_1150 = arith.addf %add3A_1106, %mul3A_1149 : vector<16xf32>
        %get3A_1151 = arith.index_cast %scan3A_1133 : i32 to index
        %get3A_1152 = arith.constant 48 : index
        %get3A_1153 = tpu.vector_load %arg8[%get3A_1151, %get3A_1152] {strides = array<i32>} : memref<200x128xf32, #tpu.memory_space<vmem>>, vector<16xf32>,
        %mul3A_1154 = arith.mulf %gather3A_1135, %get3A_1153 : vector<16xf32>
        %add3A_1155 = arith.addf %add3A_1111, %mul3A_1154 : vector<16xf32>
        %get3A_1156 = arith.index_cast %scan3A_1133 : i32 to index
        %get3A_1157 = arith.constant 64 : index
        %get3A_1158 = tpu.vector_load %arg8[%get3A_1156, %get3A_1157] {strides = array<i32>} : memref<200x128xf32, #tpu.memory_space<vmem>>, vector<16xf32>,
        %mul3A_1159 = arith.mulf %gather3A_1135, %get3A_1158 : vector<16xf32>
        %add3A_1160 = arith.addf %add3A_1116, %mul3A_1159 : vector<16xf32>
        %get3A_1161 = arith.index_cast %scan3A_1133 : i32 to index
        %get3A_1162 = arith.constant 80 : index
        %get3A_1163 = tpu.vector_load %arg8[%get3A_1161, %get3A_1162] {strides = array<i32>} : memref<200x128xf32, #tpu.memory_space<vmem>>, vector<16xf32>,
        %mul3A_1164 = arith.mulf %gather3A_1135, %get3A_1163 : vector<16xf32>
        %add3A_1165 = arith.addf %add3A_1121, %mul3A_1164 : vector<16xf32>
        %get3A_1166 = arith.index_cast %scan3A_1133 : i32 to index
        %get3A_1167 = arith.constant 96 : index
        %get3A_1168 = tpu.vector_load %arg8[%get3A_1166, %get3A_1167] {strides = array<i32>} : memref<200x128xf32, #tpu.memory_space<vmem>>, vector<16xf32>,
        %mul3A_1169 = arith.mulf %gather3A_1135, %get3A_1168 : vector<16xf32>
        %add3A_1170 = arith.addf %add3A_1126, %mul3A_1169 : vector<16xf32>
        %get3A_1171 = arith.index_cast %scan3A_1133 : i32 to index
        %get3A_1172 = arith.constant 112 : index
        %get3A_1173 = tpu.vector_load %arg8[%get3A_1171, %get3A_1172] {strides = array<i32>} : memref<200x128xf32, #tpu.memory_space<vmem>>, vector<16xf32>,
        %mul3A_1174 = arith.mulf %gather3A_1135, %get3A_1173 : vector<16xf32>
        %add3A_1175 = arith.addf %add3A_1131, %mul3A_1174 : vector<16xf32>
        scf.yield %add3A_1140, %add3A_1145, %add3A_1150, %add3A_1155, %add3A_1160, %add3A_1165, %add3A_1170, %add3A_1175 : vector<16xf32>, vector<16xf32>, vector<16xf32>, vector<16xf32>, vector<16xf32>, vector<16xf32>, vector<16xf32>, vector<16xf32>
      }
      %scan3A_808 = arith.constant 200 : i32
      %get3A_809 = arith.constant 0 : index
      %get3A_810 = tpu.vector_load %arg11[%get3A_809] {strides = array<i32>} : memref<200xf32, #tpu.memory_space<vmem>>, vector<16xf32>,
      %add3A_811 = arith.addf %broadcast_in_dim3A_5, %get3A_810 : vector<16xf32>
      %get3A_812 = arith.constant 16 : index
      %get3A_813 = tpu.vector_load %arg11[%get3A_812] {strides = array<i32>} : memref<200xf32, #tpu.memory_space<vmem>>, vector<16xf32>,
      %add3A_814 = arith.addf %add3A_811, %get3A_813 : vector<16xf32>
      %get3A_815 = arith.constant 32 : index
      %get3A_816 = tpu.vector_load %arg11[%get3A_815] {strides = array<i32>} : memref<200xf32, #tpu.memory_space<vmem>>, vector<16xf32>,
      %add3A_817 = arith.addf %add3A_814, %get3A_816 : vector<16xf32>
      %get3A_818 = arith.constant 48 : index
      %get3A_819 = tpu.vector_load %arg11[%get3A_818] {strides = array<i32>} : memref<200xf32, #tpu.memory_space<vmem>>, vector<16xf32>,
      %add3A_820 = arith.addf %add3A_817, %get3A_819 : vector<16xf32>
      %get3A_821 = arith.constant 64 : index
      %get3A_822 = tpu.vector_load %arg11[%get3A_821] {strides = array<i32>} : memref<200xf32, #tpu.memory_space<vmem>>, vector<16xf32>,
      %add3A_823 = arith.addf %add3A_820, %get3A_822 : vector<16xf32>
      %get3A_824 = arith.constant 80 : index
      %get3A_825 = tpu.vector_load %arg11[%get3A_824] {strides = array<i32>} : memref<200xf32, #tpu.memory_space<vmem>>, vector<16xf32>,
      %add3A_826 = arith.addf %add3A_823, %get3A_825 : vector<16xf32>
      %get3A_827 = arith.constant 96 : index
      %get3A_828 = tpu.vector_load %arg11[%get3A_827] {strides = array<i32>} : memref<200xf32, #tpu.memory_space<vmem>>, vector<16xf32>,
      %add3A_829 = arith.addf %add3A_826, %get3A_828 : vector<16xf32>
      %get3A_830 = arith.constant 112 : index
      %get3A_831 = tpu.vector_load %arg11[%get3A_830] {strides = array<i32>} : memref<200xf32, #tpu.memory_space<vmem>>, vector<16xf32>,
      %add3A_832 = arith.addf %add3A_829, %get3A_831 : vector<16xf32>
      %get3A_833 = arith.constant 128 : index
      %get3A_834 = tpu.vector_load %arg11[%get3A_833] {strides = array<i32>} : memref<200xf32, #tpu.memory_space<vmem>>, vector<16xf32>,
      %add3A_835 = arith.addf %add3A_832, %get3A_834 : vector<16xf32>
      %get3A_836 = arith.constant 144 : index
      %get3A_837 = tpu.vector_load %arg11[%get3A_836] {strides = array<i32>} : memref<200xf32, #tpu.memory_space<vmem>>, vector<16xf32>,
      %add3A_838 = arith.addf %add3A_835, %get3A_837 : vector<16xf32>
      %get3A_839 = arith.constant 160 : index
      %get3A_840 = tpu.vector_load %arg11[%get3A_839] {strides = array<i32>} : memref<200xf32, #tpu.memory_space<vmem>>, vector<16xf32>,
      %add3A_841 = arith.addf %add3A_838, %get3A_840 : vector<16xf32>
      %get3A_842 = arith.constant 176 : index
      %get3A_843 = tpu.vector_load %arg11[%get3A_842] {strides = array<i32>} : memref<200xf32, #tpu.memory_space<vmem>>, vector<16xf32>,
      %add3A_844 = arith.addf %add3A_841, %get3A_843 : vector<16xf32>
      %ge3A_845 = arith.constant 8 : i32
      %ge3A_846 = vector.broadcast %ge3A_845 : i32 to vector<16xi32>
      %ge3A_847 = arith.cmpi sge, %iota3A, %ge3A_846 : vector<16xi32>
      %get3A_848 = arith.constant 184 : index
      %get3A_849 = tpu.vector_load %arg11[%get3A_848] {strides = array<i32>} : memref<200xf32, #tpu.memory_space<vmem>>, vector<16xf32>,
      %jit3A_850 = arith.constant 0.000000e+00 : f32
      %broadcast_in_dim3A_851 = vector.broadcast %jit3A_850 : f32 to vector<16xf32>
      %select_n3A_852 = arith.select %ge3A_847, %get3A_849, %broadcast_in_dim3A_851 : vector<16xi1>, vector<16xf32>
      %add3A_853 = arith.addf %add3A_844, %select_n3A_852 : vector<16xf32>
      %broadcast_in_dim3A_854 = arith.constant true
      %broadcast_in_dim3A_855 = vector.broadcast %broadcast_in_dim3A_854 : i1 to vector<16xi1>
      %masked_cumsum3A_856 = tpu.scan <sum>, %add3A_853 masked %broadcast_in_dim3A_855 : vector<16xf32>, vector<16xi1> -> vector<16xf32>
      %swap3A_857 = arith.constant 0 : index
      %swap3A_858 = tpu.vector_load %arg11[%swap3A_857] {strides = array<i32>} : memref<200xf32, #tpu.memory_space<vmem>>, vector<16xf32>,
      tpu.vector_store %arg11[%swap3A_857], %masked_cumsum3A_856 {strides = array<i32>} : memref<200xf32, #tpu.memory_space<vmem>>, vector<16xf32>,
      %broadcast_in_dim3A_859 = arith.constant 15 : i32
      %broadcast_in_dim3A_860 = vector.broadcast %broadcast_in_dim3A_859 : i32 to vector<16xi32>
      %gather3A_861 = tpu.vector_load_idx %arg11[%broadcast_in_dim3A_860] : memref<200xf32, #tpu.memory_space<vmem>>[vector<16xi32>], vector<16xf32>,
      %div3A_862 = arith.constant 1.000000e+00 : f32
      %div3A_863 = vector.broadcast %div3A_862 : f32 to vector<16xf32>
      %div3A_864 = arith.divf %div3A_863, %gather3A_861 : vector<16xf32>
      %mul3A_865 = arith.mulf %scan3A_807#0, %div3A_864 : vector<16xf32>
      %swap3A_866 = arith.index_cast %add3A_802 : i32 to index
      %swap3A_867 = arith.constant 0 : index
      %swap3A_868 = tpu.vector_load %arg13[%swap3A_866, %swap3A_867] {strides = array<i32>} : memref<128x128xf32, #tpu.memory_space<vmem>>, vector<16xf32>,
      tpu.vector_store %arg13[%swap3A_866, %swap3A_867], %mul3A_865 {strides = array<i32>} : memref<128x128xf32, #tpu.memory_space<vmem>>, vector<16xf32>,
      %mul3A_869 = arith.mulf %scan3A_807#1, %div3A_864 : vector<16xf32>
      %swap3A_870 = arith.index_cast %add3A_802 : i32 to index
      %swap3A_871 = arith.constant 16 : index
      %swap3A_872 = tpu.vector_load %arg13[%swap3A_870, %swap3A_871] {strides = array<i32>} : memref<128x128xf32, #tpu.memory_space<vmem>>, vector<16xf32>,
      tpu.vector_store %arg13[%swap3A_870, %swap3A_871], %mul3A_869 {strides = array<i32>} : memref<128x128xf32, #tpu.memory_space<vmem>>, vector<16xf32>,
      %mul3A_873 = arith.mulf %scan3A_807#2, %div3A_864 : vector<16xf32>
      %swap3A_874 = arith.index_cast %add3A_802 : i32 to index
      %swap3A_875 = arith.constant 32 : index
      %swap3A_876 = tpu.vector_load %arg13[%swap3A_874, %swap3A_875] {strides = array<i32>} : memref<128x128xf32, #tpu.memory_space<vmem>>, vector<16xf32>,
      tpu.vector_store %arg13[%swap3A_874, %swap3A_875], %mul3A_873 {strides = array<i32>} : memref<128x128xf32, #tpu.memory_space<vmem>>, vector<16xf32>,
      %mul3A_877 = arith.mulf %scan3A_807#3, %div3A_864 : vector<16xf32>
      %swap3A_878 = arith.index_cast %add3A_802 : i32 to index
      %swap3A_879 = arith.constant 48 : index
      %swap3A_880 = tpu.vector_load %arg13[%swap3A_878, %swap3A_879] {strides = array<i32>} : memref<128x128xf32, #tpu.memory_space<vmem>>, vector<16xf32>,
      tpu.vector_store %arg13[%swap3A_878, %swap3A_879], %mul3A_877 {strides = array<i32>} : memref<128x128xf32, #tpu.memory_space<vmem>>, vector<16xf32>,
      %mul3A_881 = arith.mulf %scan3A_807#4, %div3A_864 : vector<16xf32>
      %swap3A_882 = arith.index_cast %add3A_802 : i32 to index
      %swap3A_883 = arith.constant 64 : index
      %swap3A_884 = tpu.vector_load %arg13[%swap3A_882, %swap3A_883] {strides = array<i32>} : memref<128x128xf32, #tpu.memory_space<vmem>>, vector<16xf32>,
      tpu.vector_store %arg13[%swap3A_882, %swap3A_883], %mul3A_881 {strides = array<i32>} : memref<128x128xf32, #tpu.memory_space<vmem>>, vector<16xf32>,
      %mul3A_885 = arith.mulf %scan3A_807#5, %div3A_864 : vector<16xf32>
      %swap3A_886 = arith.index_cast %add3A_802 : i32 to index
      %swap3A_887 = arith.constant 80 : index
      %swap3A_888 = tpu.vector_load %arg13[%swap3A_886, %swap3A_887] {strides = array<i32>} : memref<128x128xf32, #tpu.memory_space<vmem>>, vector<16xf32>,
      tpu.vector_store %arg13[%swap3A_886, %swap3A_887], %mul3A_885 {strides = array<i32>} : memref<128x128xf32, #tpu.memory_space<vmem>>, vector<16xf32>,
      %mul3A_889 = arith.mulf %scan3A_807#6, %div3A_864 : vector<16xf32>
      %swap3A_890 = arith.index_cast %add3A_802 : i32 to index
      %swap3A_891 = arith.constant 96 : index
      %swap3A_892 = tpu.vector_load %arg13[%swap3A_890, %swap3A_891] {strides = array<i32>} : memref<128x128xf32, #tpu.memory_space<vmem>>, vector<16xf32>,
      tpu.vector_store %arg13[%swap3A_890, %swap3A_891], %mul3A_889 {strides = array<i32>} : memref<128x128xf32, #tpu.memory_space<vmem>>, vector<16xf32>,
      %mul3A_893 = arith.mulf %scan3A_807#7, %div3A_864 : vector<16xf32>
      %swap3A_894 = arith.index_cast %add3A_802 : i32 to index
      %swap3A_895 = arith.constant 112 : index
      %swap3A_896 = tpu.vector_load %arg13[%swap3A_894, %swap3A_895] {strides = array<i32>} : memref<128x128xf32, #tpu.memory_space<vmem>>, vector<16xf32>,
      tpu.vector_store %arg13[%swap3A_894, %swap3A_895], %mul3A_893 {strides = array<i32>} : memref<128x128xf32, #tpu.memory_space<vmem>>, vector<16xf32>,
      %add3A_897 = arith.constant 1 : i32
      %add3A_898 = arith.addi %add3A_558, %add3A_897 : i32
      %add3A_899 = arith.constant 3 : i32
      %add3A_900 = arith.addi %add3A_898, %add3A_899 : i32
      %lt3A_901 = arith.constant 128 : i32
      %lt3A_902 = arith.cmpi slt, %add3A_900, %lt3A_901 : i32
      %convert_element_type3A_903 = arith.extui %lt3A_902 : i1 to i32
      %cond3A_904 = arith.constant 0 : i32
      %cond3A_905 = arith.cmpi ne, %convert_element_type3A_903, %cond3A_904 : i32
      scf.if %cond3A_905 {
        %add3A_1081 = arith.constant 1 : i32
        %add3A_1082 = arith.addi %add3A_558, %add3A_1081 : i32
        %add3A_1083 = arith.constant 3 : i32
        %add3A_1084 = arith.addi %add3A_1082, %add3A_1083 : i32
        %mul3A_1085 = arith.constant 200 : i32
        %mul3A_1086 = arith.muli %add3A_1084, %mul3A_1085 : i32
        %add3A_1087 = arith.constant 0 : i32
        %add3A_1088 = arith.addi %mul3A_1086, %add3A_1087 : i32
        %dma_start3A_1089 = arith.constant 0 : i32
        %dma_start3A_1090 = arith.constant 0 : i32
        %dma_start3A_1091 = tpu.memref_slice %arg8[%dma_start3A_1089, %dma_start3A_1090] : memref<200x128xf32, #tpu.memory_space<vmem>> -> memref<40x128xf32, #tpu.memory_space<vmem>>
        %dma_start3A_1092 = tpu.memref_slice %arg6[%add3A_1088] : memref<25600xi32, #tpu.memory_space<vmem>> -> memref<40xi32, #tpu.memory_space<vmem>>
        %dma_start3A_1093 = arith.constant 0 : i32
        %dma_start3A_1094 = arith.constant 0 : i32
        %dma_start3A_1095 = tpu.memref_slice %arg3[%dma_start3A_1093, %dma_start3A_1094] : memref<100000x128xf32, #tpu.memory_space<hbm>> -> memref<100000x128xf32, #tpu.memory_space<hbm>>
        tpu.enqueue_indirect_dma source(%dma_start3A_1095 : memref<100000x128xf32, #tpu.memory_space<hbm>>) target(%dma_start3A_1091 : memref<40x128xf32, #tpu.memory_space<vmem>>) offsets(%dma_start3A_1092 : memref<40xi32, #tpu.memory_space<vmem>>) semaphore(%arg15 : memref<!tpu.dma_semaphore, #tpu.memory_space<semaphore_mem>>)
        %dma_start3A_1096 = arith.constant 0 : i32
        %dma_start3A_1097 = tpu.memref_slice %arg11[%dma_start3A_1096] : memref<200xf32, #tpu.memory_space<vmem>> -> memref<40xf32, #tpu.memory_space<vmem>>
        %dma_start3A_1098 = tpu.memref_slice %arg6[%add3A_1088] : memref<25600xi32, #tpu.memory_space<vmem>> -> memref<40xi32, #tpu.memory_space<vmem>>
        %dma_start3A_1099 = arith.constant 0 : i32
        %dma_start3A_1100 = tpu.memref_slice %arg4[%dma_start3A_1099] : memref<100000xf32, #tpu.memory_space<hbm>> -> memref<100000xf32, #tpu.memory_space<hbm>>
        tpu.enqueue_indirect_dma source(%dma_start3A_1100 : memref<100000xf32, #tpu.memory_space<hbm>>) target(%dma_start3A_1097 : memref<40xf32, #tpu.memory_space<vmem>>) offsets(%dma_start3A_1098 : memref<40xi32, #tpu.memory_space<vmem>>) semaphore(%arg15 : memref<!tpu.dma_semaphore, #tpu.memory_space<semaphore_mem>>)
        %mul3A_1101 = arith.constant 200 : i32
        %mul3A_1102 = arith.muli %add3A_1084, %mul3A_1101 : i32
        %add3A_1103 = arith.constant 40 : i32
        %add3A_1104 = arith.addi %mul3A_1102, %add3A_1103 : i32
        %dma_start3A_1105 = arith.constant 40 : i32
        %dma_start3A_1106 = arith.constant 0 : i32
        %dma_start3A_1107 = tpu.memref_slice %arg8[%dma_start3A_1105, %dma_start3A_1106] : memref<200x128xf32, #tpu.memory_space<vmem>> -> memref<40x128xf32, #tpu.memory_space<vmem>>
        %dma_start3A_1108 = tpu.memref_slice %arg6[%add3A_1104] : memref<25600xi32, #tpu.memory_space<vmem>> -> memref<40xi32, #tpu.memory_space<vmem>>
        %dma_start3A_1109 = arith.constant 0 : i32
        %dma_start3A_1110 = arith.constant 0 : i32
        %dma_start3A_1111 = tpu.memref_slice %arg3[%dma_start3A_1109, %dma_start3A_1110] : memref<100000x128xf32, #tpu.memory_space<hbm>> -> memref<100000x128xf32, #tpu.memory_space<hbm>>
        tpu.enqueue_indirect_dma source(%dma_start3A_1111 : memref<100000x128xf32, #tpu.memory_space<hbm>>) target(%dma_start3A_1107 : memref<40x128xf32, #tpu.memory_space<vmem>>) offsets(%dma_start3A_1108 : memref<40xi32, #tpu.memory_space<vmem>>) semaphore(%arg15 : memref<!tpu.dma_semaphore, #tpu.memory_space<semaphore_mem>>)
        %dma_start3A_1112 = arith.constant 40 : i32
        %dma_start3A_1113 = tpu.memref_slice %arg11[%dma_start3A_1112] : memref<200xf32, #tpu.memory_space<vmem>> -> memref<40xf32, #tpu.memory_space<vmem>>
        %dma_start3A_1114 = tpu.memref_slice %arg6[%add3A_1104] : memref<25600xi32, #tpu.memory_space<vmem>> -> memref<40xi32, #tpu.memory_space<vmem>>
        %dma_start3A_1115 = arith.constant 0 : i32
        %dma_start3A_1116 = tpu.memref_slice %arg4[%dma_start3A_1115] : memref<100000xf32, #tpu.memory_space<hbm>> -> memref<100000xf32, #tpu.memory_space<hbm>>
        tpu.enqueue_indirect_dma source(%dma_start3A_1116 : memref<100000xf32, #tpu.memory_space<hbm>>) target(%dma_start3A_1113 : memref<40xf32, #tpu.memory_space<vmem>>) offsets(%dma_start3A_1114 : memref<40xi32, #tpu.memory_space<vmem>>) semaphore(%arg15 : memref<!tpu.dma_semaphore, #tpu.memory_space<semaphore_mem>>)
        %mul3A_1117 = arith.constant 200 : i32
        %mul3A_1118 = arith.muli %add3A_1084, %mul3A_1117 : i32
        %add3A_1119 = arith.constant 80 : i32
        %add3A_1120 = arith.addi %mul3A_1118, %add3A_1119 : i32
        %dma_start3A_1121 = arith.constant 80 : i32
        %dma_start3A_1122 = arith.constant 0 : i32
        %dma_start3A_1123 = tpu.memref_slice %arg8[%dma_start3A_1121, %dma_start3A_1122] : memref<200x128xf32, #tpu.memory_space<vmem>> -> memref<40x128xf32, #tpu.memory_space<vmem>>
        %dma_start3A_1124 = tpu.memref_slice %arg6[%add3A_1120] : memref<25600xi32, #tpu.memory_space<vmem>> -> memref<40xi32, #tpu.memory_space<vmem>>
        %dma_start3A_1125 = arith.constant 0 : i32
        %dma_start3A_1126 = arith.constant 0 : i32
        %dma_start3A_1127 = tpu.memref_slice %arg3[%dma_start3A_1125, %dma_start3A_1126] : memref<100000x128xf32, #tpu.memory_space<hbm>> -> memref<100000x128xf32, #tpu.memory_space<hbm>>
        tpu.enqueue_indirect_dma source(%dma_start3A_1127 : memref<100000x128xf32, #tpu.memory_space<hbm>>) target(%dma_start3A_1123 : memref<40x128xf32, #tpu.memory_space<vmem>>) offsets(%dma_start3A_1124 : memref<40xi32, #tpu.memory_space<vmem>>) semaphore(%arg15 : memref<!tpu.dma_semaphore, #tpu.memory_space<semaphore_mem>>)
        %dma_start3A_1128 = arith.constant 80 : i32
        %dma_start3A_1129 = tpu.memref_slice %arg11[%dma_start3A_1128] : memref<200xf32, #tpu.memory_space<vmem>> -> memref<40xf32, #tpu.memory_space<vmem>>
        %dma_start3A_1130 = tpu.memref_slice %arg6[%add3A_1120] : memref<25600xi32, #tpu.memory_space<vmem>> -> memref<40xi32, #tpu.memory_space<vmem>>
        %dma_start3A_1131 = arith.constant 0 : i32
        %dma_start3A_1132 = tpu.memref_slice %arg4[%dma_start3A_1131] : memref<100000xf32, #tpu.memory_space<hbm>> -> memref<100000xf32, #tpu.memory_space<hbm>>
        tpu.enqueue_indirect_dma source(%dma_start3A_1132 : memref<100000xf32, #tpu.memory_space<hbm>>) target(%dma_start3A_1129 : memref<40xf32, #tpu.memory_space<vmem>>) offsets(%dma_start3A_1130 : memref<40xi32, #tpu.memory_space<vmem>>) semaphore(%arg15 : memref<!tpu.dma_semaphore, #tpu.memory_space<semaphore_mem>>)
        %mul3A_1133 = arith.constant 200 : i32
        %mul3A_1134 = arith.muli %add3A_1084, %mul3A_1133 : i32
        %add3A_1135 = arith.constant 120 : i32
        %add3A_1136 = arith.addi %mul3A_1134, %add3A_1135 : i32
        %dma_start3A_1137 = arith.constant 120 : i32
        %dma_start3A_1138 = arith.constant 0 : i32
        %dma_start3A_1139 = tpu.memref_slice %arg8[%dma_start3A_1137, %dma_start3A_1138] : memref<200x128xf32, #tpu.memory_space<vmem>> -> memref<40x128xf32, #tpu.memory_space<vmem>>
        %dma_start3A_1140 = tpu.memref_slice %arg6[%add3A_1136] : memref<25600xi32, #tpu.memory_space<vmem>> -> memref<40xi32, #tpu.memory_space<vmem>>
        %dma_start3A_1141 = arith.constant 0 : i32
        %dma_start3A_1142 = arith.constant 0 : i32
        %dma_start3A_1143 = tpu.memref_slice %arg3[%dma_start3A_1141, %dma_start3A_1142] : memref<100000x128xf32, #tpu.memory_space<hbm>> -> memref<100000x128xf32, #tpu.memory_space<hbm>>
        tpu.enqueue_indirect_dma source(%dma_start3A_1143 : memref<100000x128xf32, #tpu.memory_space<hbm>>) target(%dma_start3A_1139 : memref<40x128xf32, #tpu.memory_space<vmem>>) offsets(%dma_start3A_1140 : memref<40xi32, #tpu.memory_space<vmem>>) semaphore(%arg15 : memref<!tpu.dma_semaphore, #tpu.memory_space<semaphore_mem>>)
        %dma_start3A_1144 = arith.constant 120 : i32
        %dma_start3A_1145 = tpu.memref_slice %arg11[%dma_start3A_1144] : memref<200xf32, #tpu.memory_space<vmem>> -> memref<40xf32, #tpu.memory_space<vmem>>
        %dma_start3A_1146 = tpu.memref_slice %arg6[%add3A_1136] : memref<25600xi32, #tpu.memory_space<vmem>> -> memref<40xi32, #tpu.memory_space<vmem>>
        %dma_start3A_1147 = arith.constant 0 : i32
        %dma_start3A_1148 = tpu.memref_slice %arg4[%dma_start3A_1147] : memref<100000xf32, #tpu.memory_space<hbm>> -> memref<100000xf32, #tpu.memory_space<hbm>>
        tpu.enqueue_indirect_dma source(%dma_start3A_1148 : memref<100000xf32, #tpu.memory_space<hbm>>) target(%dma_start3A_1145 : memref<40xf32, #tpu.memory_space<vmem>>) offsets(%dma_start3A_1146 : memref<40xi32, #tpu.memory_space<vmem>>) semaphore(%arg15 : memref<!tpu.dma_semaphore, #tpu.memory_space<semaphore_mem>>)
        %mul3A_1149 = arith.constant 200 : i32
        %mul3A_1150 = arith.muli %add3A_1084, %mul3A_1149 : i32
        %add3A_1151 = arith.constant 160 : i32
        %add3A_1152 = arith.addi %mul3A_1150, %add3A_1151 : i32
        %dma_start3A_1153 = arith.constant 160 : i32
        %dma_start3A_1154 = arith.constant 0 : i32
        %dma_start3A_1155 = tpu.memref_slice %arg8[%dma_start3A_1153, %dma_start3A_1154] : memref<200x128xf32, #tpu.memory_space<vmem>> -> memref<40x128xf32, #tpu.memory_space<vmem>>
        %dma_start3A_1156 = tpu.memref_slice %arg6[%add3A_1152] : memref<25600xi32, #tpu.memory_space<vmem>> -> memref<40xi32, #tpu.memory_space<vmem>>
        %dma_start3A_1157 = arith.constant 0 : i32
        %dma_start3A_1158 = arith.constant 0 : i32
        %dma_start3A_1159 = tpu.memref_slice %arg3[%dma_start3A_1157, %dma_start3A_1158] : memref<100000x128xf32, #tpu.memory_space<hbm>> -> memref<100000x128xf32, #tpu.memory_space<hbm>>
        tpu.enqueue_indirect_dma source(%dma_start3A_1159 : memref<100000x128xf32, #tpu.memory_space<hbm>>) target(%dma_start3A_1155 : memref<40x128xf32, #tpu.memory_space<vmem>>) offsets(%dma_start3A_1156 : memref<40xi32, #tpu.memory_space<vmem>>) semaphore(%arg15 : memref<!tpu.dma_semaphore, #tpu.memory_space<semaphore_mem>>)
        %dma_start3A_1160 = arith.constant 160 : i32
        %dma_start3A_1161 = tpu.memref_slice %arg11[%dma_start3A_1160] : memref<200xf32, #tpu.memory_space<vmem>> -> memref<40xf32, #tpu.memory_space<vmem>>
        %dma_start3A_1162 = tpu.memref_slice %arg6[%add3A_1152] : memref<25600xi32, #tpu.memory_space<vmem>> -> memref<40xi32, #tpu.memory_space<vmem>>
        %dma_start3A_1163 = arith.constant 0 : i32
        %dma_start3A_1164 = tpu.memref_slice %arg4[%dma_start3A_1163] : memref<100000xf32, #tpu.memory_space<hbm>> -> memref<100000xf32, #tpu.memory_space<hbm>>
        tpu.enqueue_indirect_dma source(%dma_start3A_1164 : memref<100000xf32, #tpu.memory_space<hbm>>) target(%dma_start3A_1161 : memref<40xf32, #tpu.memory_space<vmem>>) offsets(%dma_start3A_1162 : memref<40xi32, #tpu.memory_space<vmem>>) semaphore(%arg15 : memref<!tpu.dma_semaphore, #tpu.memory_space<semaphore_mem>>)
      } else {
      }
      %dma_wait3A_906 = arith.constant 0 : i32
      %dma_wait3A_907 = arith.constant 0 : i32
      %dma_wait3A_908 = tpu.memref_slice %arg9[%dma_wait3A_906, %dma_wait3A_907] : memref<200x128xf32, #tpu.memory_space<vmem>> -> memref<40x128xf32, #tpu.memory_space<vmem>>
      %dma_wait3A_909 = arith.constant 0 : i32
      %dma_wait3A_910 = tpu.memref_slice %arg6[%dma_wait3A_909] : memref<25600xi32, #tpu.memory_space<vmem>> -> memref<40xi32, #tpu.memory_space<vmem>>
      %dma_wait3A_911 = arith.constant 0 : i32
      %dma_wait3A_912 = arith.constant 0 : i32
      %dma_wait3A_913 = tpu.memref_slice %arg3[%dma_wait3A_911, %dma_wait3A_912] : memref<100000x128xf32, #tpu.memory_space<hbm>> -> memref<100000x128xf32, #tpu.memory_space<hbm>>
      tpu.wait_indirect_dma semaphore(%arg16 : memref<!tpu.dma_semaphore, #tpu.memory_space<semaphore_mem>>) src(%dma_wait3A_913 : memref<100000x128xf32, #tpu.memory_space<hbm>>) dst(%dma_wait3A_908 : memref<40x128xf32, #tpu.memory_space<vmem>>)
      %dma_wait3A_914 = arith.constant 0 : i32
      %dma_wait3A_915 = tpu.memref_slice %arg12[%dma_wait3A_914] : memref<200xf32, #tpu.memory_space<vmem>> -> memref<40xf32, #tpu.memory_space<vmem>>
      %dma_wait3A_916 = arith.constant 0 : i32
      %dma_wait3A_917 = tpu.memref_slice %arg6[%dma_wait3A_916] : memref<25600xi32, #tpu.memory_space<vmem>> -> memref<40xi32, #tpu.memory_space<vmem>>
      %dma_wait3A_918 = arith.constant 0 : i32
      %dma_wait3A_919 = tpu.memref_slice %arg4[%dma_wait3A_918] : memref<100000xf32, #tpu.memory_space<hbm>> -> memref<100000xf32, #tpu.memory_space<hbm>>
      tpu.wait_indirect_dma semaphore(%arg16 : memref<!tpu.dma_semaphore, #tpu.memory_space<semaphore_mem>>) src(%dma_wait3A_919 : memref<100000xf32, #tpu.memory_space<hbm>>) dst(%dma_wait3A_915 : memref<40xf32, #tpu.memory_space<vmem>>)
      %dma_wait3A_920 = arith.constant 40 : i32
      %dma_wait3A_921 = arith.constant 0 : i32
      %dma_wait3A_922 = tpu.memref_slice %arg9[%dma_wait3A_920, %dma_wait3A_921] : memref<200x128xf32, #tpu.memory_space<vmem>> -> memref<40x128xf32, #tpu.memory_space<vmem>>
      %dma_wait3A_923 = arith.constant 40 : i32
      %dma_wait3A_924 = tpu.memref_slice %arg6[%dma_wait3A_923] : memref<25600xi32, #tpu.memory_space<vmem>> -> memref<40xi32, #tpu.memory_space<vmem>>
      %dma_wait3A_925 = arith.constant 0 : i32
      %dma_wait3A_926 = arith.constant 0 : i32
      %dma_wait3A_927 = tpu.memref_slice %arg3[%dma_wait3A_925, %dma_wait3A_926] : memref<100000x128xf32, #tpu.memory_space<hbm>> -> memref<100000x128xf32, #tpu.memory_space<hbm>>
      tpu.wait_indirect_dma semaphore(%arg16 : memref<!tpu.dma_semaphore, #tpu.memory_space<semaphore_mem>>) src(%dma_wait3A_927 : memref<100000x128xf32, #tpu.memory_space<hbm>>) dst(%dma_wait3A_922 : memref<40x128xf32, #tpu.memory_space<vmem>>)
      %dma_wait3A_928 = arith.constant 40 : i32
      %dma_wait3A_929 = tpu.memref_slice %arg12[%dma_wait3A_928] : memref<200xf32, #tpu.memory_space<vmem>> -> memref<40xf32, #tpu.memory_space<vmem>>
      %dma_wait3A_930 = arith.constant 40 : i32
      %dma_wait3A_931 = tpu.memref_slice %arg6[%dma_wait3A_930] : memref<25600xi32, #tpu.memory_space<vmem>> -> memref<40xi32, #tpu.memory_space<vmem>>
      %dma_wait3A_932 = arith.constant 0 : i32
      %dma_wait3A_933 = tpu.memref_slice %arg4[%dma_wait3A_932] : memref<100000xf32, #tpu.memory_space<hbm>> -> memref<100000xf32, #tpu.memory_space<hbm>>
      tpu.wait_indirect_dma semaphore(%arg16 : memref<!tpu.dma_semaphore, #tpu.memory_space<semaphore_mem>>) src(%dma_wait3A_933 : memref<100000xf32, #tpu.memory_space<hbm>>) dst(%dma_wait3A_929 : memref<40xf32, #tpu.memory_space<vmem>>)
      %dma_wait3A_934 = arith.constant 80 : i32
      %dma_wait3A_935 = arith.constant 0 : i32
      %dma_wait3A_936 = tpu.memref_slice %arg9[%dma_wait3A_934, %dma_wait3A_935] : memref<200x128xf32, #tpu.memory_space<vmem>> -> memref<40x128xf32, #tpu.memory_space<vmem>>
      %dma_wait3A_937 = arith.constant 80 : i32
      %dma_wait3A_938 = tpu.memref_slice %arg6[%dma_wait3A_937] : memref<25600xi32, #tpu.memory_space<vmem>> -> memref<40xi32, #tpu.memory_space<vmem>>
      %dma_wait3A_939 = arith.constant 0 : i32
      %dma_wait3A_940 = arith.constant 0 : i32
      %dma_wait3A_941 = tpu.memref_slice %arg3[%dma_wait3A_939, %dma_wait3A_940] : memref<100000x128xf32, #tpu.memory_space<hbm>> -> memref<100000x128xf32, #tpu.memory_space<hbm>>
      tpu.wait_indirect_dma semaphore(%arg16 : memref<!tpu.dma_semaphore, #tpu.memory_space<semaphore_mem>>) src(%dma_wait3A_941 : memref<100000x128xf32, #tpu.memory_space<hbm>>) dst(%dma_wait3A_936 : memref<40x128xf32, #tpu.memory_space<vmem>>)
      %dma_wait3A_942 = arith.constant 80 : i32
      %dma_wait3A_943 = tpu.memref_slice %arg12[%dma_wait3A_942] : memref<200xf32, #tpu.memory_space<vmem>> -> memref<40xf32, #tpu.memory_space<vmem>>
      %dma_wait3A_944 = arith.constant 80 : i32
      %dma_wait3A_945 = tpu.memref_slice %arg6[%dma_wait3A_944] : memref<25600xi32, #tpu.memory_space<vmem>> -> memref<40xi32, #tpu.memory_space<vmem>>
      %dma_wait3A_946 = arith.constant 0 : i32
      %dma_wait3A_947 = tpu.memref_slice %arg4[%dma_wait3A_946] : memref<100000xf32, #tpu.memory_space<hbm>> -> memref<100000xf32, #tpu.memory_space<hbm>>
      tpu.wait_indirect_dma semaphore(%arg16 : memref<!tpu.dma_semaphore, #tpu.memory_space<semaphore_mem>>) src(%dma_wait3A_947 : memref<100000xf32, #tpu.memory_space<hbm>>) dst(%dma_wait3A_943 : memref<40xf32, #tpu.memory_space<vmem>>)
      %dma_wait3A_948 = arith.constant 120 : i32
      %dma_wait3A_949 = arith.constant 0 : i32
      %dma_wait3A_950 = tpu.memref_slice %arg9[%dma_wait3A_948, %dma_wait3A_949] : memref<200x128xf32, #tpu.memory_space<vmem>> -> memref<40x128xf32, #tpu.memory_space<vmem>>
      %dma_wait3A_951 = arith.constant 120 : i32
      %dma_wait3A_952 = tpu.memref_slice %arg6[%dma_wait3A_951] : memref<25600xi32, #tpu.memory_space<vmem>> -> memref<40xi32, #tpu.memory_space<vmem>>
      %dma_wait3A_953 = arith.constant 0 : i32
      %dma_wait3A_954 = arith.constant 0 : i32
      %dma_wait3A_955 = tpu.memref_slice %arg3[%dma_wait3A_953, %dma_wait3A_954] : memref<100000x128xf32, #tpu.memory_space<hbm>> -> memref<100000x128xf32, #tpu.memory_space<hbm>>
      tpu.wait_indirect_dma semaphore(%arg16 : memref<!tpu.dma_semaphore, #tpu.memory_space<semaphore_mem>>) src(%dma_wait3A_955 : memref<100000x128xf32, #tpu.memory_space<hbm>>) dst(%dma_wait3A_950 : memref<40x128xf32, #tpu.memory_space<vmem>>)
      %dma_wait3A_956 = arith.constant 120 : i32
      %dma_wait3A_957 = tpu.memref_slice %arg12[%dma_wait3A_956] : memref<200xf32, #tpu.memory_space<vmem>> -> memref<40xf32, #tpu.memory_space<vmem>>
      %dma_wait3A_958 = arith.constant 120 : i32
      %dma_wait3A_959 = tpu.memref_slice %arg6[%dma_wait3A_958] : memref<25600xi32, #tpu.memory_space<vmem>> -> memref<40xi32, #tpu.memory_space<vmem>>
      %dma_wait3A_960 = arith.constant 0 : i32
      %dma_wait3A_961 = tpu.memref_slice %arg4[%dma_wait3A_960] : memref<100000xf32, #tpu.memory_space<hbm>> -> memref<100000xf32, #tpu.memory_space<hbm>>
      tpu.wait_indirect_dma semaphore(%arg16 : memref<!tpu.dma_semaphore, #tpu.memory_space<semaphore_mem>>) src(%dma_wait3A_961 : memref<100000xf32, #tpu.memory_space<hbm>>) dst(%dma_wait3A_957 : memref<40xf32, #tpu.memory_space<vmem>>)
      %dma_wait3A_962 = arith.constant 160 : i32
      %dma_wait3A_963 = arith.constant 0 : i32
      %dma_wait3A_964 = tpu.memref_slice %arg9[%dma_wait3A_962, %dma_wait3A_963] : memref<200x128xf32, #tpu.memory_space<vmem>> -> memref<40x128xf32, #tpu.memory_space<vmem>>
      %dma_wait3A_965 = arith.constant 160 : i32
      %dma_wait3A_966 = tpu.memref_slice %arg6[%dma_wait3A_965] : memref<25600xi32, #tpu.memory_space<vmem>> -> memref<40xi32, #tpu.memory_space<vmem>>
      %dma_wait3A_967 = arith.constant 0 : i32
      %dma_wait3A_968 = arith.constant 0 : i32
      %dma_wait3A_969 = tpu.memref_slice %arg3[%dma_wait3A_967, %dma_wait3A_968] : memref<100000x128xf32, #tpu.memory_space<hbm>> -> memref<100000x128xf32, #tpu.memory_space<hbm>>
      tpu.wait_indirect_dma semaphore(%arg16 : memref<!tpu.dma_semaphore, #tpu.memory_space<semaphore_mem>>) src(%dma_wait3A_969 : memref<100000x128xf32, #tpu.memory_space<hbm>>) dst(%dma_wait3A_964 : memref<40x128xf32, #tpu.memory_space<vmem>>)
      %dma_wait3A_970 = arith.constant 160 : i32
      %dma_wait3A_971 = tpu.memref_slice %arg12[%dma_wait3A_970] : memref<200xf32, #tpu.memory_space<vmem>> -> memref<40xf32, #tpu.memory_space<vmem>>
      %dma_wait3A_972 = arith.constant 160 : i32
      %dma_wait3A_973 = tpu.memref_slice %arg6[%dma_wait3A_972] : memref<25600xi32, #tpu.memory_space<vmem>> -> memref<40xi32, #tpu.memory_space<vmem>>
      %dma_wait3A_974 = arith.constant 0 : i32
      %dma_wait3A_975 = tpu.memref_slice %arg4[%dma_wait3A_974] : memref<100000xf32, #tpu.memory_space<hbm>> -> memref<100000xf32, #tpu.memory_space<hbm>>
      tpu.wait_indirect_dma semaphore(%arg16 : memref<!tpu.dma_semaphore, #tpu.memory_space<semaphore_mem>>) src(%dma_wait3A_975 : memref<100000xf32, #tpu.memory_space<hbm>>) dst(%dma_wait3A_971 : memref<40xf32, #tpu.memory_space<vmem>>)
      %add3A_976 = arith.constant 2 : i32
      %add3A_977 = arith.addi %add3A_558, %add3A_976 : i32
      %scan3A_978 = arith.constant 0 : i32
      %scan3A_979 = arith.constant 200 : i32
      %scan3A_980 = arith.addi %scan3A_978, %scan3A_979 : i32
      %scan3A_981 = arith.constant 2 : i32
      %scan3A_982:8 = scf.for %scan3A_1081 = %scan3A_978 to %scan3A_980 step %scan3A_981 iter_args(%scan3A_1082 = %broadcast_in_dim3A_5, %scan3A_1083 = %broadcast_in_dim3A_5, %scan3A_1084 = %broadcast_in_dim3A_5, %scan3A_1085 = %broadcast_in_dim3A_5, %scan3A_1086 = %broadcast_in_dim3A_5, %scan3A_1087 = %broadcast_in_dim3A_5, %scan3A_1088 = %broadcast_in_dim3A_5, %scan3A_1089 = %broadcast_in_dim3A_5) -> (vector<16xf32>, vector<16xf32>, vector<16xf32>, vector<16xf32>, vector<16xf32>, vector<16xf32>, vector<16xf32>, vector<16xf32>)  : i32 {
        %broadcast_in_dim3A_1090 = vector.broadcast %scan3A_1081 : i32 to vector<16xi32>
        %gather3A_1091 = tpu.vector_load_idx %arg12[%broadcast_in_dim3A_1090] : memref<200xf32, #tpu.memory_space<vmem>>[vector<16xi32>], vector<16xf32>,
        %get3A_1092 = arith.index_cast %scan3A_1081 : i32 to index
        %get3A_1093 = arith.constant 0 : index
        %get3A_1094 = tpu.vector_load %arg9[%get3A_1092, %get3A_1093] {strides = array<i32>} : memref<200x128xf32, #tpu.memory_space<vmem>>, vector<16xf32>,
        %mul3A_1095 = arith.mulf %gather3A_1091, %get3A_1094 : vector<16xf32>
        %add3A_1096 = arith.addf %scan3A_1082, %mul3A_1095 : vector<16xf32>
        %get3A_1097 = arith.index_cast %scan3A_1081 : i32 to index
        %get3A_1098 = arith.constant 16 : index
        %get3A_1099 = tpu.vector_load %arg9[%get3A_1097, %get3A_1098] {strides = array<i32>} : memref<200x128xf32, #tpu.memory_space<vmem>>, vector<16xf32>,
        %mul3A_1100 = arith.mulf %gather3A_1091, %get3A_1099 : vector<16xf32>
        %add3A_1101 = arith.addf %scan3A_1083, %mul3A_1100 : vector<16xf32>
        %get3A_1102 = arith.index_cast %scan3A_1081 : i32 to index
        %get3A_1103 = arith.constant 32 : index
        %get3A_1104 = tpu.vector_load %arg9[%get3A_1102, %get3A_1103] {strides = array<i32>} : memref<200x128xf32, #tpu.memory_space<vmem>>, vector<16xf32>,
        %mul3A_1105 = arith.mulf %gather3A_1091, %get3A_1104 : vector<16xf32>
        %add3A_1106 = arith.addf %scan3A_1084, %mul3A_1105 : vector<16xf32>
        %get3A_1107 = arith.index_cast %scan3A_1081 : i32 to index
        %get3A_1108 = arith.constant 48 : index
        %get3A_1109 = tpu.vector_load %arg9[%get3A_1107, %get3A_1108] {strides = array<i32>} : memref<200x128xf32, #tpu.memory_space<vmem>>, vector<16xf32>,
        %mul3A_1110 = arith.mulf %gather3A_1091, %get3A_1109 : vector<16xf32>
        %add3A_1111 = arith.addf %scan3A_1085, %mul3A_1110 : vector<16xf32>
        %get3A_1112 = arith.index_cast %scan3A_1081 : i32 to index
        %get3A_1113 = arith.constant 64 : index
        %get3A_1114 = tpu.vector_load %arg9[%get3A_1112, %get3A_1113] {strides = array<i32>} : memref<200x128xf32, #tpu.memory_space<vmem>>, vector<16xf32>,
        %mul3A_1115 = arith.mulf %gather3A_1091, %get3A_1114 : vector<16xf32>
        %add3A_1116 = arith.addf %scan3A_1086, %mul3A_1115 : vector<16xf32>
        %get3A_1117 = arith.index_cast %scan3A_1081 : i32 to index
        %get3A_1118 = arith.constant 80 : index
        %get3A_1119 = tpu.vector_load %arg9[%get3A_1117, %get3A_1118] {strides = array<i32>} : memref<200x128xf32, #tpu.memory_space<vmem>>, vector<16xf32>,
        %mul3A_1120 = arith.mulf %gather3A_1091, %get3A_1119 : vector<16xf32>
        %add3A_1121 = arith.addf %scan3A_1087, %mul3A_1120 : vector<16xf32>
        %get3A_1122 = arith.index_cast %scan3A_1081 : i32 to index
        %get3A_1123 = arith.constant 96 : index
        %get3A_1124 = tpu.vector_load %arg9[%get3A_1122, %get3A_1123] {strides = array<i32>} : memref<200x128xf32, #tpu.memory_space<vmem>>, vector<16xf32>,
        %mul3A_1125 = arith.mulf %gather3A_1091, %get3A_1124 : vector<16xf32>
        %add3A_1126 = arith.addf %scan3A_1088, %mul3A_1125 : vector<16xf32>
        %get3A_1127 = arith.index_cast %scan3A_1081 : i32 to index
        %get3A_1128 = arith.constant 112 : index
        %get3A_1129 = tpu.vector_load %arg9[%get3A_1127, %get3A_1128] {strides = array<i32>} : memref<200x128xf32, #tpu.memory_space<vmem>>, vector<16xf32>,
        %mul3A_1130 = arith.mulf %gather3A_1091, %get3A_1129 : vector<16xf32>
        %add3A_1131 = arith.addf %scan3A_1089, %mul3A_1130 : vector<16xf32>
        %scan3A_1132 = arith.constant 1 : i32
        %scan3A_1133 = arith.addi %scan3A_1081, %scan3A_1132 : i32
        %broadcast_in_dim3A_1134 = vector.broadcast %scan3A_1133 : i32 to vector<16xi32>
        %gather3A_1135 = tpu.vector_load_idx %arg12[%broadcast_in_dim3A_1134] : memref<200xf32, #tpu.memory_space<vmem>>[vector<16xi32>], vector<16xf32>,
        %get3A_1136 = arith.index_cast %scan3A_1133 : i32 to index
        %get3A_1137 = arith.constant 0 : index
        %get3A_1138 = tpu.vector_load %arg9[%get3A_1136, %get3A_1137] {strides = array<i32>} : memref<200x128xf32, #tpu.memory_space<vmem>>, vector<16xf32>,
        %mul3A_1139 = arith.mulf %gather3A_1135, %get3A_1138 : vector<16xf32>
        %add3A_1140 = arith.addf %add3A_1096, %mul3A_1139 : vector<16xf32>
        %get3A_1141 = arith.index_cast %scan3A_1133 : i32 to index
        %get3A_1142 = arith.constant 16 : index
        %get3A_1143 = tpu.vector_load %arg9[%get3A_1141, %get3A_1142] {strides = array<i32>} : memref<200x128xf32, #tpu.memory_space<vmem>>, vector<16xf32>,
        %mul3A_1144 = arith.mulf %gather3A_1135, %get3A_1143 : vector<16xf32>
        %add3A_1145 = arith.addf %add3A_1101, %mul3A_1144 : vector<16xf32>
        %get3A_1146 = arith.index_cast %scan3A_1133 : i32 to index
        %get3A_1147 = arith.constant 32 : index
        %get3A_1148 = tpu.vector_load %arg9[%get3A_1146, %get3A_1147] {strides = array<i32>} : memref<200x128xf32, #tpu.memory_space<vmem>>, vector<16xf32>,
        %mul3A_1149 = arith.mulf %gather3A_1135, %get3A_1148 : vector<16xf32>
        %add3A_1150 = arith.addf %add3A_1106, %mul3A_1149 : vector<16xf32>
        %get3A_1151 = arith.index_cast %scan3A_1133 : i32 to index
        %get3A_1152 = arith.constant 48 : index
        %get3A_1153 = tpu.vector_load %arg9[%get3A_1151, %get3A_1152] {strides = array<i32>} : memref<200x128xf32, #tpu.memory_space<vmem>>, vector<16xf32>,
        %mul3A_1154 = arith.mulf %gather3A_1135, %get3A_1153 : vector<16xf32>
        %add3A_1155 = arith.addf %add3A_1111, %mul3A_1154 : vector<16xf32>
        %get3A_1156 = arith.index_cast %scan3A_1133 : i32 to index
        %get3A_1157 = arith.constant 64 : index
        %get3A_1158 = tpu.vector_load %arg9[%get3A_1156, %get3A_1157] {strides = array<i32>} : memref<200x128xf32, #tpu.memory_space<vmem>>, vector<16xf32>,
        %mul3A_1159 = arith.mulf %gather3A_1135, %get3A_1158 : vector<16xf32>
        %add3A_1160 = arith.addf %add3A_1116, %mul3A_1159 : vector<16xf32>
        %get3A_1161 = arith.index_cast %scan3A_1133 : i32 to index
        %get3A_1162 = arith.constant 80 : index
        %get3A_1163 = tpu.vector_load %arg9[%get3A_1161, %get3A_1162] {strides = array<i32>} : memref<200x128xf32, #tpu.memory_space<vmem>>, vector<16xf32>,
        %mul3A_1164 = arith.mulf %gather3A_1135, %get3A_1163 : vector<16xf32>
        %add3A_1165 = arith.addf %add3A_1121, %mul3A_1164 : vector<16xf32>
        %get3A_1166 = arith.index_cast %scan3A_1133 : i32 to index
        %get3A_1167 = arith.constant 96 : index
        %get3A_1168 = tpu.vector_load %arg9[%get3A_1166, %get3A_1167] {strides = array<i32>} : memref<200x128xf32, #tpu.memory_space<vmem>>, vector<16xf32>,
        %mul3A_1169 = arith.mulf %gather3A_1135, %get3A_1168 : vector<16xf32>
        %add3A_1170 = arith.addf %add3A_1126, %mul3A_1169 : vector<16xf32>
        %get3A_1171 = arith.index_cast %scan3A_1133 : i32 to index
        %get3A_1172 = arith.constant 112 : index
        %get3A_1173 = tpu.vector_load %arg9[%get3A_1171, %get3A_1172] {strides = array<i32>} : memref<200x128xf32, #tpu.memory_space<vmem>>, vector<16xf32>,
        %mul3A_1174 = arith.mulf %gather3A_1135, %get3A_1173 : vector<16xf32>
        %add3A_1175 = arith.addf %add3A_1131, %mul3A_1174 : vector<16xf32>
        scf.yield %add3A_1140, %add3A_1145, %add3A_1150, %add3A_1155, %add3A_1160, %add3A_1165, %add3A_1170, %add3A_1175 : vector<16xf32>, vector<16xf32>, vector<16xf32>, vector<16xf32>, vector<16xf32>, vector<16xf32>, vector<16xf32>, vector<16xf32>
      }
      %scan3A_983 = arith.constant 200 : i32
      %get3A_984 = arith.constant 0 : index
      %get3A_985 = tpu.vector_load %arg12[%get3A_984] {strides = array<i32>} : memref<200xf32, #tpu.memory_space<vmem>>, vector<16xf32>,
      %add3A_986 = arith.addf %broadcast_in_dim3A_5, %get3A_985 : vector<16xf32>
      %get3A_987 = arith.constant 16 : index
      %get3A_988 = tpu.vector_load %arg12[%get3A_987] {strides = array<i32>} : memref<200xf32, #tpu.memory_space<vmem>>, vector<16xf32>,
      %add3A_989 = arith.addf %add3A_986, %get3A_988 : vector<16xf32>
      %get3A_990 = arith.constant 32 : index
      %get3A_991 = tpu.vector_load %arg12[%get3A_990] {strides = array<i32>} : memref<200xf32, #tpu.memory_space<vmem>>, vector<16xf32>,
      %add3A_992 = arith.addf %add3A_989, %get3A_991 : vector<16xf32>
      %get3A_993 = arith.constant 48 : index
      %get3A_994 = tpu.vector_load %arg12[%get3A_993] {strides = array<i32>} : memref<200xf32, #tpu.memory_space<vmem>>, vector<16xf32>,
      %add3A_995 = arith.addf %add3A_992, %get3A_994 : vector<16xf32>
      %get3A_996 = arith.constant 64 : index
      %get3A_997 = tpu.vector_load %arg12[%get3A_996] {strides = array<i32>} : memref<200xf32, #tpu.memory_space<vmem>>, vector<16xf32>,
      %add3A_998 = arith.addf %add3A_995, %get3A_997 : vector<16xf32>
      %get3A_999 = arith.constant 80 : index
      %get3A_1000 = tpu.vector_load %arg12[%get3A_999] {strides = array<i32>} : memref<200xf32, #tpu.memory_space<vmem>>, vector<16xf32>,
      %add3A_1001 = arith.addf %add3A_998, %get3A_1000 : vector<16xf32>
      %get3A_1002 = arith.constant 96 : index
      %get3A_1003 = tpu.vector_load %arg12[%get3A_1002] {strides = array<i32>} : memref<200xf32, #tpu.memory_space<vmem>>, vector<16xf32>,
      %add3A_1004 = arith.addf %add3A_1001, %get3A_1003 : vector<16xf32>
      %get3A_1005 = arith.constant 112 : index
      %get3A_1006 = tpu.vector_load %arg12[%get3A_1005] {strides = array<i32>} : memref<200xf32, #tpu.memory_space<vmem>>, vector<16xf32>,
      %add3A_1007 = arith.addf %add3A_1004, %get3A_1006 : vector<16xf32>
      %get3A_1008 = arith.constant 128 : index
      %get3A_1009 = tpu.vector_load %arg12[%get3A_1008] {strides = array<i32>} : memref<200xf32, #tpu.memory_space<vmem>>, vector<16xf32>,
      %add3A_1010 = arith.addf %add3A_1007, %get3A_1009 : vector<16xf32>
      %get3A_1011 = arith.constant 144 : index
      %get3A_1012 = tpu.vector_load %arg12[%get3A_1011] {strides = array<i32>} : memref<200xf32, #tpu.memory_space<vmem>>, vector<16xf32>,
      %add3A_1013 = arith.addf %add3A_1010, %get3A_1012 : vector<16xf32>
      %get3A_1014 = arith.constant 160 : index
      %get3A_1015 = tpu.vector_load %arg12[%get3A_1014] {strides = array<i32>} : memref<200xf32, #tpu.memory_space<vmem>>, vector<16xf32>,
      %add3A_1016 = arith.addf %add3A_1013, %get3A_1015 : vector<16xf32>
      %get3A_1017 = arith.constant 176 : index
      %get3A_1018 = tpu.vector_load %arg12[%get3A_1017] {strides = array<i32>} : memref<200xf32, #tpu.memory_space<vmem>>, vector<16xf32>,
      %add3A_1019 = arith.addf %add3A_1016, %get3A_1018 : vector<16xf32>
      %ge3A_1020 = arith.constant 8 : i32
      %ge3A_1021 = vector.broadcast %ge3A_1020 : i32 to vector<16xi32>
      %ge3A_1022 = arith.cmpi sge, %iota3A, %ge3A_1021 : vector<16xi32>
      %get3A_1023 = arith.constant 184 : index
      %get3A_1024 = tpu.vector_load %arg12[%get3A_1023] {strides = array<i32>} : memref<200xf32, #tpu.memory_space<vmem>>, vector<16xf32>,
      %jit3A_1025 = arith.constant 0.000000e+00 : f32
      %broadcast_in_dim3A_1026 = vector.broadcast %jit3A_1025 : f32 to vector<16xf32>
      %select_n3A_1027 = arith.select %ge3A_1022, %get3A_1024, %broadcast_in_dim3A_1026 : vector<16xi1>, vector<16xf32>
      %add3A_1028 = arith.addf %add3A_1019, %select_n3A_1027 : vector<16xf32>
      %broadcast_in_dim3A_1029 = arith.constant true
      %broadcast_in_dim3A_1030 = vector.broadcast %broadcast_in_dim3A_1029 : i1 to vector<16xi1>
      %masked_cumsum3A_1031 = tpu.scan <sum>, %add3A_1028 masked %broadcast_in_dim3A_1030 : vector<16xf32>, vector<16xi1> -> vector<16xf32>
      %swap3A_1032 = arith.constant 0 : index
      %swap3A_1033 = tpu.vector_load %arg12[%swap3A_1032] {strides = array<i32>} : memref<200xf32, #tpu.memory_space<vmem>>, vector<16xf32>,
      tpu.vector_store %arg12[%swap3A_1032], %masked_cumsum3A_1031 {strides = array<i32>} : memref<200xf32, #tpu.memory_space<vmem>>, vector<16xf32>,
      %broadcast_in_dim3A_1034 = arith.constant 15 : i32
      %broadcast_in_dim3A_1035 = vector.broadcast %broadcast_in_dim3A_1034 : i32 to vector<16xi32>
      %gather3A_1036 = tpu.vector_load_idx %arg12[%broadcast_in_dim3A_1035] : memref<200xf32, #tpu.memory_space<vmem>>[vector<16xi32>], vector<16xf32>,
      %div3A_1037 = arith.constant 1.000000e+00 : f32
      %div3A_1038 = vector.broadcast %div3A_1037 : f32 to vector<16xf32>
      %div3A_1039 = arith.divf %div3A_1038, %gather3A_1036 : vector<16xf32>
      %mul3A_1040 = arith.mulf %scan3A_982#0, %div3A_1039 : vector<16xf32>
      %swap3A_1041 = arith.index_cast %add3A_977 : i32 to index
      %swap3A_1042 = arith.constant 0 : index
      %swap3A_1043 = tpu.vector_load %arg13[%swap3A_1041, %swap3A_1042] {strides = array<i32>} : memref<128x128xf32, #tpu.memory_space<vmem>>, vector<16xf32>,
      tpu.vector_store %arg13[%swap3A_1041, %swap3A_1042], %mul3A_1040 {strides = array<i32>} : memref<128x128xf32, #tpu.memory_space<vmem>>, vector<16xf32>,
      %mul3A_1044 = arith.mulf %scan3A_982#1, %div3A_1039 : vector<16xf32>
      %swap3A_1045 = arith.index_cast %add3A_977 : i32 to index
      %swap3A_1046 = arith.constant 16 : index
      %swap3A_1047 = tpu.vector_load %arg13[%swap3A_1045, %swap3A_1046] {strides = array<i32>} : memref<128x128xf32, #tpu.memory_space<vmem>>, vector<16xf32>,
      tpu.vector_store %arg13[%swap3A_1045, %swap3A_1046], %mul3A_1044 {strides = array<i32>} : memref<128x128xf32, #tpu.memory_space<vmem>>, vector<16xf32>,
      %mul3A_1048 = arith.mulf %scan3A_982#2, %div3A_1039 : vector<16xf32>
      %swap3A_1049 = arith.index_cast %add3A_977 : i32 to index
      %swap3A_1050 = arith.constant 32 : index
      %swap3A_1051 = tpu.vector_load %arg13[%swap3A_1049, %swap3A_1050] {strides = array<i32>} : memref<128x128xf32, #tpu.memory_space<vmem>>, vector<16xf32>,
      tpu.vector_store %arg13[%swap3A_1049, %swap3A_1050], %mul3A_1048 {strides = array<i32>} : memref<128x128xf32, #tpu.memory_space<vmem>>, vector<16xf32>,
      %mul3A_1052 = arith.mulf %scan3A_982#3, %div3A_1039 : vector<16xf32>
      %swap3A_1053 = arith.index_cast %add3A_977 : i32 to index
      %swap3A_1054 = arith.constant 48 : index
      %swap3A_1055 = tpu.vector_load %arg13[%swap3A_1053, %swap3A_1054] {strides = array<i32>} : memref<128x128xf32, #tpu.memory_space<vmem>>, vector<16xf32>,
      tpu.vector_store %arg13[%swap3A_1053, %swap3A_1054], %mul3A_1052 {strides = array<i32>} : memref<128x128xf32, #tpu.memory_space<vmem>>, vector<16xf32>,
      %mul3A_1056 = arith.mulf %scan3A_982#4, %div3A_1039 : vector<16xf32>
      %swap3A_1057 = arith.index_cast %add3A_977 : i32 to index
      %swap3A_1058 = arith.constant 64 : index
      %swap3A_1059 = tpu.vector_load %arg13[%swap3A_1057, %swap3A_1058] {strides = array<i32>} : memref<128x128xf32, #tpu.memory_space<vmem>>, vector<16xf32>,
      tpu.vector_store %arg13[%swap3A_1057, %swap3A_1058], %mul3A_1056 {strides = array<i32>} : memref<128x128xf32, #tpu.memory_space<vmem>>, vector<16xf32>,
      %mul3A_1060 = arith.mulf %scan3A_982#5, %div3A_1039 : vector<16xf32>
      %swap3A_1061 = arith.index_cast %add3A_977 : i32 to index
      %swap3A_1062 = arith.constant 80 : index
      %swap3A_1063 = tpu.vector_load %arg13[%swap3A_1061, %swap3A_1062] {strides = array<i32>} : memref<128x128xf32, #tpu.memory_space<vmem>>, vector<16xf32>,
      tpu.vector_store %arg13[%swap3A_1061, %swap3A_1062], %mul3A_1060 {strides = array<i32>} : memref<128x128xf32, #tpu.memory_space<vmem>>, vector<16xf32>,
      %mul3A_1064 = arith.mulf %scan3A_982#6, %div3A_1039 : vector<16xf32>
      %swap3A_1065 = arith.index_cast %add3A_977 : i32 to index
      %swap3A_1066 = arith.constant 96 : index
      %swap3A_1067 = tpu.vector_load %arg13[%swap3A_1065, %swap3A_1066] {strides = array<i32>} : memref<128x128xf32, #tpu.memory_space<vmem>>, vector<16xf32>,
      tpu.vector_store %arg13[%swap3A_1065, %swap3A_1066], %mul3A_1064 {strides = array<i32>} : memref<128x128xf32, #tpu.memory_space<vmem>>, vector<16xf32>,
      %mul3A_1068 = arith.mulf %scan3A_982#7, %div3A_1039 : vector<16xf32>
      %swap3A_1069 = arith.index_cast %add3A_977 : i32 to index
      %swap3A_1070 = arith.constant 112 : index
      %swap3A_1071 = tpu.vector_load %arg13[%swap3A_1069, %swap3A_1070] {strides = array<i32>} : memref<128x128xf32, #tpu.memory_space<vmem>>, vector<16xf32>,
      tpu.vector_store %arg13[%swap3A_1069, %swap3A_1070], %mul3A_1068 {strides = array<i32>} : memref<128x128xf32, #tpu.memory_space<vmem>>, vector<16xf32>,
      %add3A_1072 = arith.constant 2 : i32
      %add3A_1073 = arith.addi %add3A_558, %add3A_1072 : i32
      %add3A_1074 = arith.constant 3 : i32
      %add3A_1075 = arith.addi %add3A_1073, %add3A_1074 : i32
      %lt3A_1076 = arith.constant 128 : i32
      %lt3A_1077 = arith.cmpi slt, %add3A_1075, %lt3A_1076 : i32
      %convert_element_type3A_1078 = arith.extui %lt3A_1077 : i1 to i32
      %cond3A_1079 = arith.constant 0 : i32
      %cond3A_1080 = arith.cmpi ne, %convert_element_type3A_1078, %cond3A_1079 : i32
      scf.if %cond3A_1080 {
        %add3A_1081 = arith.constant 2 : i32
        %add3A_1082 = arith.addi %add3A_558, %add3A_1081 : i32
        %add3A_1083 = arith.constant 3 : i32
        %add3A_1084 = arith.addi %add3A_1082, %add3A_1083 : i32
        %mul3A_1085 = arith.constant 200 : i32
        %mul3A_1086 = arith.muli %add3A_1084, %mul3A_1085 : i32
        %add3A_1087 = arith.constant 0 : i32
        %add3A_1088 = arith.addi %mul3A_1086, %add3A_1087 : i32
        %dma_start3A_1089 = arith.constant 0 : i32
        %dma_start3A_1090 = arith.constant 0 : i32
        %dma_start3A_1091 = tpu.memref_slice %arg9[%dma_start3A_1089, %dma_start3A_1090] : memref<200x128xf32, #tpu.memory_space<vmem>> -> memref<40x128xf32, #tpu.memory_space<vmem>>
        %dma_start3A_1092 = tpu.memref_slice %arg6[%add3A_1088] : memref<25600xi32, #tpu.memory_space<vmem>> -> memref<40xi32, #tpu.memory_space<vmem>>
        %dma_start3A_1093 = arith.constant 0 : i32
        %dma_start3A_1094 = arith.constant 0 : i32
        %dma_start3A_1095 = tpu.memref_slice %arg3[%dma_start3A_1093, %dma_start3A_1094] : memref<100000x128xf32, #tpu.memory_space<hbm>> -> memref<100000x128xf32, #tpu.memory_space<hbm>>
        tpu.enqueue_indirect_dma source(%dma_start3A_1095 : memref<100000x128xf32, #tpu.memory_space<hbm>>) target(%dma_start3A_1091 : memref<40x128xf32, #tpu.memory_space<vmem>>) offsets(%dma_start3A_1092 : memref<40xi32, #tpu.memory_space<vmem>>) semaphore(%arg16 : memref<!tpu.dma_semaphore, #tpu.memory_space<semaphore_mem>>)
        %dma_start3A_1096 = arith.constant 0 : i32
        %dma_start3A_1097 = tpu.memref_slice %arg12[%dma_start3A_1096] : memref<200xf32, #tpu.memory_space<vmem>> -> memref<40xf32, #tpu.memory_space<vmem>>
        %dma_start3A_1098 = tpu.memref_slice %arg6[%add3A_1088] : memref<25600xi32, #tpu.memory_space<vmem>> -> memref<40xi32, #tpu.memory_space<vmem>>
        %dma_start3A_1099 = arith.constant 0 : i32
        %dma_start3A_1100 = tpu.memref_slice %arg4[%dma_start3A_1099] : memref<100000xf32, #tpu.memory_space<hbm>> -> memref<100000xf32, #tpu.memory_space<hbm>>
        tpu.enqueue_indirect_dma source(%dma_start3A_1100 : memref<100000xf32, #tpu.memory_space<hbm>>) target(%dma_start3A_1097 : memref<40xf32, #tpu.memory_space<vmem>>) offsets(%dma_start3A_1098 : memref<40xi32, #tpu.memory_space<vmem>>) semaphore(%arg16 : memref<!tpu.dma_semaphore, #tpu.memory_space<semaphore_mem>>)
        %mul3A_1101 = arith.constant 200 : i32
        %mul3A_1102 = arith.muli %add3A_1084, %mul3A_1101 : i32
        %add3A_1103 = arith.constant 40 : i32
        %add3A_1104 = arith.addi %mul3A_1102, %add3A_1103 : i32
        %dma_start3A_1105 = arith.constant 40 : i32
        %dma_start3A_1106 = arith.constant 0 : i32
        %dma_start3A_1107 = tpu.memref_slice %arg9[%dma_start3A_1105, %dma_start3A_1106] : memref<200x128xf32, #tpu.memory_space<vmem>> -> memref<40x128xf32, #tpu.memory_space<vmem>>
        %dma_start3A_1108 = tpu.memref_slice %arg6[%add3A_1104] : memref<25600xi32, #tpu.memory_space<vmem>> -> memref<40xi32, #tpu.memory_space<vmem>>
        %dma_start3A_1109 = arith.constant 0 : i32
        %dma_start3A_1110 = arith.constant 0 : i32
        %dma_start3A_1111 = tpu.memref_slice %arg3[%dma_start3A_1109, %dma_start3A_1110] : memref<100000x128xf32, #tpu.memory_space<hbm>> -> memref<100000x128xf32, #tpu.memory_space<hbm>>
        tpu.enqueue_indirect_dma source(%dma_start3A_1111 : memref<100000x128xf32, #tpu.memory_space<hbm>>) target(%dma_start3A_1107 : memref<40x128xf32, #tpu.memory_space<vmem>>) offsets(%dma_start3A_1108 : memref<40xi32, #tpu.memory_space<vmem>>) semaphore(%arg16 : memref<!tpu.dma_semaphore, #tpu.memory_space<semaphore_mem>>)
        %dma_start3A_1112 = arith.constant 40 : i32
        %dma_start3A_1113 = tpu.memref_slice %arg12[%dma_start3A_1112] : memref<200xf32, #tpu.memory_space<vmem>> -> memref<40xf32, #tpu.memory_space<vmem>>
        %dma_start3A_1114 = tpu.memref_slice %arg6[%add3A_1104] : memref<25600xi32, #tpu.memory_space<vmem>> -> memref<40xi32, #tpu.memory_space<vmem>>
        %dma_start3A_1115 = arith.constant 0 : i32
        %dma_start3A_1116 = tpu.memref_slice %arg4[%dma_start3A_1115] : memref<100000xf32, #tpu.memory_space<hbm>> -> memref<100000xf32, #tpu.memory_space<hbm>>
        tpu.enqueue_indirect_dma source(%dma_start3A_1116 : memref<100000xf32, #tpu.memory_space<hbm>>) target(%dma_start3A_1113 : memref<40xf32, #tpu.memory_space<vmem>>) offsets(%dma_start3A_1114 : memref<40xi32, #tpu.memory_space<vmem>>) semaphore(%arg16 : memref<!tpu.dma_semaphore, #tpu.memory_space<semaphore_mem>>)
        %mul3A_1117 = arith.constant 200 : i32
        %mul3A_1118 = arith.muli %add3A_1084, %mul3A_1117 : i32
        %add3A_1119 = arith.constant 80 : i32
        %add3A_1120 = arith.addi %mul3A_1118, %add3A_1119 : i32
        %dma_start3A_1121 = arith.constant 80 : i32
        %dma_start3A_1122 = arith.constant 0 : i32
        %dma_start3A_1123 = tpu.memref_slice %arg9[%dma_start3A_1121, %dma_start3A_1122] : memref<200x128xf32, #tpu.memory_space<vmem>> -> memref<40x128xf32, #tpu.memory_space<vmem>>
        %dma_start3A_1124 = tpu.memref_slice %arg6[%add3A_1120] : memref<25600xi32, #tpu.memory_space<vmem>> -> memref<40xi32, #tpu.memory_space<vmem>>
        %dma_start3A_1125 = arith.constant 0 : i32
        %dma_start3A_1126 = arith.constant 0 : i32
        %dma_start3A_1127 = tpu.memref_slice %arg3[%dma_start3A_1125, %dma_start3A_1126] : memref<100000x128xf32, #tpu.memory_space<hbm>> -> memref<100000x128xf32, #tpu.memory_space<hbm>>
        tpu.enqueue_indirect_dma source(%dma_start3A_1127 : memref<100000x128xf32, #tpu.memory_space<hbm>>) target(%dma_start3A_1123 : memref<40x128xf32, #tpu.memory_space<vmem>>) offsets(%dma_start3A_1124 : memref<40xi32, #tpu.memory_space<vmem>>) semaphore(%arg16 : memref<!tpu.dma_semaphore, #tpu.memory_space<semaphore_mem>>)
        %dma_start3A_1128 = arith.constant 80 : i32
        %dma_start3A_1129 = tpu.memref_slice %arg12[%dma_start3A_1128] : memref<200xf32, #tpu.memory_space<vmem>> -> memref<40xf32, #tpu.memory_space<vmem>>
        %dma_start3A_1130 = tpu.memref_slice %arg6[%add3A_1120] : memref<25600xi32, #tpu.memory_space<vmem>> -> memref<40xi32, #tpu.memory_space<vmem>>
        %dma_start3A_1131 = arith.constant 0 : i32
        %dma_start3A_1132 = tpu.memref_slice %arg4[%dma_start3A_1131] : memref<100000xf32, #tpu.memory_space<hbm>> -> memref<100000xf32, #tpu.memory_space<hbm>>
        tpu.enqueue_indirect_dma source(%dma_start3A_1132 : memref<100000xf32, #tpu.memory_space<hbm>>) target(%dma_start3A_1129 : memref<40xf32, #tpu.memory_space<vmem>>) offsets(%dma_start3A_1130 : memref<40xi32, #tpu.memory_space<vmem>>) semaphore(%arg16 : memref<!tpu.dma_semaphore, #tpu.memory_space<semaphore_mem>>)
        %mul3A_1133 = arith.constant 200 : i32
        %mul3A_1134 = arith.muli %add3A_1084, %mul3A_1133 : i32
        %add3A_1135 = arith.constant 120 : i32
        %add3A_1136 = arith.addi %mul3A_1134, %add3A_1135 : i32
        %dma_start3A_1137 = arith.constant 120 : i32
        %dma_start3A_1138 = arith.constant 0 : i32
        %dma_start3A_1139 = tpu.memref_slice %arg9[%dma_start3A_1137, %dma_start3A_1138] : memref<200x128xf32, #tpu.memory_space<vmem>> -> memref<40x128xf32, #tpu.memory_space<vmem>>
        %dma_start3A_1140 = tpu.memref_slice %arg6[%add3A_1136] : memref<25600xi32, #tpu.memory_space<vmem>> -> memref<40xi32, #tpu.memory_space<vmem>>
        %dma_start3A_1141 = arith.constant 0 : i32
        %dma_start3A_1142 = arith.constant 0 : i32
        %dma_start3A_1143 = tpu.memref_slice %arg3[%dma_start3A_1141, %dma_start3A_1142] : memref<100000x128xf32, #tpu.memory_space<hbm>> -> memref<100000x128xf32, #tpu.memory_space<hbm>>
        tpu.enqueue_indirect_dma source(%dma_start3A_1143 : memref<100000x128xf32, #tpu.memory_space<hbm>>) target(%dma_start3A_1139 : memref<40x128xf32, #tpu.memory_space<vmem>>) offsets(%dma_start3A_1140 : memref<40xi32, #tpu.memory_space<vmem>>) semaphore(%arg16 : memref<!tpu.dma_semaphore, #tpu.memory_space<semaphore_mem>>)
        %dma_start3A_1144 = arith.constant 120 : i32
        %dma_start3A_1145 = tpu.memref_slice %arg12[%dma_start3A_1144] : memref<200xf32, #tpu.memory_space<vmem>> -> memref<40xf32, #tpu.memory_space<vmem>>
        %dma_start3A_1146 = tpu.memref_slice %arg6[%add3A_1136] : memref<25600xi32, #tpu.memory_space<vmem>> -> memref<40xi32, #tpu.memory_space<vmem>>
        %dma_start3A_1147 = arith.constant 0 : i32
        %dma_start3A_1148 = tpu.memref_slice %arg4[%dma_start3A_1147] : memref<100000xf32, #tpu.memory_space<hbm>> -> memref<100000xf32, #tpu.memory_space<hbm>>
        tpu.enqueue_indirect_dma source(%dma_start3A_1148 : memref<100000xf32, #tpu.memory_space<hbm>>) target(%dma_start3A_1145 : memref<40xf32, #tpu.memory_space<vmem>>) offsets(%dma_start3A_1146 : memref<40xi32, #tpu.memory_space<vmem>>) semaphore(%arg16 : memref<!tpu.dma_semaphore, #tpu.memory_space<semaphore_mem>>)
        %mul3A_1149 = arith.constant 200 : i32
        %mul3A_1150 = arith.muli %add3A_1084, %mul3A_1149 : i32
        %add3A_1151 = arith.constant 160 : i32
        %add3A_1152 = arith.addi %mul3A_1150, %add3A_1151 : i32
        %dma_start3A_1153 = arith.constant 160 : i32
        %dma_start3A_1154 = arith.constant 0 : i32
        %dma_start3A_1155 = tpu.memref_slice %arg9[%dma_start3A_1153, %dma_start3A_1154] : memref<200x128xf32, #tpu.memory_space<vmem>> -> memref<40x128xf32, #tpu.memory_space<vmem>>
        %dma_start3A_1156 = tpu.memref_slice %arg6[%add3A_1152] : memref<25600xi32, #tpu.memory_space<vmem>> -> memref<40xi32, #tpu.memory_space<vmem>>
        %dma_start3A_1157 = arith.constant 0 : i32
        %dma_start3A_1158 = arith.constant 0 : i32
        %dma_start3A_1159 = tpu.memref_slice %arg3[%dma_start3A_1157, %dma_start3A_1158] : memref<100000x128xf32, #tpu.memory_space<hbm>> -> memref<100000x128xf32, #tpu.memory_space<hbm>>
        tpu.enqueue_indirect_dma source(%dma_start3A_1159 : memref<100000x128xf32, #tpu.memory_space<hbm>>) target(%dma_start3A_1155 : memref<40x128xf32, #tpu.memory_space<vmem>>) offsets(%dma_start3A_1156 : memref<40xi32, #tpu.memory_space<vmem>>) semaphore(%arg16 : memref<!tpu.dma_semaphore, #tpu.memory_space<semaphore_mem>>)
        %dma_start3A_1160 = arith.constant 160 : i32
        %dma_start3A_1161 = tpu.memref_slice %arg12[%dma_start3A_1160] : memref<200xf32, #tpu.memory_space<vmem>> -> memref<40xf32, #tpu.memory_space<vmem>>
        %dma_start3A_1162 = tpu.memref_slice %arg6[%add3A_1152] : memref<25600xi32, #tpu.memory_space<vmem>> -> memref<40xi32, #tpu.memory_space<vmem>>
        %dma_start3A_1163 = arith.constant 0 : i32
        %dma_start3A_1164 = tpu.memref_slice %arg4[%dma_start3A_1163] : memref<100000xf32, #tpu.memory_space<hbm>> -> memref<100000xf32, #tpu.memory_space<hbm>>
        tpu.enqueue_indirect_dma source(%dma_start3A_1164 : memref<100000xf32, #tpu.memory_space<hbm>>) target(%dma_start3A_1161 : memref<40xf32, #tpu.memory_space<vmem>>) offsets(%dma_start3A_1162 : memref<40xi32, #tpu.memory_space<vmem>>) semaphore(%arg16 : memref<!tpu.dma_semaphore, #tpu.memory_space<semaphore_mem>>)
      } else {
      }
    }
    %scan3A_218 = arith.constant 42 : i32
    %dma_wait3A = arith.constant 0 : i32
    %dma_wait3A_219 = arith.constant 0 : i32
    %dma_wait3A_220 = tpu.memref_slice %arg7[%dma_wait3A, %dma_wait3A_219] : memref<200x128xf32, #tpu.memory_space<vmem>> -> memref<40x128xf32, #tpu.memory_space<vmem>>
    %dma_wait3A_221 = arith.constant 0 : i32
    %dma_wait3A_222 = tpu.memref_slice %arg6[%dma_wait3A_221] : memref<25600xi32, #tpu.memory_space<vmem>> -> memref<40xi32, #tpu.memory_space<vmem>>
    %dma_wait3A_223 = arith.constant 0 : i32
    %dma_wait3A_224 = arith.constant 0 : i32
    %dma_wait3A_225 = tpu.memref_slice %arg3[%dma_wait3A_223, %dma_wait3A_224] : memref<100000x128xf32, #tpu.memory_space<hbm>> -> memref<100000x128xf32, #tpu.memory_space<hbm>>
    tpu.wait_indirect_dma semaphore(%arg14 : memref<!tpu.dma_semaphore, #tpu.memory_space<semaphore_mem>>) src(%dma_wait3A_225 : memref<100000x128xf32, #tpu.memory_space<hbm>>) dst(%dma_wait3A_220 : memref<40x128xf32, #tpu.memory_space<vmem>>)
    %dma_wait3A_226 = arith.constant 0 : i32
    %dma_wait3A_227 = tpu.memref_slice %arg10[%dma_wait3A_226] : memref<200xf32, #tpu.memory_space<vmem>> -> memref<40xf32, #tpu.memory_space<vmem>>
    %dma_wait3A_228 = arith.constant 0 : i32
    %dma_wait3A_229 = tpu.memref_slice %arg6[%dma_wait3A_228] : memref<25600xi32, #tpu.memory_space<vmem>> -> memref<40xi32, #tpu.memory_space<vmem>>
    %dma_wait3A_230 = arith.constant 0 : i32
    %dma_wait3A_231 = tpu.memref_slice %arg4[%dma_wait3A_230] : memref<100000xf32, #tpu.memory_space<hbm>> -> memref<100000xf32, #tpu.memory_space<hbm>>
    tpu.wait_indirect_dma semaphore(%arg14 : memref<!tpu.dma_semaphore, #tpu.memory_space<semaphore_mem>>) src(%dma_wait3A_231 : memref<100000xf32, #tpu.memory_space<hbm>>) dst(%dma_wait3A_227 : memref<40xf32, #tpu.memory_space<vmem>>)
    %dma_wait3A_232 = arith.constant 40 : i32
    %dma_wait3A_233 = arith.constant 0 : i32
    %dma_wait3A_234 = tpu.memref_slice %arg7[%dma_wait3A_232, %dma_wait3A_233] : memref<200x128xf32, #tpu.memory_space<vmem>> -> memref<40x128xf32, #tpu.memory_space<vmem>>
    %dma_wait3A_235 = arith.constant 40 : i32
    %dma_wait3A_236 = tpu.memref_slice %arg6[%dma_wait3A_235] : memref<25600xi32, #tpu.memory_space<vmem>> -> memref<40xi32, #tpu.memory_space<vmem>>
    %dma_wait3A_237 = arith.constant 0 : i32
    %dma_wait3A_238 = arith.constant 0 : i32
    %dma_wait3A_239 = tpu.memref_slice %arg3[%dma_wait3A_237, %dma_wait3A_238] : memref<100000x128xf32, #tpu.memory_space<hbm>> -> memref<100000x128xf32, #tpu.memory_space<hbm>>
    tpu.wait_indirect_dma semaphore(%arg14 : memref<!tpu.dma_semaphore, #tpu.memory_space<semaphore_mem>>) src(%dma_wait3A_239 : memref<100000x128xf32, #tpu.memory_space<hbm>>) dst(%dma_wait3A_234 : memref<40x128xf32, #tpu.memory_space<vmem>>)
    %dma_wait3A_240 = arith.constant 40 : i32
    %dma_wait3A_241 = tpu.memref_slice %arg10[%dma_wait3A_240] : memref<200xf32, #tpu.memory_space<vmem>> -> memref<40xf32, #tpu.memory_space<vmem>>
    %dma_wait3A_242 = arith.constant 40 : i32
    %dma_wait3A_243 = tpu.memref_slice %arg6[%dma_wait3A_242] : memref<25600xi32, #tpu.memory_space<vmem>> -> memref<40xi32, #tpu.memory_space<vmem>>
    %dma_wait3A_244 = arith.constant 0 : i32
    %dma_wait3A_245 = tpu.memref_slice %arg4[%dma_wait3A_244] : memref<100000xf32, #tpu.memory_space<hbm>> -> memref<100000xf32, #tpu.memory_space<hbm>>
    tpu.wait_indirect_dma semaphore(%arg14 : memref<!tpu.dma_semaphore, #tpu.memory_space<semaphore_mem>>) src(%dma_wait3A_245 : memref<100000xf32, #tpu.memory_space<hbm>>) dst(%dma_wait3A_241 : memref<40xf32, #tpu.memory_space<vmem>>)
    %dma_wait3A_246 = arith.constant 80 : i32
    %dma_wait3A_247 = arith.constant 0 : i32
    %dma_wait3A_248 = tpu.memref_slice %arg7[%dma_wait3A_246, %dma_wait3A_247] : memref<200x128xf32, #tpu.memory_space<vmem>> -> memref<40x128xf32, #tpu.memory_space<vmem>>
    %dma_wait3A_249 = arith.constant 80 : i32
    %dma_wait3A_250 = tpu.memref_slice %arg6[%dma_wait3A_249] : memref<25600xi32, #tpu.memory_space<vmem>> -> memref<40xi32, #tpu.memory_space<vmem>>
    %dma_wait3A_251 = arith.constant 0 : i32
    %dma_wait3A_252 = arith.constant 0 : i32
    %dma_wait3A_253 = tpu.memref_slice %arg3[%dma_wait3A_251, %dma_wait3A_252] : memref<100000x128xf32, #tpu.memory_space<hbm>> -> memref<100000x128xf32, #tpu.memory_space<hbm>>
    tpu.wait_indirect_dma semaphore(%arg14 : memref<!tpu.dma_semaphore, #tpu.memory_space<semaphore_mem>>) src(%dma_wait3A_253 : memref<100000x128xf32, #tpu.memory_space<hbm>>) dst(%dma_wait3A_248 : memref<40x128xf32, #tpu.memory_space<vmem>>)
    %dma_wait3A_254 = arith.constant 80 : i32
    %dma_wait3A_255 = tpu.memref_slice %arg10[%dma_wait3A_254] : memref<200xf32, #tpu.memory_space<vmem>> -> memref<40xf32, #tpu.memory_space<vmem>>
    %dma_wait3A_256 = arith.constant 80 : i32
    %dma_wait3A_257 = tpu.memref_slice %arg6[%dma_wait3A_256] : memref<25600xi32, #tpu.memory_space<vmem>> -> memref<40xi32, #tpu.memory_space<vmem>>
    %dma_wait3A_258 = arith.constant 0 : i32
    %dma_wait3A_259 = tpu.memref_slice %arg4[%dma_wait3A_258] : memref<100000xf32, #tpu.memory_space<hbm>> -> memref<100000xf32, #tpu.memory_space<hbm>>
    tpu.wait_indirect_dma semaphore(%arg14 : memref<!tpu.dma_semaphore, #tpu.memory_space<semaphore_mem>>) src(%dma_wait3A_259 : memref<100000xf32, #tpu.memory_space<hbm>>) dst(%dma_wait3A_255 : memref<40xf32, #tpu.memory_space<vmem>>)
    %dma_wait3A_260 = arith.constant 120 : i32
    %dma_wait3A_261 = arith.constant 0 : i32
    %dma_wait3A_262 = tpu.memref_slice %arg7[%dma_wait3A_260, %dma_wait3A_261] : memref<200x128xf32, #tpu.memory_space<vmem>> -> memref<40x128xf32, #tpu.memory_space<vmem>>
    %dma_wait3A_263 = arith.constant 120 : i32
    %dma_wait3A_264 = tpu.memref_slice %arg6[%dma_wait3A_263] : memref<25600xi32, #tpu.memory_space<vmem>> -> memref<40xi32, #tpu.memory_space<vmem>>
    %dma_wait3A_265 = arith.constant 0 : i32
    %dma_wait3A_266 = arith.constant 0 : i32
    %dma_wait3A_267 = tpu.memref_slice %arg3[%dma_wait3A_265, %dma_wait3A_266] : memref<100000x128xf32, #tpu.memory_space<hbm>> -> memref<100000x128xf32, #tpu.memory_space<hbm>>
    tpu.wait_indirect_dma semaphore(%arg14 : memref<!tpu.dma_semaphore, #tpu.memory_space<semaphore_mem>>) src(%dma_wait3A_267 : memref<100000x128xf32, #tpu.memory_space<hbm>>) dst(%dma_wait3A_262 : memref<40x128xf32, #tpu.memory_space<vmem>>)
    %dma_wait3A_268 = arith.constant 120 : i32
    %dma_wait3A_269 = tpu.memref_slice %arg10[%dma_wait3A_268] : memref<200xf32, #tpu.memory_space<vmem>> -> memref<40xf32, #tpu.memory_space<vmem>>
    %dma_wait3A_270 = arith.constant 120 : i32
    %dma_wait3A_271 = tpu.memref_slice %arg6[%dma_wait3A_270] : memref<25600xi32, #tpu.memory_space<vmem>> -> memref<40xi32, #tpu.memory_space<vmem>>
    %dma_wait3A_272 = arith.constant 0 : i32
    %dma_wait3A_273 = tpu.memref_slice %arg4[%dma_wait3A_272] : memref<100000xf32, #tpu.memory_space<hbm>> -> memref<100000xf32, #tpu.memory_space<hbm>>
    tpu.wait_indirect_dma semaphore(%arg14 : memref<!tpu.dma_semaphore, #tpu.memory_space<semaphore_mem>>) src(%dma_wait3A_273 : memref<100000xf32, #tpu.memory_space<hbm>>) dst(%dma_wait3A_269 : memref<40xf32, #tpu.memory_space<vmem>>)
    %dma_wait3A_274 = arith.constant 160 : i32
    %dma_wait3A_275 = arith.constant 0 : i32
    %dma_wait3A_276 = tpu.memref_slice %arg7[%dma_wait3A_274, %dma_wait3A_275] : memref<200x128xf32, #tpu.memory_space<vmem>> -> memref<40x128xf32, #tpu.memory_space<vmem>>
    %dma_wait3A_277 = arith.constant 160 : i32
    %dma_wait3A_278 = tpu.memref_slice %arg6[%dma_wait3A_277] : memref<25600xi32, #tpu.memory_space<vmem>> -> memref<40xi32, #tpu.memory_space<vmem>>
    %dma_wait3A_279 = arith.constant 0 : i32
    %dma_wait3A_280 = arith.constant 0 : i32
    %dma_wait3A_281 = tpu.memref_slice %arg3[%dma_wait3A_279, %dma_wait3A_280] : memref<100000x128xf32, #tpu.memory_space<hbm>> -> memref<100000x128xf32, #tpu.memory_space<hbm>>
    tpu.wait_indirect_dma semaphore(%arg14 : memref<!tpu.dma_semaphore, #tpu.memory_space<semaphore_mem>>) src(%dma_wait3A_281 : memref<100000x128xf32, #tpu.memory_space<hbm>>) dst(%dma_wait3A_276 : memref<40x128xf32, #tpu.memory_space<vmem>>)
    %dma_wait3A_282 = arith.constant 160 : i32
    %dma_wait3A_283 = tpu.memref_slice %arg10[%dma_wait3A_282] : memref<200xf32, #tpu.memory_space<vmem>> -> memref<40xf32, #tpu.memory_space<vmem>>
    %dma_wait3A_284 = arith.constant 160 : i32
    %dma_wait3A_285 = tpu.memref_slice %arg6[%dma_wait3A_284] : memref<25600xi32, #tpu.memory_space<vmem>> -> memref<40xi32, #tpu.memory_space<vmem>>
    %dma_wait3A_286 = arith.constant 0 : i32
    %dma_wait3A_287 = tpu.memref_slice %arg4[%dma_wait3A_286] : memref<100000xf32, #tpu.memory_space<hbm>> -> memref<100000xf32, #tpu.memory_space<hbm>>
    tpu.wait_indirect_dma semaphore(%arg14 : memref<!tpu.dma_semaphore, #tpu.memory_space<semaphore_mem>>) src(%dma_wait3A_287 : memref<100000xf32, #tpu.memory_space<hbm>>) dst(%dma_wait3A_283 : memref<40xf32, #tpu.memory_space<vmem>>)
    %scan3A_288 = arith.constant 0 : i32
    %scan3A_289 = arith.constant 200 : i32
    %scan3A_290 = arith.addi %scan3A_288, %scan3A_289 : i32
    %scan3A_291 = arith.constant 2 : i32
    %scan3A_292:8 = scf.for %scan3A_554 = %scan3A_288 to %scan3A_290 step %scan3A_291 iter_args(%scan3A_555 = %broadcast_in_dim3A_5, %scan3A_556 = %broadcast_in_dim3A_5, %scan3A_557 = %broadcast_in_dim3A_5, %scan3A_558 = %broadcast_in_dim3A_5, %scan3A_559 = %broadcast_in_dim3A_5, %scan3A_560 = %broadcast_in_dim3A_5, %scan3A_561 = %broadcast_in_dim3A_5, %scan3A_562 = %broadcast_in_dim3A_5) -> (vector<16xf32>, vector<16xf32>, vector<16xf32>, vector<16xf32>, vector<16xf32>, vector<16xf32>, vector<16xf32>, vector<16xf32>)  : i32 {
      %broadcast_in_dim3A_563 = vector.broadcast %scan3A_554 : i32 to vector<16xi32>
      %gather3A_564 = tpu.vector_load_idx %arg10[%broadcast_in_dim3A_563] : memref<200xf32, #tpu.memory_space<vmem>>[vector<16xi32>], vector<16xf32>,
      %get3A_565 = arith.index_cast %scan3A_554 : i32 to index
      %get3A_566 = arith.constant 0 : index
      %get3A_567 = tpu.vector_load %arg7[%get3A_565, %get3A_566] {strides = array<i32>} : memref<200x128xf32, #tpu.memory_space<vmem>>, vector<16xf32>,
      %mul3A_568 = arith.mulf %gather3A_564, %get3A_567 : vector<16xf32>
      %add3A_569 = arith.addf %scan3A_555, %mul3A_568 : vector<16xf32>
      %get3A_570 = arith.index_cast %scan3A_554 : i32 to index
      %get3A_571 = arith.constant 16 : index
      %get3A_572 = tpu.vector_load %arg7[%get3A_570, %get3A_571] {strides = array<i32>} : memref<200x128xf32, #tpu.memory_space<vmem>>, vector<16xf32>,
      %mul3A_573 = arith.mulf %gather3A_564, %get3A_572 : vector<16xf32>
      %add3A_574 = arith.addf %scan3A_556, %mul3A_573 : vector<16xf32>
      %get3A_575 = arith.index_cast %scan3A_554 : i32 to index
      %get3A_576 = arith.constant 32 : index
      %get3A_577 = tpu.vector_load %arg7[%get3A_575, %get3A_576] {strides = array<i32>} : memref<200x128xf32, #tpu.memory_space<vmem>>, vector<16xf32>,
      %mul3A_578 = arith.mulf %gather3A_564, %get3A_577 : vector<16xf32>
      %add3A_579 = arith.addf %scan3A_557, %mul3A_578 : vector<16xf32>
      %get3A_580 = arith.index_cast %scan3A_554 : i32 to index
      %get3A_581 = arith.constant 48 : index
      %get3A_582 = tpu.vector_load %arg7[%get3A_580, %get3A_581] {strides = array<i32>} : memref<200x128xf32, #tpu.memory_space<vmem>>, vector<16xf32>,
      %mul3A_583 = arith.mulf %gather3A_564, %get3A_582 : vector<16xf32>
      %add3A_584 = arith.addf %scan3A_558, %mul3A_583 : vector<16xf32>
      %get3A_585 = arith.index_cast %scan3A_554 : i32 to index
      %get3A_586 = arith.constant 64 : index
      %get3A_587 = tpu.vector_load %arg7[%get3A_585, %get3A_586] {strides = array<i32>} : memref<200x128xf32, #tpu.memory_space<vmem>>, vector<16xf32>,
      %mul3A_588 = arith.mulf %gather3A_564, %get3A_587 : vector<16xf32>
      %add3A_589 = arith.addf %scan3A_559, %mul3A_588 : vector<16xf32>
      %get3A_590 = arith.index_cast %scan3A_554 : i32 to index
      %get3A_591 = arith.constant 80 : index
      %get3A_592 = tpu.vector_load %arg7[%get3A_590, %get3A_591] {strides = array<i32>} : memref<200x128xf32, #tpu.memory_space<vmem>>, vector<16xf32>,
      %mul3A_593 = arith.mulf %gather3A_564, %get3A_592 : vector<16xf32>
      %add3A_594 = arith.addf %scan3A_560, %mul3A_593 : vector<16xf32>
      %get3A_595 = arith.index_cast %scan3A_554 : i32 to index
      %get3A_596 = arith.constant 96 : index
      %get3A_597 = tpu.vector_load %arg7[%get3A_595, %get3A_596] {strides = array<i32>} : memref<200x128xf32, #tpu.memory_space<vmem>>, vector<16xf32>,
      %mul3A_598 = arith.mulf %gather3A_564, %get3A_597 : vector<16xf32>
      %add3A_599 = arith.addf %scan3A_561, %mul3A_598 : vector<16xf32>
      %get3A_600 = arith.index_cast %scan3A_554 : i32 to index
      %get3A_601 = arith.constant 112 : index
      %get3A_602 = tpu.vector_load %arg7[%get3A_600, %get3A_601] {strides = array<i32>} : memref<200x128xf32, #tpu.memory_space<vmem>>, vector<16xf32>,
      %mul3A_603 = arith.mulf %gather3A_564, %get3A_602 : vector<16xf32>
      %add3A_604 = arith.addf %scan3A_562, %mul3A_603 : vector<16xf32>
      %scan3A_605 = arith.constant 1 : i32
      %scan3A_606 = arith.addi %scan3A_554, %scan3A_605 : i32
      %broadcast_in_dim3A_607 = vector.broadcast %scan3A_606 : i32 to vector<16xi32>
      %gather3A_608 = tpu.vector_load_idx %arg10[%broadcast_in_dim3A_607] : memref<200xf32, #tpu.memory_space<vmem>>[vector<16xi32>], vector<16xf32>,
      %get3A_609 = arith.index_cast %scan3A_606 : i32 to index
      %get3A_610 = arith.constant 0 : index
      %get3A_611 = tpu.vector_load %arg7[%get3A_609, %get3A_610] {strides = array<i32>} : memref<200x128xf32, #tpu.memory_space<vmem>>, vector<16xf32>,
      %mul3A_612 = arith.mulf %gather3A_608, %get3A_611 : vector<16xf32>
      %add3A_613 = arith.addf %add3A_569, %mul3A_612 : vector<16xf32>
      %get3A_614 = arith.index_cast %scan3A_606 : i32 to index
      %get3A_615 = arith.constant 16 : index
      %get3A_616 = tpu.vector_load %arg7[%get3A_614, %get3A_615] {strides = array<i32>} : memref<200x128xf32, #tpu.memory_space<vmem>>, vector<16xf32>,
      %mul3A_617 = arith.mulf %gather3A_608, %get3A_616 : vector<16xf32>
      %add3A_618 = arith.addf %add3A_574, %mul3A_617 : vector<16xf32>
      %get3A_619 = arith.index_cast %scan3A_606 : i32 to index
      %get3A_620 = arith.constant 32 : index
      %get3A_621 = tpu.vector_load %arg7[%get3A_619, %get3A_620] {strides = array<i32>} : memref<200x128xf32, #tpu.memory_space<vmem>>, vector<16xf32>,
      %mul3A_622 = arith.mulf %gather3A_608, %get3A_621 : vector<16xf32>
      %add3A_623 = arith.addf %add3A_579, %mul3A_622 : vector<16xf32>
      %get3A_624 = arith.index_cast %scan3A_606 : i32 to index
      %get3A_625 = arith.constant 48 : index
      %get3A_626 = tpu.vector_load %arg7[%get3A_624, %get3A_625] {strides = array<i32>} : memref<200x128xf32, #tpu.memory_space<vmem>>, vector<16xf32>,
      %mul3A_627 = arith.mulf %gather3A_608, %get3A_626 : vector<16xf32>
      %add3A_628 = arith.addf %add3A_584, %mul3A_627 : vector<16xf32>
      %get3A_629 = arith.index_cast %scan3A_606 : i32 to index
      %get3A_630 = arith.constant 64 : index
      %get3A_631 = tpu.vector_load %arg7[%get3A_629, %get3A_630] {strides = array<i32>} : memref<200x128xf32, #tpu.memory_space<vmem>>, vector<16xf32>,
      %mul3A_632 = arith.mulf %gather3A_608, %get3A_631 : vector<16xf32>
      %add3A_633 = arith.addf %add3A_589, %mul3A_632 : vector<16xf32>
      %get3A_634 = arith.index_cast %scan3A_606 : i32 to index
      %get3A_635 = arith.constant 80 : index
      %get3A_636 = tpu.vector_load %arg7[%get3A_634, %get3A_635] {strides = array<i32>} : memref<200x128xf32, #tpu.memory_space<vmem>>, vector<16xf32>,
      %mul3A_637 = arith.mulf %gather3A_608, %get3A_636 : vector<16xf32>
      %add3A_638 = arith.addf %add3A_594, %mul3A_637 : vector<16xf32>
      %get3A_639 = arith.index_cast %scan3A_606 : i32 to index
      %get3A_640 = arith.constant 96 : index
      %get3A_641 = tpu.vector_load %arg7[%get3A_639, %get3A_640] {strides = array<i32>} : memref<200x128xf32, #tpu.memory_space<vmem>>, vector<16xf32>,
      %mul3A_642 = arith.mulf %gather3A_608, %get3A_641 : vector<16xf32>
      %add3A_643 = arith.addf %add3A_599, %mul3A_642 : vector<16xf32>
      %get3A_644 = arith.index_cast %scan3A_606 : i32 to index
      %get3A_645 = arith.constant 112 : index
      %get3A_646 = tpu.vector_load %arg7[%get3A_644, %get3A_645] {strides = array<i32>} : memref<200x128xf32, #tpu.memory_space<vmem>>, vector<16xf32>,
      %mul3A_647 = arith.mulf %gather3A_608, %get3A_646 : vector<16xf32>
      %add3A_648 = arith.addf %add3A_604, %mul3A_647 : vector<16xf32>
      scf.yield %add3A_613, %add3A_618, %add3A_623, %add3A_628, %add3A_633, %add3A_638, %add3A_643, %add3A_648 : vector<16xf32>, vector<16xf32>, vector<16xf32>, vector<16xf32>, vector<16xf32>, vector<16xf32>, vector<16xf32>, vector<16xf32>
    }
    %scan3A_293 = arith.constant 200 : i32
    %get3A = arith.constant 0 : index
    %get3A_294 = tpu.vector_load %arg10[%get3A] {strides = array<i32>} : memref<200xf32, #tpu.memory_space<vmem>>, vector<16xf32>,
    %add3A_295 = arith.addf %broadcast_in_dim3A_5, %get3A_294 : vector<16xf32>
    %get3A_296 = arith.constant 16 : index
    %get3A_297 = tpu.vector_load %arg10[%get3A_296] {strides = array<i32>} : memref<200xf32, #tpu.memory_space<vmem>>, vector<16xf32>,
    %add3A_298 = arith.addf %add3A_295, %get3A_297 : vector<16xf32>
    %get3A_299 = arith.constant 32 : index
    %get3A_300 = tpu.vector_load %arg10[%get3A_299] {strides = array<i32>} : memref<200xf32, #tpu.memory_space<vmem>>, vector<16xf32>,
    %add3A_301 = arith.addf %add3A_298, %get3A_300 : vector<16xf32>
    %get3A_302 = arith.constant 48 : index
    %get3A_303 = tpu.vector_load %arg10[%get3A_302] {strides = array<i32>} : memref<200xf32, #tpu.memory_space<vmem>>, vector<16xf32>,
    %add3A_304 = arith.addf %add3A_301, %get3A_303 : vector<16xf32>
    %get3A_305 = arith.constant 64 : index
    %get3A_306 = tpu.vector_load %arg10[%get3A_305] {strides = array<i32>} : memref<200xf32, #tpu.memory_space<vmem>>, vector<16xf32>,
    %add3A_307 = arith.addf %add3A_304, %get3A_306 : vector<16xf32>
    %get3A_308 = arith.constant 80 : index
    %get3A_309 = tpu.vector_load %arg10[%get3A_308] {strides = array<i32>} : memref<200xf32, #tpu.memory_space<vmem>>, vector<16xf32>,
    %add3A_310 = arith.addf %add3A_307, %get3A_309 : vector<16xf32>
    %get3A_311 = arith.constant 96 : index
    %get3A_312 = tpu.vector_load %arg10[%get3A_311] {strides = array<i32>} : memref<200xf32, #tpu.memory_space<vmem>>, vector<16xf32>,
    %add3A_313 = arith.addf %add3A_310, %get3A_312 : vector<16xf32>
    %get3A_314 = arith.constant 112 : index
    %get3A_315 = tpu.vector_load %arg10[%get3A_314] {strides = array<i32>} : memref<200xf32, #tpu.memory_space<vmem>>, vector<16xf32>,
    %add3A_316 = arith.addf %add3A_313, %get3A_315 : vector<16xf32>
    %get3A_317 = arith.constant 128 : index
    %get3A_318 = tpu.vector_load %arg10[%get3A_317] {strides = array<i32>} : memref<200xf32, #tpu.memory_space<vmem>>, vector<16xf32>,
    %add3A_319 = arith.addf %add3A_316, %get3A_318 : vector<16xf32>
    %get3A_320 = arith.constant 144 : index
    %get3A_321 = tpu.vector_load %arg10[%get3A_320] {strides = array<i32>} : memref<200xf32, #tpu.memory_space<vmem>>, vector<16xf32>,
    %add3A_322 = arith.addf %add3A_319, %get3A_321 : vector<16xf32>
    %get3A_323 = arith.constant 160 : index
    %get3A_324 = tpu.vector_load %arg10[%get3A_323] {strides = array<i32>} : memref<200xf32, #tpu.memory_space<vmem>>, vector<16xf32>,
    %add3A_325 = arith.addf %add3A_322, %get3A_324 : vector<16xf32>
    %get3A_326 = arith.constant 176 : index
    %get3A_327 = tpu.vector_load %arg10[%get3A_326] {strides = array<i32>} : memref<200xf32, #tpu.memory_space<vmem>>, vector<16xf32>,
    %add3A_328 = arith.addf %add3A_325, %get3A_327 : vector<16xf32>
    %ge3A = arith.constant 8 : i32
    %ge3A_329 = vector.broadcast %ge3A : i32 to vector<16xi32>
    %ge3A_330 = arith.cmpi sge, %iota3A, %ge3A_329 : vector<16xi32>
    %get3A_331 = arith.constant 184 : index
    %get3A_332 = tpu.vector_load %arg10[%get3A_331] {strides = array<i32>} : memref<200xf32, #tpu.memory_space<vmem>>, vector<16xf32>,
    %jit3A = arith.constant 0.000000e+00 : f32
    %broadcast_in_dim3A_333 = vector.broadcast %jit3A : f32 to vector<16xf32>
    %select_n3A = arith.select %ge3A_330, %get3A_332, %broadcast_in_dim3A_333 : vector<16xi1>, vector<16xf32>
    %add3A_334 = arith.addf %add3A_328, %select_n3A : vector<16xf32>
    %broadcast_in_dim3A_335 = arith.constant true
    %broadcast_in_dim3A_336 = vector.broadcast %broadcast_in_dim3A_335 : i1 to vector<16xi1>
    %masked_cumsum3A = tpu.scan <sum>, %add3A_334 masked %broadcast_in_dim3A_336 : vector<16xf32>, vector<16xi1> -> vector<16xf32>
    %swap3A = arith.constant 0 : index
    %swap3A_337 = tpu.vector_load %arg10[%swap3A] {strides = array<i32>} : memref<200xf32, #tpu.memory_space<vmem>>, vector<16xf32>,
    tpu.vector_store %arg10[%swap3A], %masked_cumsum3A {strides = array<i32>} : memref<200xf32, #tpu.memory_space<vmem>>, vector<16xf32>,
    %broadcast_in_dim3A_338 = arith.constant 15 : i32
    %broadcast_in_dim3A_339 = vector.broadcast %broadcast_in_dim3A_338 : i32 to vector<16xi32>
    %gather3A = tpu.vector_load_idx %arg10[%broadcast_in_dim3A_339] : memref<200xf32, #tpu.memory_space<vmem>>[vector<16xi32>], vector<16xf32>,
    %div3A = arith.constant 1.000000e+00 : f32
    %div3A_340 = vector.broadcast %div3A : f32 to vector<16xf32>
    %div3A_341 = arith.divf %div3A_340, %gather3A : vector<16xf32>
    %mul3A_342 = arith.mulf %scan3A_292#0, %div3A_341 : vector<16xf32>
    %swap3A_343 = arith.constant 126 : i32
    %swap3A_344 = arith.index_cast %swap3A_343 : i32 to index
    %swap3A_345 = arith.constant 0 : index
    %swap3A_346 = tpu.vector_load %arg13[%swap3A_344, %swap3A_345] {strides = array<i32>} : memref<128x128xf32, #tpu.memory_space<vmem>>, vector<16xf32>,
    tpu.vector_store %arg13[%swap3A_344, %swap3A_345], %mul3A_342 {strides = array<i32>} : memref<128x128xf32, #tpu.memory_space<vmem>>, vector<16xf32>,
    %mul3A_347 = arith.mulf %scan3A_292#1, %div3A_341 : vector<16xf32>
    %swap3A_348 = arith.constant 126 : i32
    %swap3A_349 = arith.index_cast %swap3A_348 : i32 to index
    %swap3A_350 = arith.constant 16 : index
    %swap3A_351 = tpu.vector_load %arg13[%swap3A_349, %swap3A_350] {strides = array<i32>} : memref<128x128xf32, #tpu.memory_space<vmem>>, vector<16xf32>,
    tpu.vector_store %arg13[%swap3A_349, %swap3A_350], %mul3A_347 {strides = array<i32>} : memref<128x128xf32, #tpu.memory_space<vmem>>, vector<16xf32>,
    %mul3A_352 = arith.mulf %scan3A_292#2, %div3A_341 : vector<16xf32>
    %swap3A_353 = arith.constant 126 : i32
    %swap3A_354 = arith.index_cast %swap3A_353 : i32 to index
    %swap3A_355 = arith.constant 32 : index
    %swap3A_356 = tpu.vector_load %arg13[%swap3A_354, %swap3A_355] {strides = array<i32>} : memref<128x128xf32, #tpu.memory_space<vmem>>, vector<16xf32>,
    tpu.vector_store %arg13[%swap3A_354, %swap3A_355], %mul3A_352 {strides = array<i32>} : memref<128x128xf32, #tpu.memory_space<vmem>>, vector<16xf32>,
    %mul3A_357 = arith.mulf %scan3A_292#3, %div3A_341 : vector<16xf32>
    %swap3A_358 = arith.constant 126 : i32
    %swap3A_359 = arith.index_cast %swap3A_358 : i32 to index
    %swap3A_360 = arith.constant 48 : index
    %swap3A_361 = tpu.vector_load %arg13[%swap3A_359, %swap3A_360] {strides = array<i32>} : memref<128x128xf32, #tpu.memory_space<vmem>>, vector<16xf32>,
    tpu.vector_store %arg13[%swap3A_359, %swap3A_360], %mul3A_357 {strides = array<i32>} : memref<128x128xf32, #tpu.memory_space<vmem>>, vector<16xf32>,
    %mul3A_362 = arith.mulf %scan3A_292#4, %div3A_341 : vector<16xf32>
    %swap3A_363 = arith.constant 126 : i32
    %swap3A_364 = arith.index_cast %swap3A_363 : i32 to index
    %swap3A_365 = arith.constant 64 : index
    %swap3A_366 = tpu.vector_load %arg13[%swap3A_364, %swap3A_365] {strides = array<i32>} : memref<128x128xf32, #tpu.memory_space<vmem>>, vector<16xf32>,
    tpu.vector_store %arg13[%swap3A_364, %swap3A_365], %mul3A_362 {strides = array<i32>} : memref<128x128xf32, #tpu.memory_space<vmem>>, vector<16xf32>,
    %mul3A_367 = arith.mulf %scan3A_292#5, %div3A_341 : vector<16xf32>
    %swap3A_368 = arith.constant 126 : i32
    %swap3A_369 = arith.index_cast %swap3A_368 : i32 to index
    %swap3A_370 = arith.constant 80 : index
    %swap3A_371 = tpu.vector_load %arg13[%swap3A_369, %swap3A_370] {strides = array<i32>} : memref<128x128xf32, #tpu.memory_space<vmem>>, vector<16xf32>,
    tpu.vector_store %arg13[%swap3A_369, %swap3A_370], %mul3A_367 {strides = array<i32>} : memref<128x128xf32, #tpu.memory_space<vmem>>, vector<16xf32>,
    %mul3A_372 = arith.mulf %scan3A_292#6, %div3A_341 : vector<16xf32>
    %swap3A_373 = arith.constant 126 : i32
    %swap3A_374 = arith.index_cast %swap3A_373 : i32 to index
    %swap3A_375 = arith.constant 96 : index
    %swap3A_376 = tpu.vector_load %arg13[%swap3A_374, %swap3A_375] {strides = array<i32>} : memref<128x128xf32, #tpu.memory_space<vmem>>, vector<16xf32>,
    tpu.vector_store %arg13[%swap3A_374, %swap3A_375], %mul3A_372 {strides = array<i32>} : memref<128x128xf32, #tpu.memory_space<vmem>>, vector<16xf32>,
    %mul3A_377 = arith.mulf %scan3A_292#7, %div3A_341 : vector<16xf32>
    %swap3A_378 = arith.constant 126 : i32
    %swap3A_379 = arith.index_cast %swap3A_378 : i32 to index
    %swap3A_380 = arith.constant 112 : index
    %swap3A_381 = tpu.vector_load %arg13[%swap3A_379, %swap3A_380] {strides = array<i32>} : memref<128x128xf32, #tpu.memory_space<vmem>>, vector<16xf32>,
    tpu.vector_store %arg13[%swap3A_379, %swap3A_380], %mul3A_377 {strides = array<i32>} : memref<128x128xf32, #tpu.memory_space<vmem>>, vector<16xf32>,
    %dma_wait3A_382 = arith.constant 0 : i32
    %dma_wait3A_383 = arith.constant 0 : i32
    %dma_wait3A_384 = tpu.memref_slice %arg8[%dma_wait3A_382, %dma_wait3A_383] : memref<200x128xf32, #tpu.memory_space<vmem>> -> memref<40x128xf32, #tpu.memory_space<vmem>>
    %dma_wait3A_385 = arith.constant 0 : i32
    %dma_wait3A_386 = tpu.memref_slice %arg6[%dma_wait3A_385] : memref<25600xi32, #tpu.memory_space<vmem>> -> memref<40xi32, #tpu.memory_space<vmem>>
    %dma_wait3A_387 = arith.constant 0 : i32
    %dma_wait3A_388 = arith.constant 0 : i32
    %dma_wait3A_389 = tpu.memref_slice %arg3[%dma_wait3A_387, %dma_wait3A_388] : memref<100000x128xf32, #tpu.memory_space<hbm>> -> memref<100000x128xf32, #tpu.memory_space<hbm>>
    tpu.wait_indirect_dma semaphore(%arg15 : memref<!tpu.dma_semaphore, #tpu.memory_space<semaphore_mem>>) src(%dma_wait3A_389 : memref<100000x128xf32, #tpu.memory_space<hbm>>) dst(%dma_wait3A_384 : memref<40x128xf32, #tpu.memory_space<vmem>>)
    %dma_wait3A_390 = arith.constant 0 : i32
    %dma_wait3A_391 = tpu.memref_slice %arg11[%dma_wait3A_390] : memref<200xf32, #tpu.memory_space<vmem>> -> memref<40xf32, #tpu.memory_space<vmem>>
    %dma_wait3A_392 = arith.constant 0 : i32
    %dma_wait3A_393 = tpu.memref_slice %arg6[%dma_wait3A_392] : memref<25600xi32, #tpu.memory_space<vmem>> -> memref<40xi32, #tpu.memory_space<vmem>>
    %dma_wait3A_394 = arith.constant 0 : i32
    %dma_wait3A_395 = tpu.memref_slice %arg4[%dma_wait3A_394] : memref<100000xf32, #tpu.memory_space<hbm>> -> memref<100000xf32, #tpu.memory_space<hbm>>
    tpu.wait_indirect_dma semaphore(%arg15 : memref<!tpu.dma_semaphore, #tpu.memory_space<semaphore_mem>>) src(%dma_wait3A_395 : memref<100000xf32, #tpu.memory_space<hbm>>) dst(%dma_wait3A_391 : memref<40xf32, #tpu.memory_space<vmem>>)
    %dma_wait3A_396 = arith.constant 40 : i32
    %dma_wait3A_397 = arith.constant 0 : i32
    %dma_wait3A_398 = tpu.memref_slice %arg8[%dma_wait3A_396, %dma_wait3A_397] : memref<200x128xf32, #tpu.memory_space<vmem>> -> memref<40x128xf32, #tpu.memory_space<vmem>>
    %dma_wait3A_399 = arith.constant 40 : i32
    %dma_wait3A_400 = tpu.memref_slice %arg6[%dma_wait3A_399] : memref<25600xi32, #tpu.memory_space<vmem>> -> memref<40xi32, #tpu.memory_space<vmem>>
    %dma_wait3A_401 = arith.constant 0 : i32
    %dma_wait3A_402 = arith.constant 0 : i32
    %dma_wait3A_403 = tpu.memref_slice %arg3[%dma_wait3A_401, %dma_wait3A_402] : memref<100000x128xf32, #tpu.memory_space<hbm>> -> memref<100000x128xf32, #tpu.memory_space<hbm>>
    tpu.wait_indirect_dma semaphore(%arg15 : memref<!tpu.dma_semaphore, #tpu.memory_space<semaphore_mem>>) src(%dma_wait3A_403 : memref<100000x128xf32, #tpu.memory_space<hbm>>) dst(%dma_wait3A_398 : memref<40x128xf32, #tpu.memory_space<vmem>>)
    %dma_wait3A_404 = arith.constant 40 : i32
    %dma_wait3A_405 = tpu.memref_slice %arg11[%dma_wait3A_404] : memref<200xf32, #tpu.memory_space<vmem>> -> memref<40xf32, #tpu.memory_space<vmem>>
    %dma_wait3A_406 = arith.constant 40 : i32
    %dma_wait3A_407 = tpu.memref_slice %arg6[%dma_wait3A_406] : memref<25600xi32, #tpu.memory_space<vmem>> -> memref<40xi32, #tpu.memory_space<vmem>>
    %dma_wait3A_408 = arith.constant 0 : i32
    %dma_wait3A_409 = tpu.memref_slice %arg4[%dma_wait3A_408] : memref<100000xf32, #tpu.memory_space<hbm>> -> memref<100000xf32, #tpu.memory_space<hbm>>
    tpu.wait_indirect_dma semaphore(%arg15 : memref<!tpu.dma_semaphore, #tpu.memory_space<semaphore_mem>>) src(%dma_wait3A_409 : memref<100000xf32, #tpu.memory_space<hbm>>) dst(%dma_wait3A_405 : memref<40xf32, #tpu.memory_space<vmem>>)
    %dma_wait3A_410 = arith.constant 80 : i32
    %dma_wait3A_411 = arith.constant 0 : i32
    %dma_wait3A_412 = tpu.memref_slice %arg8[%dma_wait3A_410, %dma_wait3A_411] : memref<200x128xf32, #tpu.memory_space<vmem>> -> memref<40x128xf32, #tpu.memory_space<vmem>>
    %dma_wait3A_413 = arith.constant 80 : i32
    %dma_wait3A_414 = tpu.memref_slice %arg6[%dma_wait3A_413] : memref<25600xi32, #tpu.memory_space<vmem>> -> memref<40xi32, #tpu.memory_space<vmem>>
    %dma_wait3A_415 = arith.constant 0 : i32
    %dma_wait3A_416 = arith.constant 0 : i32
    %dma_wait3A_417 = tpu.memref_slice %arg3[%dma_wait3A_415, %dma_wait3A_416] : memref<100000x128xf32, #tpu.memory_space<hbm>> -> memref<100000x128xf32, #tpu.memory_space<hbm>>
    tpu.wait_indirect_dma semaphore(%arg15 : memref<!tpu.dma_semaphore, #tpu.memory_space<semaphore_mem>>) src(%dma_wait3A_417 : memref<100000x128xf32, #tpu.memory_space<hbm>>) dst(%dma_wait3A_412 : memref<40x128xf32, #tpu.memory_space<vmem>>)
    %dma_wait3A_418 = arith.constant 80 : i32
    %dma_wait3A_419 = tpu.memref_slice %arg11[%dma_wait3A_418] : memref<200xf32, #tpu.memory_space<vmem>> -> memref<40xf32, #tpu.memory_space<vmem>>
    %dma_wait3A_420 = arith.constant 80 : i32
    %dma_wait3A_421 = tpu.memref_slice %arg6[%dma_wait3A_420] : memref<25600xi32, #tpu.memory_space<vmem>> -> memref<40xi32, #tpu.memory_space<vmem>>
    %dma_wait3A_422 = arith.constant 0 : i32
    %dma_wait3A_423 = tpu.memref_slice %arg4[%dma_wait3A_422] : memref<100000xf32, #tpu.memory_space<hbm>> -> memref<100000xf32, #tpu.memory_space<hbm>>
    tpu.wait_indirect_dma semaphore(%arg15 : memref<!tpu.dma_semaphore, #tpu.memory_space<semaphore_mem>>) src(%dma_wait3A_423 : memref<100000xf32, #tpu.memory_space<hbm>>) dst(%dma_wait3A_419 : memref<40xf32, #tpu.memory_space<vmem>>)
    %dma_wait3A_424 = arith.constant 120 : i32
    %dma_wait3A_425 = arith.constant 0 : i32
    %dma_wait3A_426 = tpu.memref_slice %arg8[%dma_wait3A_424, %dma_wait3A_425] : memref<200x128xf32, #tpu.memory_space<vmem>> -> memref<40x128xf32, #tpu.memory_space<vmem>>
    %dma_wait3A_427 = arith.constant 120 : i32
    %dma_wait3A_428 = tpu.memref_slice %arg6[%dma_wait3A_427] : memref<25600xi32, #tpu.memory_space<vmem>> -> memref<40xi32, #tpu.memory_space<vmem>>
    %dma_wait3A_429 = arith.constant 0 : i32
    %dma_wait3A_430 = arith.constant 0 : i32
    %dma_wait3A_431 = tpu.memref_slice %arg3[%dma_wait3A_429, %dma_wait3A_430] : memref<100000x128xf32, #tpu.memory_space<hbm>> -> memref<100000x128xf32, #tpu.memory_space<hbm>>
    tpu.wait_indirect_dma semaphore(%arg15 : memref<!tpu.dma_semaphore, #tpu.memory_space<semaphore_mem>>) src(%dma_wait3A_431 : memref<100000x128xf32, #tpu.memory_space<hbm>>) dst(%dma_wait3A_426 : memref<40x128xf32, #tpu.memory_space<vmem>>)
    %dma_wait3A_432 = arith.constant 120 : i32
    %dma_wait3A_433 = tpu.memref_slice %arg11[%dma_wait3A_432] : memref<200xf32, #tpu.memory_space<vmem>> -> memref<40xf32, #tpu.memory_space<vmem>>
    %dma_wait3A_434 = arith.constant 120 : i32
    %dma_wait3A_435 = tpu.memref_slice %arg6[%dma_wait3A_434] : memref<25600xi32, #tpu.memory_space<vmem>> -> memref<40xi32, #tpu.memory_space<vmem>>
    %dma_wait3A_436 = arith.constant 0 : i32
    %dma_wait3A_437 = tpu.memref_slice %arg4[%dma_wait3A_436] : memref<100000xf32, #tpu.memory_space<hbm>> -> memref<100000xf32, #tpu.memory_space<hbm>>
    tpu.wait_indirect_dma semaphore(%arg15 : memref<!tpu.dma_semaphore, #tpu.memory_space<semaphore_mem>>) src(%dma_wait3A_437 : memref<100000xf32, #tpu.memory_space<hbm>>) dst(%dma_wait3A_433 : memref<40xf32, #tpu.memory_space<vmem>>)
    %dma_wait3A_438 = arith.constant 160 : i32
    %dma_wait3A_439 = arith.constant 0 : i32
    %dma_wait3A_440 = tpu.memref_slice %arg8[%dma_wait3A_438, %dma_wait3A_439] : memref<200x128xf32, #tpu.memory_space<vmem>> -> memref<40x128xf32, #tpu.memory_space<vmem>>
    %dma_wait3A_441 = arith.constant 160 : i32
    %dma_wait3A_442 = tpu.memref_slice %arg6[%dma_wait3A_441] : memref<25600xi32, #tpu.memory_space<vmem>> -> memref<40xi32, #tpu.memory_space<vmem>>
    %dma_wait3A_443 = arith.constant 0 : i32
    %dma_wait3A_444 = arith.constant 0 : i32
    %dma_wait3A_445 = tpu.memref_slice %arg3[%dma_wait3A_443, %dma_wait3A_444] : memref<100000x128xf32, #tpu.memory_space<hbm>> -> memref<100000x128xf32, #tpu.memory_space<hbm>>
    tpu.wait_indirect_dma semaphore(%arg15 : memref<!tpu.dma_semaphore, #tpu.memory_space<semaphore_mem>>) src(%dma_wait3A_445 : memref<100000x128xf32, #tpu.memory_space<hbm>>) dst(%dma_wait3A_440 : memref<40x128xf32, #tpu.memory_space<vmem>>)
    %dma_wait3A_446 = arith.constant 160 : i32
    %dma_wait3A_447 = tpu.memref_slice %arg11[%dma_wait3A_446] : memref<200xf32, #tpu.memory_space<vmem>> -> memref<40xf32, #tpu.memory_space<vmem>>
    %dma_wait3A_448 = arith.constant 160 : i32
    %dma_wait3A_449 = tpu.memref_slice %arg6[%dma_wait3A_448] : memref<25600xi32, #tpu.memory_space<vmem>> -> memref<40xi32, #tpu.memory_space<vmem>>
    %dma_wait3A_450 = arith.constant 0 : i32
    %dma_wait3A_451 = tpu.memref_slice %arg4[%dma_wait3A_450] : memref<100000xf32, #tpu.memory_space<hbm>> -> memref<100000xf32, #tpu.memory_space<hbm>>
    tpu.wait_indirect_dma semaphore(%arg15 : memref<!tpu.dma_semaphore, #tpu.memory_space<semaphore_mem>>) src(%dma_wait3A_451 : memref<100000xf32, #tpu.memory_space<hbm>>) dst(%dma_wait3A_447 : memref<40xf32, #tpu.memory_space<vmem>>)
    %scan3A_452 = arith.constant 0 : i32
    %scan3A_453 = arith.constant 200 : i32
    %scan3A_454 = arith.addi %scan3A_452, %scan3A_453 : i32
    %scan3A_455 = arith.constant 2 : i32
    %scan3A_456:8 = scf.for %scan3A_554 = %scan3A_452 to %scan3A_454 step %scan3A_455 iter_args(%scan3A_555 = %broadcast_in_dim3A_5, %scan3A_556 = %broadcast_in_dim3A_5, %scan3A_557 = %broadcast_in_dim3A_5, %scan3A_558 = %broadcast_in_dim3A_5, %scan3A_559 = %broadcast_in_dim3A_5, %scan3A_560 = %broadcast_in_dim3A_5, %scan3A_561 = %broadcast_in_dim3A_5, %scan3A_562 = %broadcast_in_dim3A_5) -> (vector<16xf32>, vector<16xf32>, vector<16xf32>, vector<16xf32>, vector<16xf32>, vector<16xf32>, vector<16xf32>, vector<16xf32>)  : i32 {
      %broadcast_in_dim3A_563 = vector.broadcast %scan3A_554 : i32 to vector<16xi32>
      %gather3A_564 = tpu.vector_load_idx %arg11[%broadcast_in_dim3A_563] : memref<200xf32, #tpu.memory_space<vmem>>[vector<16xi32>], vector<16xf32>,
      %get3A_565 = arith.index_cast %scan3A_554 : i32 to index
      %get3A_566 = arith.constant 0 : index
      %get3A_567 = tpu.vector_load %arg8[%get3A_565, %get3A_566] {strides = array<i32>} : memref<200x128xf32, #tpu.memory_space<vmem>>, vector<16xf32>,
      %mul3A_568 = arith.mulf %gather3A_564, %get3A_567 : vector<16xf32>
      %add3A_569 = arith.addf %scan3A_555, %mul3A_568 : vector<16xf32>
      %get3A_570 = arith.index_cast %scan3A_554 : i32 to index
      %get3A_571 = arith.constant 16 : index
      %get3A_572 = tpu.vector_load %arg8[%get3A_570, %get3A_571] {strides = array<i32>} : memref<200x128xf32, #tpu.memory_space<vmem>>, vector<16xf32>,
      %mul3A_573 = arith.mulf %gather3A_564, %get3A_572 : vector<16xf32>
      %add3A_574 = arith.addf %scan3A_556, %mul3A_573 : vector<16xf32>
      %get3A_575 = arith.index_cast %scan3A_554 : i32 to index
      %get3A_576 = arith.constant 32 : index
      %get3A_577 = tpu.vector_load %arg8[%get3A_575, %get3A_576] {strides = array<i32>} : memref<200x128xf32, #tpu.memory_space<vmem>>, vector<16xf32>,
      %mul3A_578 = arith.mulf %gather3A_564, %get3A_577 : vector<16xf32>
      %add3A_579 = arith.addf %scan3A_557, %mul3A_578 : vector<16xf32>
      %get3A_580 = arith.index_cast %scan3A_554 : i32 to index
      %get3A_581 = arith.constant 48 : index
      %get3A_582 = tpu.vector_load %arg8[%get3A_580, %get3A_581] {strides = array<i32>} : memref<200x128xf32, #tpu.memory_space<vmem>>, vector<16xf32>,
      %mul3A_583 = arith.mulf %gather3A_564, %get3A_582 : vector<16xf32>
      %add3A_584 = arith.addf %scan3A_558, %mul3A_583 : vector<16xf32>
      %get3A_585 = arith.index_cast %scan3A_554 : i32 to index
      %get3A_586 = arith.constant 64 : index
      %get3A_587 = tpu.vector_load %arg8[%get3A_585, %get3A_586] {strides = array<i32>} : memref<200x128xf32, #tpu.memory_space<vmem>>, vector<16xf32>,
      %mul3A_588 = arith.mulf %gather3A_564, %get3A_587 : vector<16xf32>
      %add3A_589 = arith.addf %scan3A_559, %mul3A_588 : vector<16xf32>
      %get3A_590 = arith.index_cast %scan3A_554 : i32 to index
      %get3A_591 = arith.constant 80 : index
      %get3A_592 = tpu.vector_load %arg8[%get3A_590, %get3A_591] {strides = array<i32>} : memref<200x128xf32, #tpu.memory_space<vmem>>, vector<16xf32>,
      %mul3A_593 = arith.mulf %gather3A_564, %get3A_592 : vector<16xf32>
      %add3A_594 = arith.addf %scan3A_560, %mul3A_593 : vector<16xf32>
      %get3A_595 = arith.index_cast %scan3A_554 : i32 to index
      %get3A_596 = arith.constant 96 : index
      %get3A_597 = tpu.vector_load %arg8[%get3A_595, %get3A_596] {strides = array<i32>} : memref<200x128xf32, #tpu.memory_space<vmem>>, vector<16xf32>,
      %mul3A_598 = arith.mulf %gather3A_564, %get3A_597 : vector<16xf32>
      %add3A_599 = arith.addf %scan3A_561, %mul3A_598 : vector<16xf32>
      %get3A_600 = arith.index_cast %scan3A_554 : i32 to index
      %get3A_601 = arith.constant 112 : index
      %get3A_602 = tpu.vector_load %arg8[%get3A_600, %get3A_601] {strides = array<i32>} : memref<200x128xf32, #tpu.memory_space<vmem>>, vector<16xf32>,
      %mul3A_603 = arith.mulf %gather3A_564, %get3A_602 : vector<16xf32>
      %add3A_604 = arith.addf %scan3A_562, %mul3A_603 : vector<16xf32>
      %scan3A_605 = arith.constant 1 : i32
      %scan3A_606 = arith.addi %scan3A_554, %scan3A_605 : i32
      %broadcast_in_dim3A_607 = vector.broadcast %scan3A_606 : i32 to vector<16xi32>
      %gather3A_608 = tpu.vector_load_idx %arg11[%broadcast_in_dim3A_607] : memref<200xf32, #tpu.memory_space<vmem>>[vector<16xi32>], vector<16xf32>,
      %get3A_609 = arith.index_cast %scan3A_606 : i32 to index
      %get3A_610 = arith.constant 0 : index
      %get3A_611 = tpu.vector_load %arg8[%get3A_609, %get3A_610] {strides = array<i32>} : memref<200x128xf32, #tpu.memory_space<vmem>>, vector<16xf32>,
      %mul3A_612 = arith.mulf %gather3A_608, %get3A_611 : vector<16xf32>
      %add3A_613 = arith.addf %add3A_569, %mul3A_612 : vector<16xf32>
      %get3A_614 = arith.index_cast %scan3A_606 : i32 to index
      %get3A_615 = arith.constant 16 : index
      %get3A_616 = tpu.vector_load %arg8[%get3A_614, %get3A_615] {strides = array<i32>} : memref<200x128xf32, #tpu.memory_space<vmem>>, vector<16xf32>,
      %mul3A_617 = arith.mulf %gather3A_608, %get3A_616 : vector<16xf32>
      %add3A_618 = arith.addf %add3A_574, %mul3A_617 : vector<16xf32>
      %get3A_619 = arith.index_cast %scan3A_606 : i32 to index
      %get3A_620 = arith.constant 32 : index
      %get3A_621 = tpu.vector_load %arg8[%get3A_619, %get3A_620] {strides = array<i32>} : memref<200x128xf32, #tpu.memory_space<vmem>>, vector<16xf32>,
      %mul3A_622 = arith.mulf %gather3A_608, %get3A_621 : vector<16xf32>
      %add3A_623 = arith.addf %add3A_579, %mul3A_622 : vector<16xf32>
      %get3A_624 = arith.index_cast %scan3A_606 : i32 to index
      %get3A_625 = arith.constant 48 : index
      %get3A_626 = tpu.vector_load %arg8[%get3A_624, %get3A_625] {strides = array<i32>} : memref<200x128xf32, #tpu.memory_space<vmem>>, vector<16xf32>,
      %mul3A_627 = arith.mulf %gather3A_608, %get3A_626 : vector<16xf32>
      %add3A_628 = arith.addf %add3A_584, %mul3A_627 : vector<16xf32>
      %get3A_629 = arith.index_cast %scan3A_606 : i32 to index
      %get3A_630 = arith.constant 64 : index
      %get3A_631 = tpu.vector_load %arg8[%get3A_629, %get3A_630] {strides = array<i32>} : memref<200x128xf32, #tpu.memory_space<vmem>>, vector<16xf32>,
      %mul3A_632 = arith.mulf %gather3A_608, %get3A_631 : vector<16xf32>
      %add3A_633 = arith.addf %add3A_589, %mul3A_632 : vector<16xf32>
      %get3A_634 = arith.index_cast %scan3A_606 : i32 to index
      %get3A_635 = arith.constant 80 : index
      %get3A_636 = tpu.vector_load %arg8[%get3A_634, %get3A_635] {strides = array<i32>} : memref<200x128xf32, #tpu.memory_space<vmem>>, vector<16xf32>,
      %mul3A_637 = arith.mulf %gather3A_608, %get3A_636 : vector<16xf32>
      %add3A_638 = arith.addf %add3A_594, %mul3A_637 : vector<16xf32>
      %get3A_639 = arith.index_cast %scan3A_606 : i32 to index
      %get3A_640 = arith.constant 96 : index
      %get3A_641 = tpu.vector_load %arg8[%get3A_639, %get3A_640] {strides = array<i32>} : memref<200x128xf32, #tpu.memory_space<vmem>>, vector<16xf32>,
      %mul3A_642 = arith.mulf %gather3A_608, %get3A_641 : vector<16xf32>
      %add3A_643 = arith.addf %add3A_599, %mul3A_642 : vector<16xf32>
      %get3A_644 = arith.index_cast %scan3A_606 : i32 to index
      %get3A_645 = arith.constant 112 : index
      %get3A_646 = tpu.vector_load %arg8[%get3A_644, %get3A_645] {strides = array<i32>} : memref<200x128xf32, #tpu.memory_space<vmem>>, vector<16xf32>,
      %mul3A_647 = arith.mulf %gather3A_608, %get3A_646 : vector<16xf32>
      %add3A_648 = arith.addf %add3A_604, %mul3A_647 : vector<16xf32>
      scf.yield %add3A_613, %add3A_618, %add3A_623, %add3A_628, %add3A_633, %add3A_638, %add3A_643, %add3A_648 : vector<16xf32>, vector<16xf32>, vector<16xf32>, vector<16xf32>, vector<16xf32>, vector<16xf32>, vector<16xf32>, vector<16xf32>
    }
    %scan3A_457 = arith.constant 200 : i32
    %get3A_458 = arith.constant 0 : index
    %get3A_459 = tpu.vector_load %arg11[%get3A_458] {strides = array<i32>} : memref<200xf32, #tpu.memory_space<vmem>>, vector<16xf32>,
    %add3A_460 = arith.addf %broadcast_in_dim3A_5, %get3A_459 : vector<16xf32>
    %get3A_461 = arith.constant 16 : index
    %get3A_462 = tpu.vector_load %arg11[%get3A_461] {strides = array<i32>} : memref<200xf32, #tpu.memory_space<vmem>>, vector<16xf32>,
    %add3A_463 = arith.addf %add3A_460, %get3A_462 : vector<16xf32>
    %get3A_464 = arith.constant 32 : index
    %get3A_465 = tpu.vector_load %arg11[%get3A_464] {strides = array<i32>} : memref<200xf32, #tpu.memory_space<vmem>>, vector<16xf32>,
    %add3A_466 = arith.addf %add3A_463, %get3A_465 : vector<16xf32>
    %get3A_467 = arith.constant 48 : index
    %get3A_468 = tpu.vector_load %arg11[%get3A_467] {strides = array<i32>} : memref<200xf32, #tpu.memory_space<vmem>>, vector<16xf32>,
    %add3A_469 = arith.addf %add3A_466, %get3A_468 : vector<16xf32>
    %get3A_470 = arith.constant 64 : index
    %get3A_471 = tpu.vector_load %arg11[%get3A_470] {strides = array<i32>} : memref<200xf32, #tpu.memory_space<vmem>>, vector<16xf32>,
    %add3A_472 = arith.addf %add3A_469, %get3A_471 : vector<16xf32>
    %get3A_473 = arith.constant 80 : index
    %get3A_474 = tpu.vector_load %arg11[%get3A_473] {strides = array<i32>} : memref<200xf32, #tpu.memory_space<vmem>>, vector<16xf32>,
    %add3A_475 = arith.addf %add3A_472, %get3A_474 : vector<16xf32>
    %get3A_476 = arith.constant 96 : index
    %get3A_477 = tpu.vector_load %arg11[%get3A_476] {strides = array<i32>} : memref<200xf32, #tpu.memory_space<vmem>>, vector<16xf32>,
    %add3A_478 = arith.addf %add3A_475, %get3A_477 : vector<16xf32>
    %get3A_479 = arith.constant 112 : index
    %get3A_480 = tpu.vector_load %arg11[%get3A_479] {strides = array<i32>} : memref<200xf32, #tpu.memory_space<vmem>>, vector<16xf32>,
    %add3A_481 = arith.addf %add3A_478, %get3A_480 : vector<16xf32>
    %get3A_482 = arith.constant 128 : index
    %get3A_483 = tpu.vector_load %arg11[%get3A_482] {strides = array<i32>} : memref<200xf32, #tpu.memory_space<vmem>>, vector<16xf32>,
    %add3A_484 = arith.addf %add3A_481, %get3A_483 : vector<16xf32>
    %get3A_485 = arith.constant 144 : index
    %get3A_486 = tpu.vector_load %arg11[%get3A_485] {strides = array<i32>} : memref<200xf32, #tpu.memory_space<vmem>>, vector<16xf32>,
    %add3A_487 = arith.addf %add3A_484, %get3A_486 : vector<16xf32>
    %get3A_488 = arith.constant 160 : index
    %get3A_489 = tpu.vector_load %arg11[%get3A_488] {strides = array<i32>} : memref<200xf32, #tpu.memory_space<vmem>>, vector<16xf32>,
    %add3A_490 = arith.addf %add3A_487, %get3A_489 : vector<16xf32>
    %get3A_491 = arith.constant 176 : index
    %get3A_492 = tpu.vector_load %arg11[%get3A_491] {strides = array<i32>} : memref<200xf32, #tpu.memory_space<vmem>>, vector<16xf32>,
    %add3A_493 = arith.addf %add3A_490, %get3A_492 : vector<16xf32>
    %ge3A_494 = arith.constant 8 : i32
    %ge3A_495 = vector.broadcast %ge3A_494 : i32 to vector<16xi32>
    %ge3A_496 = arith.cmpi sge, %iota3A, %ge3A_495 : vector<16xi32>
    %get3A_497 = arith.constant 184 : index
    %get3A_498 = tpu.vector_load %arg11[%get3A_497] {strides = array<i32>} : memref<200xf32, #tpu.memory_space<vmem>>, vector<16xf32>,
    %jit3A_499 = arith.constant 0.000000e+00 : f32
    %broadcast_in_dim3A_500 = vector.broadcast %jit3A_499 : f32 to vector<16xf32>
    %select_n3A_501 = arith.select %ge3A_496, %get3A_498, %broadcast_in_dim3A_500 : vector<16xi1>, vector<16xf32>
    %add3A_502 = arith.addf %add3A_493, %select_n3A_501 : vector<16xf32>
    %broadcast_in_dim3A_503 = arith.constant true
    %broadcast_in_dim3A_504 = vector.broadcast %broadcast_in_dim3A_503 : i1 to vector<16xi1>
    %masked_cumsum3A_505 = tpu.scan <sum>, %add3A_502 masked %broadcast_in_dim3A_504 : vector<16xf32>, vector<16xi1> -> vector<16xf32>
    %swap3A_506 = arith.constant 0 : index
    %swap3A_507 = tpu.vector_load %arg11[%swap3A_506] {strides = array<i32>} : memref<200xf32, #tpu.memory_space<vmem>>, vector<16xf32>,
    tpu.vector_store %arg11[%swap3A_506], %masked_cumsum3A_505 {strides = array<i32>} : memref<200xf32, #tpu.memory_space<vmem>>, vector<16xf32>,
    %broadcast_in_dim3A_508 = arith.constant 15 : i32
    %broadcast_in_dim3A_509 = vector.broadcast %broadcast_in_dim3A_508 : i32 to vector<16xi32>
    %gather3A_510 = tpu.vector_load_idx %arg11[%broadcast_in_dim3A_509] : memref<200xf32, #tpu.memory_space<vmem>>[vector<16xi32>], vector<16xf32>,
    %div3A_511 = arith.constant 1.000000e+00 : f32
    %div3A_512 = vector.broadcast %div3A_511 : f32 to vector<16xf32>
    %div3A_513 = arith.divf %div3A_512, %gather3A_510 : vector<16xf32>
    %mul3A_514 = arith.mulf %scan3A_456#0, %div3A_513 : vector<16xf32>
    %swap3A_515 = arith.constant 127 : i32
    %swap3A_516 = arith.index_cast %swap3A_515 : i32 to index
    %swap3A_517 = arith.constant 0 : index
    %swap3A_518 = tpu.vector_load %arg13[%swap3A_516, %swap3A_517] {strides = array<i32>} : memref<128x128xf32, #tpu.memory_space<vmem>>, vector<16xf32>,
    tpu.vector_store %arg13[%swap3A_516, %swap3A_517], %mul3A_514 {strides = array<i32>} : memref<128x128xf32, #tpu.memory_space<vmem>>, vector<16xf32>,
    %mul3A_519 = arith.mulf %scan3A_456#1, %div3A_513 : vector<16xf32>
    %swap3A_520 = arith.constant 127 : i32
    %swap3A_521 = arith.index_cast %swap3A_520 : i32 to index
    %swap3A_522 = arith.constant 16 : index
    %swap3A_523 = tpu.vector_load %arg13[%swap3A_521, %swap3A_522] {strides = array<i32>} : memref<128x128xf32, #tpu.memory_space<vmem>>, vector<16xf32>,
    tpu.vector_store %arg13[%swap3A_521, %swap3A_522], %mul3A_519 {strides = array<i32>} : memref<128x128xf32, #tpu.memory_space<vmem>>, vector<16xf32>,
    %mul3A_524 = arith.mulf %scan3A_456#2, %div3A_513 : vector<16xf32>
    %swap3A_525 = arith.constant 127 : i32
    %swap3A_526 = arith.index_cast %swap3A_525 : i32 to index
    %swap3A_527 = arith.constant 32 : index
    %swap3A_528 = tpu.vector_load %arg13[%swap3A_526, %swap3A_527] {strides = array<i32>} : memref<128x128xf32, #tpu.memory_space<vmem>>, vector<16xf32>,
    tpu.vector_store %arg13[%swap3A_526, %swap3A_527], %mul3A_524 {strides = array<i32>} : memref<128x128xf32, #tpu.memory_space<vmem>>, vector<16xf32>,
    %mul3A_529 = arith.mulf %scan3A_456#3, %div3A_513 : vector<16xf32>
    %swap3A_530 = arith.constant 127 : i32
    %swap3A_531 = arith.index_cast %swap3A_530 : i32 to index
    %swap3A_532 = arith.constant 48 : index
    %swap3A_533 = tpu.vector_load %arg13[%swap3A_531, %swap3A_532] {strides = array<i32>} : memref<128x128xf32, #tpu.memory_space<vmem>>, vector<16xf32>,
    tpu.vector_store %arg13[%swap3A_531, %swap3A_532], %mul3A_529 {strides = array<i32>} : memref<128x128xf32, #tpu.memory_space<vmem>>, vector<16xf32>,
    %mul3A_534 = arith.mulf %scan3A_456#4, %div3A_513 : vector<16xf32>
    %swap3A_535 = arith.constant 127 : i32
    %swap3A_536 = arith.index_cast %swap3A_535 : i32 to index
    %swap3A_537 = arith.constant 64 : index
    %swap3A_538 = tpu.vector_load %arg13[%swap3A_536, %swap3A_537] {strides = array<i32>} : memref<128x128xf32, #tpu.memory_space<vmem>>, vector<16xf32>,
    tpu.vector_store %arg13[%swap3A_536, %swap3A_537], %mul3A_534 {strides = array<i32>} : memref<128x128xf32, #tpu.memory_space<vmem>>, vector<16xf32>,
    %mul3A_539 = arith.mulf %scan3A_456#5, %div3A_513 : vector<16xf32>
    %swap3A_540 = arith.constant 127 : i32
    %swap3A_541 = arith.index_cast %swap3A_540 : i32 to index
    %swap3A_542 = arith.constant 80 : index
    %swap3A_543 = tpu.vector_load %arg13[%swap3A_541, %swap3A_542] {strides = array<i32>} : memref<128x128xf32, #tpu.memory_space<vmem>>, vector<16xf32>,
    tpu.vector_store %arg13[%swap3A_541, %swap3A_542], %mul3A_539 {strides = array<i32>} : memref<128x128xf32, #tpu.memory_space<vmem>>, vector<16xf32>,
    %mul3A_544 = arith.mulf %scan3A_456#6, %div3A_513 : vector<16xf32>
    %swap3A_545 = arith.constant 127 : i32
    %swap3A_546 = arith.index_cast %swap3A_545 : i32 to index
    %swap3A_547 = arith.constant 96 : index
    %swap3A_548 = tpu.vector_load %arg13[%swap3A_546, %swap3A_547] {strides = array<i32>} : memref<128x128xf32, #tpu.memory_space<vmem>>, vector<16xf32>,
    tpu.vector_store %arg13[%swap3A_546, %swap3A_547], %mul3A_544 {strides = array<i32>} : memref<128x128xf32, #tpu.memory_space<vmem>>, vector<16xf32>,
    %mul3A_549 = arith.mulf %scan3A_456#7, %div3A_513 : vector<16xf32>
    %swap3A_550 = arith.constant 127 : i32
    %swap3A_551 = arith.index_cast %swap3A_550 : i32 to index
    %swap3A_552 = arith.constant 112 : index
    %swap3A_553 = tpu.vector_load %arg13[%swap3A_551, %swap3A_552] {strides = array<i32>} : memref<128x128xf32, #tpu.memory_space<vmem>>, vector<16xf32>,
    tpu.vector_store %arg13[%swap3A_551, %swap3A_552], %mul3A_549 {strides = array<i32>} : memref<128x128xf32, #tpu.memory_space<vmem>>, vector<16xf32>,
    "tpu.region"() ({
      %run_scoped3A = tpu.sem_alloc : memref<!tpu.dma_semaphore, #tpu.memory_space<semaphore_mem>>
      %dma_start3A_554 = arith.constant 0 : i32
      %dma_start3A_555 = tpu.memref_slice %arg5[%mul3A_2, %dma_start3A_554] : memref<4096x128xf32, #tpu.memory_space<hbm>> -> memref<128x128xf32, #tpu.memory_space<hbm>>
      %dma_start3A_556 = arith.constant 0 : i32
      %dma_start3A_557 = tpu.memref_slice %arg5[%mul3A_2, %dma_start3A_556] : memref<4096x128xf32, #tpu.memory_space<hbm>> -> memref<128x128xf32, #tpu.memory_space<hbm>>
      tpu.enqueue_dma source(%arg13 : memref<128x128xf32, #tpu.memory_space<vmem>>) target(%dma_start3A_557 : memref<128x128xf32, #tpu.memory_space<hbm>>) target_semaphore(%run_scoped3A : memref<!tpu.dma_semaphore, #tpu.memory_space<semaphore_mem>>)
      %dma_wait3A_558 = arith.constant 0 : i32
      %dma_wait3A_559 = tpu.memref_slice %arg5[%mul3A_2, %dma_wait3A_558] : memref<4096x128xf32, #tpu.memory_space<hbm>> -> memref<128x128xf32, #tpu.memory_space<hbm>>
      %dma_wait3A_560 = arith.constant 0 : i32
      %dma_wait3A_561 = tpu.memref_slice %arg5[%mul3A_2, %dma_wait3A_560] : memref<4096x128xf32, #tpu.memory_space<hbm>> -> memref<128x128xf32, #tpu.memory_space<hbm>>
      tpu.wait_dma2 semaphore(%run_scoped3A : memref<!tpu.dma_semaphore, #tpu.memory_space<semaphore_mem>>) src(%arg13 : memref<128x128xf32, #tpu.memory_space<vmem>>) dst(%dma_wait3A_561 : memref<128x128xf32, #tpu.memory_space<hbm>>)
      tpu.yield
    }) : () -> ()
    return
  }
}

module attributes {stable_mosaic.version = 14 : i64} {
  func.func @_expw_body(%arg0: memref<800x125xf32, #tpu.memory_space<vmem>>, %arg1: memref<800x125xf32, #tpu.memory_space<vmem>>) attributes {dimension_semantics = [], scalar_prefetch = 0 : i64, scratch_operands = 0 : i64, tpu.core_type = #tpu.core_type<tc>} {
    %get3A = arith.constant 0 : index
    %get3A_0 = arith.constant 0 : index
    %get3A_1 = vector.load %arg0[%get3A, %get3A_0] : memref<800x125xf32, #tpu.memory_space<vmem>>, vector<800x125xf32>
    %reduce_max3A = vector.shape_cast %get3A_1 : vector<800x125xf32> to vector<1x800x125xf32>
    %reduce_max3A_2 = arith.constant dense<0xFF800000> : vector<1xf32>
    %reduce_max3A_3 = vector.multi_reduction <maximumf>, %reduce_max3A, %reduce_max3A_2 [1, 2] : vector<1x800x125xf32> to vector<1xf32>
    %reduce_max3A_4 = vector.shape_cast %reduce_max3A_3 : vector<1xf32> to vector<1x1x1xf32>
    %reduce_max3A_5 = vector.extract %reduce_max3A_4[0, 0, 0] : f32 from vector<1x1x1xf32>
    %sub3A = vector.broadcast %reduce_max3A_5 : f32 to vector<800x125xf32>
    %sub3A_6 = arith.subf %get3A_1, %sub3A : vector<800x125xf32>
    %exp3A = math.exp %sub3A_6 : vector<800x125xf32>
    %swap3A = arith.constant 0 : index
    %swap3A_7 = arith.constant 0 : index
    %swap3A_8 = vector.load %arg1[%swap3A, %swap3A_7] : memref<800x125xf32, #tpu.memory_space<vmem>>, vector<800x125xf32>
    tpu.vector_store %arg1[%swap3A, %swap3A_7], %exp3A {strides = array<i32>} : memref<800x125xf32, #tpu.memory_space<vmem>>, vector<800x125xf32>,
    return
  }
}

</mosaic_0001>

<sc_bundles>
// kernel: kernel.4.cloned.1.call-start
scs
__scs_entry_jumppad:
0x0: {  	(pc) =	sbr.rel $0x88, $3  }
0x1: {  	(tag) =	ssettag $0x0;
	lr =	simm.s32 $0x1  }
0x2: {  	[smem:$0x3F9E] =	sst lr;
	_ =	strace $0xD0000000  }
0x3: {  	_ = 	snop  }
0x4: {  	_ = 	snop  }
0x5: {  	_ = 	snop  }
0x6: {  	_ = 	snop  }
0x7: {  	_ = 	snop  }
__scs_overlays_trampoline_lowered:
0x8: {  	[smem:$0x3FAD] =	sst s0  }
0x9: {  	[smem:$0x3FAE] =	sst s1  }
0xa: {  	[smem:$0x3FAF] =	sst s2  }
0xb: {  	[smem:$0x3FB0] =	sst s3  }
0xc: {  	[smem:$0x3FB1] =	sst s4  }
0xd: {  	[smem:$0x3FB2] =	sst s5  }
0xe: {  	[smem:$0x3FB3] =	sst s6  }
0xf: {  	[smem:$0x3FB4] =	sst s7  }
0x10: {  	[smem:$0x3FB5] =	sst s8  }
0x11: {  	[smem:$0x3FB6] =	sst s9;
	s0 =	simm.s32 @!p0 $0x0  }
0x12: {  	s1 =	sld [smem:$0x3F9C];
	s0 =	simm.s32 @p0 $0x1  }
0x13: {  	[smem:$0x3FB7] =	sst s0;
	s0 =	simm.s32 @!p1 $0x0  }
0x14: {  	s2 =	sld [smem:$0x3F9B];
	s0 =	simm.s32 @p1 $0x1  }
0x15: {  	[smem:$0x3FB8] =	sst s0;
	s0 =	simm.s32 @!p2 $0x0  }
0x16: {  	s3 =	sld [smem:$0x3FDB];
	s0 =	simm.s32 @p2 $0x1  }
0x17: {  	s4 =	simm.s32 $0x1BF5;
	[smem:$0x3FBA] =	sst s0  }
0x18: {  	s0 =	sld [smem:$0x3F9D];
	_ =	swait.ge [sflag:s4], $0x0  }
0x19: {  	s7 =	sld [smem:$0x3F9E]  }
0x1a: {  	s8 =	sadd.s32 $0xFFFFE003, lr  }
0x1b: {  	s9 =	sadd.s32 $0xFFFFFEF7, lr;
	s5 =	simm.s32 $0xFFFFFFFF;
	p2 =	slt.u32 s8, $0xFFFFF086  }
0x1c: {  	p1 =	slt.u32 s9, $0xF7A;
	s5 =	simm.s32 @!p2 $0x0  }
0x1d: {  	s5 =	simm.s32 @p1 $0x1;
	p0 =	seq.s32 s7, s2  }
0x1e: {  	s7 =	smul.u32 @!p0 $0xF7A, s2;
	p2 =	seq.s32 @!p0 s5, $0x0  }
0x1f: {  	s9 =	smul.u32 $0xF7A, s1;
	s8 =	simm.s32 @!p0 $0x1BF5;
	p2 =	por !p2, p0  }
0x20: {  	[sflag:s8] =	ssyncset.s32 @!p0 $0xFFFFF086;
	s6 =	sadd.s32 @!p0 s3, s7;
	s7 =	simm.s32 @!p0 $0x108  }
0x21: {  	s3 =	sadd.s32 s3, s9;
	s6 =	sadd.s32 @!p0 $0x88, s6;
	s7 =	simm.s32 @p2 $0x1082  }
0x22: {  	[simem:s7], [sflag:s8] =	dma.local @!p0 [hbm:s6], $0xF7A  }
0x23: {  	s9 =	sor.u32 $0xD0000000, s2;
	s6 =	simm.s32 $0x108;
	_ =	swait.ge @!p0 [sflag:s8], $0x0  }
0x24: {  	s3 =	sadd.s32 $0x88, s3;
	s6 =	simm.s32 @!p1 $0x1082;
	[sflag:s4] =	ssyncset.s32 $0xFFFFF086  }
0x25: {  	[simem:s6], [sflag:s4] =	dma.local [hbm:s3], $0xF7A  }
0x26: {  	[smem:$0x3F9E] =	sst s1;
	(tag) =	ssettag s2;
	_ =	strace s9  }
0x27: {  	s1 =	sld [smem:$0x3FAE]  }
0x28: {  	s2 =	sld [smem:$0x3FAF]  }
0x29: {  	s4 =	sld [smem:$0x3FB1]  }
0x2a: {  	p0 =	seq.s32 s5, $0x0;
	s5 =	sld [smem:$0x3FB2]  }
0x2b: {  	s6 =	sld [smem:$0x3FB3]  }
0x2c: {  	s7 =	sld [smem:$0x3FB4]  }
0x2d: {  	s3 =	simm.s32 $0x108;
	s8 =	sld [smem:$0x3FB5]  }
0x2e: {  	s3 =	simm.s32 @!p0 $0x1082;
	s9 =	sld [smem:$0x3FB6]  }
0x2f: {  	lr =	sadd.s32 s0, s3;
	s0 =	sld [smem:$0x3FAD]  }
0x30: {  	s3 =	sld [smem:$0x3FB0]  }
0x31: {  	[smem:$0x3FB9] =	sst s10  }
0x32: {  	s10 =	sld [smem:$0x3FB7];
	_ =	sdelay $0x3  }
0x33: {  	p0 =	seq.s32 s10, $0x1;
	s10 =	sld [smem:$0x3FB9];
	_ =	sdelay $0x3  }
0x34: {  	[smem:$0x3FB9] =	sst s10  }
0x35: {  	s10 =	sld [smem:$0x3FB8];
	_ =	sdelay $0x3  }
0x36: {  	p1 =	seq.s32 s10, $0x1;
	s10 =	sld [smem:$0x3FB9];
	_ =	sdelay $0x3  }
0x37: {  	[smem:$0x3FB9] =	sst s10  }
0x38: {  	s10 =	sld [smem:$0x3FBA]  }
0x39: {  	_ = 	snop;
	(pc) =	sbr.ind lr, $3  }
0x3a: {  	_ = 	snop  }
0x3b: {  	_ = 	snop  }
0x3c: {  	p2 =	seq.s32 s10, $0x1;
	s10 =	sld [smem:$0x3FB9]  }
0x3d: {  	_ =	shalt  }
0x3e: {  	_ =	shalt  }
0x3f: {  	_ =	shalt  }
0x40: {  	_ =	shalt  }
0x41: {  	_ =	shalt  }
0x42: {  	_ =	shalt  }
0x43: {  	_ =	shalt  }
0x44: {  	_ =	shalt  }
0x45: {  	_ =	shalt  }
0x46: {  	_ =	shalt  }
0x47: {  	_ =	shalt  }
0x48: {  	_ =	shalt  }
0x49: {  	_ =	shalt  }
0x4a: {  	_ =	shalt  }
0x4b: {  	_ =	shalt  }
0x4c: {  	_ =	shalt  }
0x4d: {  	_ =	shalt  }
0x4e: {  	_ =	shalt  }
0x4f: {  	_ =	shalt  }
0x50: {  	_ =	shalt  }
0x51: {  	_ =	shalt  }
0x52: {  	_ =	shalt  }
0x53: {  	_ =	shalt  }
0x54: {  	_ =	shalt  }
0x55: {  	_ =	shalt  }
0x56: {  	_ =	shalt  }
0x57: {  	_ =	shalt  }
0x58: {  	_ =	shalt  }
0x59: {  	_ =	shalt  }
0x5a: {  	_ =	shalt  }
0x5b: {  	_ =	shalt  }
0x5c: {  	_ =	shalt  }
0x5d: {  	_ =	shalt  }
0x5e: {  	_ =	shalt  }
0x5f: {  	_ =	shalt  }
0x60: {  	_ =	shalt  }
0x61: {  	_ =	shalt  }
0x62: {  	_ =	shalt  }
0x63: {  	_ =	shalt  }
0x64: {  	_ =	shalt  }
0x65: {  	_ =	shalt  }
0x66: {  	_ =	shalt  }
0x67: {  	_ =	shalt  }
0x68: {  	_ =	shalt  }
0x69: {  	_ =	shalt  }
0x6a: {  	_ =	shalt  }
0x6b: {  	_ =	shalt  }
0x6c: {  	_ =	shalt  }
0x6d: {  	_ =	shalt  }
0x6e: {  	_ =	shalt  }
0x6f: {  	_ =	shalt  }
0x70: {  	_ =	shalt  }
0x71: {  	_ =	shalt  }
0x72: {  	_ =	shalt  }
0x73: {  	_ =	shalt  }
0x74: {  	_ =	shalt  }
0x75: {  	_ =	shalt  }
0x76: {  	_ =	shalt  }
0x77: {  	_ =	shalt  }
0x78: {  	_ =	shalt  }
0x79: {  	_ =	shalt  }
0x7a: {  	_ =	shalt  }
0x7b: {  	_ =	shalt  }
0x7c: {  	_ =	shalt  }
0x7d: {  	_ =	shalt  }
0x7e: {  	_ =	shalt  }
0x7f: {  	_ =	shalt  }
0x80: {  	_ =	shalt  }
0x81: {  	_ =	shalt  }
0x82: {  	_ =	shalt  }
0x83: {  	_ =	shalt  }
0x84: {  	_ =	shalt  }
0x85: {  	_ =	shalt  }
0x86: {  	_ =	shalt  }
0x87: {  	_ =	shalt  }
.Lfunc_end0:
.L_simem_size_0:
called_computation_lowered:
.L_overlay_start_0:
0x88: {  	s2 =	sld [smem:$0x3FD9]  }
0x89: {  	s3 =	sld [smem:$0x3FFE];
	_ =	sdelay $0x1  }
0x8a: {  	s1 =	srdreg.scid  }
0x8b: {  	s0 =	sand.u32 $0x1, s1  }
0x8c: {  	s17 =	sshll.u32 s0, $0xA;
	s2 =	sadd.s32 s3, s2  }
0x8d: {  	s2 =	sadd.s32 s2, s17  }
0x8e: {  	[smem:$0x3FC5] =	sst s2  }
0x8f: {  	_ = 	snop  }
0x90: {  	s2 =	sld [smem:$0x3FC8]  }
0x91: {  	s18 =	sld [smem:$0x3FD0];
	(tm) =	ssettm $0x1  }
0x92: {  	s4 =	sld [smem:$0x3FFB];
	_ =	sdelay $0x3  }
0x93: {  	_ =	strace s4  }
0x94: {  	s4 =	sld [smem:$0x3FFC];
	_ =	sdelay $0x3  }
0x95: {  	_ =	strace s4  }
0x96: {  	s4 =	sld [smem:$0x3FFD];
	_ =	sdelay $0x3  }
0x97: {  	_ =	strace s4  }
0x98: {  	_ =	strace $0x8FFFFFFF  }
0x99: {  	s19 =	sld [smem:$0x3FDB];
	_ =	sdelay $0x1  }
0x9a: {  	s5 =	simm.s32 $_scs_section_size  }
0x9b: {  	s6 =	simm.s32 $_size__tile_overlayer_lowered;
	s7 =	simm.s32 $_tile_overlayer_lowered  }
0x9c: {  	s22 =	simm.s32 $0x1BFF;
	s21 =	sshll.u32 s7, $0x1;
	s4 =	sadd.s32 s5, s19  }
0x9d: {  	s8 =	simm.s32 $0x0;
	s20 =	sshll.u32 s6, $0x1;
	s6 =	sadd.s32 s21, s4  }
0x9e: {  	[timem:s8], [sflag:s22] =	dma.local [hbm:s6], s20  }
0x9f: {  	_ =	swait.ge [sflag:s22], s20  }
0xa0: {  	s5 =	ssub.s32 $0x0, s20;
	[sflag:s22] =	ssyncset.done $0x0  }
0xa1: {  	[sflag:s22] =	ssyncadd.s32 s5;
	_ =	sdelay $0x1  }
0xa2: {  	s23 =	simm.s32 $0x1B8B  }
0xa3: {  	_ =	swait.ge [sflag:s23], $0x1  }
0xa4: {  	[sflag:s23] =	ssyncset.done $0x0  }
0xa5: {  	s25 =	simm.s32 $0x1B8E;
	s24 =	sld [smem:$0x3FFE];
	[sflag:s23] =	ssyncadd.s32 $0xFFFFFFFF  }
0xa6: {  	s26 =	simm.s32 $execute0_lowered;
	[smem:$0x3FD2] =	sst s25  }
0xa7: {  	s6 =	sshll.u32 s26, $0x1;
	_ =	strace $0x80000046;
	[dreg:$0x1] =	wrdreg $0xFFFFFFFF  }
0xa8: {  	s28 =	simm.s32 $_size_execute0_lowered;
	s4 =	sadd.s32 s4, s6;
	[dreg:$0x0] =	wrdreg $0x0  }
0xa9: {  	s6 =	sshll.u32 s28, $0x1;
	[dreg:$0x2] =	wrdreg s4  }
0xaa: {  	[dreg:$0x3] =	wrdreg s6  }
0xab: {  	[dreg:$0x4] =	wrdreg $0xC0  }
0xac: {  	_ =	task [dreg:s8], $0x5FFFF  }
0xad: {  	[dreg:$0x1] =	wrdreg $0xFFFFFFFF  }
0xae: {  	[dreg:$0x0] =	wrdreg $0x60  }
0xaf: {  	[dreg:$0x2] =	wrdreg s24  }
0xb0: {  	[dreg:$0x3] =	wrdreg s2  }
0xb1: {  	[dreg:$0x4] =	wrdreg s18  }
0xb2: {  	[dreg:$0x5] =	wrdreg $0x9  }
0xb3: {  	_ =	task.clear_ibuf [dreg:s8], $0x6FFFF;
	_ =	strace $0x90000046  }
0xb4: {  	s29 =	simm.s32 $0x9;
	_ =	strace $0x80000048  }
0xb5: {  	_ =	swait.ge [sflag:s29], $0x1  }
0xb6: {  	[sflag:s29] =	ssyncadd.s32 $0xFFFFFFFF  }
0xb7: {  	_ =	strace $0x90000048  }
0xb8: {  	_ =	sfence  }
0xb9: {  	s30 =	sld [smem:$0x0];
	_ =	sdelay $0x2  }
0xba: {  	s31 =	sshll.u32 s1, $0xD;
	s1 =	sshrl.u32 s1, $0x2  }
0xbb: {  	s3 =	sand.u32 $0x4000, s31;
	s1 =	sadd.s32 s1, s30  }
0xbc: {  	s0 =	sor.u32 s3, s0;
	s1 =	sshll.u32 s1, $0x11  }
0xbd: {  	s0 =	sor.u32 s1, s0  }
0xbe: {  	s0 =	sadd.s32 $0x8F2B, s0  }
0xbf: {  	[sflag:s0] =	ssyncadd.remote.s32 $0x1  }
0xc0: {  	_ =	sfence.sel $0xFFFF  }
0xc1: {  	[dreg:$0x0] =	wrdreg $0xFFFFFFFF;
	(pc) =	sbr.abs _section_cstart, $3  }
0xc2: {  	[dreg:$0x1] =	wrdreg $0xFFFFFFFF  }
0xc3: {  	_ =	task.clear_ibuf [dreg:s8], $0x2FFFF;
	_ =	strace $0x9FFFFFFF  }
0xc4: {  	(tm) =	ssettm $0x7FFFFFFF  }
0xc5: {  	_ =	shalt  }
tec
execute0_lowered:
.L_overlay_start_1:
0x0: {  	(tag) =	ssettag $0x1  }
0x1: {  	s0 =	rddreg [dreg:$0x0];
	s1 =	srdreg.scid  }
0x2: {  	s3 =	stileid.u32;
	s2 =	rddreg [dreg:$0x1]  }
0x3: {  	s5 =	rddreg [dreg:$0x2];
	s8 =	simm.s32 $0x0;
	s9 =	simm.s32 $0x28  }
0x4: {  	s11 =	simm.s32 $0x19000;
	s13 =	simm.s32 $0x19028;
	s15 =	simm.s32 $0x8C00  }
0x5: {  	s16 =	simm.s32 $0x19050;
	s18 =	simm.s32 $0xA000;
	s19 =	simm.s32 $0x19078  }
0x6: {  	s21 =	simm.s32 $0xB400;
	s22 =	simm.s32 $0x190A0;
	s28 =	simm.s32 $0xDC00  }
0x7: {  	s29 =	simm.s32 $0x19128;
	s31 =	simm.s32 $0xF000;
	s14 =	simm.s32 $0x10400  }
0x8: {  	s17 =	simm.s32 $0x19178;
	s23 =	simm.s32 $0x11800;
	s7 =	simm.s32 $0x19200  }
0x9: {  	s20 =	simm.s32 $0x1;
	s30 =	simm.s32 $0x2;
	s10 =	simm.s32 $0x0  }
0xa: {  	s1 =	sand.u32 $0x1, s1;
	s3 =	sshll.u32 s3, $0x1;
	[smem:$0x7FF] =	sst s8  }
0xb: {  	s3 =	sor.u32 s1, s3;
	_ =	strace $0x80000047;
	s1 =	ssub.s32 $0x2, s1  }
0xc: {  	s4 =	smul.u32 $0xC80, s3;
	s24 =	sshrl.u32 s1, $0x1;
	s3 =	sshll.u32 s3, $0xB  }
0xd: {  	s26 =	sadd.s32 s5, s3;
	s3 =	simm.s32 $0x4;
	s5 =	simm.s32 $0x191A0  }
0xe: {  	s6 =	sadd.s32 s4, s0;
	s4 =	sadd.s32 $0x19200, s0;
	s0 =	ssub.s32 s1, s24  }
0xf: {  	[dreg:$0x5] =	wrdreg s26;
	s24 =	simm.s32 $0xC800;
	s25 =	sadd.s32 $0x200, s6  }
0x10: {  	s1 =	simm.s32 $0x19150;
	s0 =	smax.u32 s0, $0x1;
	[dreg:$0x4] =	wrdreg s25  }
0x11: {  	vm0 =	vmmov $0xff;
	v0 =	vimm.s32 $0xF;
	s6 =	simm.s32 $0x3;
	[dreg:$0x6] =	wrdreg s0;
	s25 =	simm.s32 $0x19100  }
.LBB2_1:
0x12: {  	[dreg:$0x7] =	wrdreg s10  }
0x13: {  	s0 =	rddreg [dreg:$0x4]  }
0x14: {  	[tilespmem:s8], [sflag:$0x4] =	stream.linear.gather [hbm4b:s0+s8], $0x6400, $0x38;
	[tilespmem:$0x1D300] =	vst v63  }
0x15: {  	_ =	swait.ge [sflag:s3], $0x6400  }
0x16: {  	[sflag:s3] =	ssyncset.done $0x0  }
0x17: {  	s12 =	simm.s32 $0x6400;
	[sflag:s3] =	ssyncadd.s32 $0xFFFF9C00  }
0x18: {  	[tilespmem:s12], [sflag:$0x1] =	stream.indirect.gather [hbm4b:s2+s9], $0x80, s8, s9, $0xb8;
	[tilespmem:$0x1D300] =	vst v63  }
0x19: {  	_ = 	snop  }
0x1a: {  	[tilespmem:s11], [sflag:$0x1] =	stream.indirect.gather [hbm4b:s4+s9], $0x1, s8, s9, $0xb8;
	[tilespmem:$0x1D300] =	vst v63  }
0x1b: {  	s26 =	simm.s32 $0x7800  }
0x1c: {  	[tilespmem:s26], [sflag:$0x1] =	stream.indirect.gather [hbm4b:s2+s9], $0x80, s9, s9, $0xb8;
	[tilespmem:$0x1D300] =	vst v63  }
0x1d: {  	_ = 	snop  }
0x1e: {  	[tilespmem:s13], [sflag:$0x1] =	stream.indirect.gather [hbm4b:s4+s9], $0x1, s9, s9, $0xb8;
	[tilespmem:$0x1D300] =	vst v63  }
0x1f: {  	s3 =	simm.s32 $0x50  }
0x20: {  	[tilespmem:s15], [sflag:$0x1] =	stream.indirect.gather [hbm4b:s2+s9], $0x80, s3, s9, $0xb8;
	[tilespmem:$0x1D300] =	vst v63  }
0x21: {  	_ = 	snop  }
0x22: {  	[tilespmem:s16], [sflag:$0x1] =	stream.indirect.gather [hbm4b:s4+s9], $0x1, s3, s9, $0xb8;
	[tilespmem:$0x1D300] =	vst v63  }
0x23: {  	s8 =	simm.s32 $0x78  }
0x24: {  	[tilespmem:s18], [sflag:$0x1] =	stream.indirect.gather [hbm4b:s2+s9], $0x80, s8, s9, $0xb8;
	[tilespmem:$0x1D300] =	vst v63  }
0x25: {  	_ = 	snop  }
0x26: {  	[tilespmem:s19], [sflag:$0x1] =	stream.indirect.gather [hbm4b:s4+s9], $0x1, s8, s9, $0xb8;
	[tilespmem:$0x1D300] =	vst v63  }
0x27: {  	s10 =	simm.s32 $0xA0  }
0x28: {  	[tilespmem:s21], [sflag:$0x1] =	stream.indirect.gather [hbm4b:s2+s9], $0x80, s10, s9, $0xb8;
	[tilespmem:$0x1D300] =	vst v63  }
0x29: {  	_ = 	snop  }
0x2a: {  	[tilespmem:s22], [sflag:$0x1] =	stream.indirect.gather [hbm4b:s4+s9], $0x1, s10, s9, $0xb8;
	[tilespmem:$0x1D300] =	vst v63  }
0x2b: {  	s12 =	simm.s32 $0xC8  }
0x2c: {  	[tilespmem:s24], [sflag:$0x2] =	stream.indirect.gather [hbm4b:s2+s9], $0x80, s12, s9, $0xb8;
	[tilespmem:$0x1D300] =	vst v63  }
0x2d: {  	_ = 	snop  }
0x2e: {  	[tilespmem:s25], [sflag:$0x2] =	stream.indirect.gather [hbm4b:s4+s9], $0x1, s12, s9, $0xb8;
	[tilespmem:$0x1D300] =	vst v63  }
0x2f: {  	s26 =	simm.s32 $0xF0  }
0x30: {  	[tilespmem:s28], [sflag:$0x2] =	stream.indirect.gather [hbm4b:s2+s9], $0x80, s26, s9, $0xb8;
	[tilespmem:$0x1D300] =	vst v63  }
0x31: {  	_ = 	snop  }
0x32: {  	[tilespmem:s29], [sflag:$0x2] =	stream.indirect.gather [hbm4b:s4+s9], $0x1, s26, s9, $0xb8;
	[tilespmem:$0x1D300] =	vst v63  }
0x33: {  	s3 =	simm.s32 $0x118  }
0x34: {  	[tilespmem:s31], [sflag:$0x2] =	stream.indirect.gather [hbm4b:s2+s9], $0x80, s3, s9, $0xb8;
	[tilespmem:$0x1D300] =	vst v63  }
0x35: {  	_ = 	snop  }
0x36: {  	[tilespmem:s1], [sflag:$0x2] =	stream.indirect.gather [hbm4b:s4+s9], $0x1, s3, s9, $0xb8;
	[tilespmem:$0x1D300] =	vst v63  }
0x37: {  	s8 =	simm.s32 $0x140  }
0x38: {  	[tilespmem:s14], [sflag:$0x2] =	stream.indirect.gather [hbm4b:s2+s9], $0x80, s8, s9, $0xb8;
	[tilespmem:$0x1D300] =	vst v63  }
0x39: {  	_ = 	snop  }
0x3a: {  	[tilespmem:s17], [sflag:$0x2] =	stream.indirect.gather [hbm4b:s4+s9], $0x1, s8, s9, $0xb8;
	[tilespmem:$0x1D300] =	vst v63  }
0x3b: {  	s10 =	simm.s32 $0x168  }
0x3c: {  	[tilespmem:s23], [sflag:$0x2] =	stream.indirect.gather [hbm4b:s2+s9], $0x80, s10, s9, $0xb8;
	[tilespmem:$0x1D300] =	vst v63  }
0x3d: {  	_ = 	snop  }
0x3e: {  	[tilespmem:s5], [sflag:$0x2] =	stream.indirect.gather [hbm4b:s4+s9], $0x1, s10, s9, $0xb8;
	[tilespmem:$0x1D300] =	vst v63  }
0x3f: {  	s12 =	simm.s32 $0x190;
	s26 =	simm.s32 $0x12C00  }
0x40: {  	[tilespmem:s26], [sflag:$0x3] =	stream.indirect.gather [hbm4b:s2+s9], $0x80, s12, s9, $0xb8;
	[tilespmem:$0x1D300] =	vst v63  }
0x41: {  	_ = 	snop  }
0x42: {  	[tilespmem:s7], [sflag:$0x3] =	stream.indirect.gather [hbm4b:s4+s9], $0x1, s12, s9, $0xb8;
	[tilespmem:$0x1D300] =	vst v63  }
0x43: {  	s8 =	simm.s32 $0x1B8;
	s10 =	simm.s32 $0x14000  }
0x44: {  	[tilespmem:s10], [sflag:$0x3] =	stream.indirect.gather [hbm4b:s2+s9], $0x80, s8, s9, $0xb8;
	[tilespmem:$0x1D300] =	vst v63  }
0x45: {  	s12 =	simm.s32 $0x19228  }
0x46: {  	[tilespmem:s12], [sflag:$0x3] =	stream.indirect.gather [hbm4b:s4+s9], $0x1, s8, s9, $0xb8;
	[tilespmem:$0x1D300] =	vst v63  }
0x47: {  	s26 =	simm.s32 $0x1E0;
	s8 =	simm.s32 $0x15400  }
0x48: {  	[tilespmem:s8], [sflag:$0x3] =	stream.indirect.gather [hbm4b:s2+s9], $0x80, s26, s9, $0xb8;
	[tilespmem:$0x1D300] =	vst v63  }
0x49: {  	s10 =	simm.s32 $0x19250  }
0x4a: {  	[tilespmem:s10], [sflag:$0x3] =	stream.indirect.gather [hbm4b:s4+s9], $0x1, s26, s9, $0xb8;
	[tilespmem:$0x1D300] =	vst v63  }
0x4b: {  	s12 =	simm.s32 $0x208;
	s26 =	simm.s32 $0x16800  }
0x4c: {  	[tilespmem:s26], [sflag:$0x3] =	stream.indirect.gather [hbm4b:s2+s9], $0x80, s12, s9, $0xb8;
	[tilespmem:$0x1D300] =	vst v63  }
0x4d: {  	s8 =	simm.s32 $0x19278  }
0x4e: {  	[tilespmem:s8], [sflag:$0x3] =	stream.indirect.gather [hbm4b:s4+s9], $0x1, s12, s9, $0xb8;
	[tilespmem:$0x1D300] =	vst v63  }
0x4f: {  	s10 =	simm.s32 $0x230;
	s12 =	simm.s32 $0x17C00  }
0x50: {  	[tilespmem:s12], [sflag:$0x3] =	stream.indirect.gather [hbm4b:s2+s9], $0x80, s10, s9, $0xb8;
	[tilespmem:$0x1D300] =	vst v63  }
0x51: {  	s3 =	simm.s32 $0x0;
	s26 =	simm.s32 $0x192A0  }
0x52: {  	[tilespmem:s26], [sflag:$0x3] =	stream.indirect.gather [hbm4b:s4+s9], $0x1, s10, s9, $0xb8;
	[tilespmem:$0x1D300] =	vst v63  }
.LBB2_2:
0x53: {  	_ =	swait.ge [sflag:s20], $0x1400  }
0x54: {  	[sflag:s20] =	ssyncset.done $0x0  }
0x55: {  	[sflag:s20] =	ssyncadd.s32 $0xFFFFEC00  }
0x56: {  	_ =	swait.ge [sflag:s20], $0x28  }
0x57: {  	[sflag:s20] =	ssyncset.done $0x0  }
0x58: {  	[sflag:s20] =	ssyncadd.s32 $0xFFFFFFD8  }
0x59: {  	_ =	swait.ge [sflag:s20], $0x1400  }
0x5a: {  	[sflag:s20] =	ssyncset.done $0x0  }
0x5b: {  	[sflag:s20] =	ssyncadd.s32 $0xFFFFEC00  }
0x5c: {  	_ =	swait.ge [sflag:s20], $0x28  }
0x5d: {  	[sflag:s20] =	ssyncset.done $0x0  }
0x5e: {  	[sflag:s20] =	ssyncadd.s32 $0xFFFFFFD8  }
0x5f: {  	_ =	swait.ge [sflag:s20], $0x1400  }
0x60: {  	[sflag:s20] =	ssyncset.done $0x0  }
0x61: {  	[sflag:s20] =	ssyncadd.s32 $0xFFFFEC00  }
0x62: {  	_ =	swait.ge [sflag:s20], $0x28  }
0x63: {  	[sflag:s20] =	ssyncset.done $0x0  }
0x64: {  	[sflag:s20] =	ssyncadd.s32 $0xFFFFFFD8  }
0x65: {  	_ =	swait.ge [sflag:s20], $0x1400  }
0x66: {  	[sflag:s20] =	ssyncset.done $0x0  }
0x67: {  	[sflag:s20] =	ssyncadd.s32 $0xFFFFEC00  }
0x68: {  	_ =	swait.ge [sflag:s20], $0x28  }
0x69: {  	[sflag:s20] =	ssyncset.done $0x0  }
0x6a: {  	[sflag:s20] =	ssyncadd.s32 $0xFFFFFFD8  }
0x6b: {  	_ =	swait.ge [sflag:s20], $0x1400  }
0x6c: {  	[sflag:s20] =	ssyncset.done $0x0  }
0x6d: {  	[sflag:s20] =	ssyncadd.s32 $0xFFFFEC00  }
0x6e: {  	_ =	swait.ge [sflag:s20], $0x28  }
0x6f: {  	[sflag:s20] =	ssyncset.done $0x0  }
0x70: {  	s8 =	simm.s32 $0x6480;
	[sflag:s20] =	ssyncadd.s32 $0xFFFFFFD8  }
0x71: {  	s10 =	simm.s32 $0x1;
	s26 =	simm.s32 $0x0;
	v11 =	vld [tilespmem:s8+$0x0]  }
0x72: {  	v1 =	vmov s10;
	v2 =	vmov s26;
	v12 =	vld [tilespmem:s8+$0x10]  }
0x73: {  	v2 =	vand.u32 $0xFFFFFFFE, v2;
	v13 =	vld [tilespmem:s8+$0x20]  }
0x74: {  	v10 =	vbroadcast v2, $0x0;
	v14 =	vld [tilespmem:s8+$0x30]  }
0x75: {  	v9 =	vimm.f32 $0.0e+00;
	v8 =	vimm.f32 $0.0e+00;
	v15 =	vld [tilespmem:s8+$0x40]  }
0x76: {  	v6 =	vimm.f32 $0.0e+00;
	v7 =	vimm.f32 $0.0e+00;
	v3 =	vimm.f32 $0.0e+00;
	v16 =	vld [tilespmem:s8+$0x50]  }
0x77: {  	v5 =	vimm.f32 $0.0e+00;
	v4 =	vimm.f32 $0.0e+00;
	s10 =	simm.s32 $0x2;
	v2 =	vimm.f32 $0.0e+00;
	v1 =	vld.idx.msk [tilespmem:v1+s11+$0x0], $0xffff  }
.LBB2_3:
0x78: {  	p0 =	slt.u32 s10, $0xC6;
	v17 =	vld [tilespmem:s8+$0xFFFFFF80]  }
0x79: {  	v18 =	vld [tilespmem:s8+$0xFFFFFF90]  }
0x7a: {  	v19 =	vmov s10;
	v20 =	vld.idx.msk [tilespmem:v10+s11+$0x0], $0xffff  }
0x7b: {  	v10 =	vand.u32 $0xFFFFFFFE, v19;
	v19 =	vld [tilespmem:s8+$0xFFFFFFA0]  }
0x7c: {  	v10 =	vbroadcast v10, $0x0;
	v21 =	vld [tilespmem:s8+$0xFFFFFFB0]  }
0x7d: {  	v23 =	vmul.f32 v11, v1;
	v24 =	vmul.f32 v12, v1;
	v22 =	vld [tilespmem:s8+$0xFFFFFFC0]  }
0x7e: {  	v25 =	vmul.f32 v13, v1;
	v14 =	vmul.f32 v14, v1;
	v12 =	vld [tilespmem:s8+$0xFFFFFFD0]  }
0x7f: {  	v26 =	vmul.f32 v15, v1;
	v27 =	vmul.f32 v16, v1;
	v13 =	vld [tilespmem:s8+$0xFFFFFFE0]  }
0x80: {  	s12 =	sadd.s32 $0x1, s10;
	v11 =	vmul.f32 v17, v20;
	v15 =	vmul.f32 v18, v20;
	v16 =	vld [tilespmem:s8+$0xFFFFFFF0]  }
0x81: {  	v17 =	vmov s12;
	v18 =	vmul.f32 v19, v20;
	v19 =	vmul.f32 v21, v20;
	v21 =	vld [tilespmem:s8+$0x60]  }
0x82: {  	v9 =	vadd.f32 v11, v9;
	v8 =	vadd.f32 v15, v8;
	v15 =	vmul.f32 v22, v20;
	v22 =	vld [tilespmem:s8+$0x70];
	s8 =	sadd.s32 $0x100, s8  }
0x83: {  	v6 =	vadd.f32 v18, v6;
	v11 =	vld [tilespmem:s8+$0x0];
	v7 =	vadd.f32 v19, v7;
	v18 =	vmul.f32 v12, v20  }
0x84: {  	v9 =	vadd.f32 v23, v9;
	v8 =	vadd.f32 v24, v8;
	v12 =	vld [tilespmem:s8+$0x10];
	v19 =	vmul.f32 v13, v20  }
.Ltmp0:
0x85: {  	v6 =	vadd.f32 v25, v6;
	v13 =	vld [tilespmem:s8+$0x20];
	v16 =	vmul.f32 v16, v20;
	v7 =	vadd.f32 v14, v7;
	(pc) =	sbr.rel @p0 .LBB2_3-.Ltmp0, $4  }
0x86: {  	v3 =	vadd.f32 v15, v3;
	v5 =	vadd.f32 v18, v5;
	v14 =	vld [tilespmem:s8+$0x30];
	v18 =	vmul.f32 v21, v1  }
0x87: {  	v4 =	vadd.f32 v19, v4;
	v15 =	vld [tilespmem:s8+$0x40];
	v2 =	vadd.f32 v16, v2;
	v19 =	vmul.f32 v22, v1  }
0x88: {  	v3 =	vadd.f32 v26, v3;
	v5 =	vadd.f32 v27, v5;
	v16 =	vld [tilespmem:s8+$0x50]  }
0x89: {  	s10 =	sadd.s32 $0x2, s10;
	v4 =	vadd.f32 v18, v4;
	v1 =	vld.idx.msk [tilespmem:v17+s11+$0x0], $0xffff;
	v2 =	vadd.f32 v19, v2  }
0x8a: {  	v17 =	vld [tilespmem:$0x19000];
	_ =	sdelay $0x1  }
0x8b: {  	v18 =	vld [tilespmem:$0x19010];
	_ =	sdelay $0x1  }
0x8c: {  	v19 =	vld [tilespmem:$0x19020]  }
0x8d: {  	v17 =	vadd.f32 $0.0e+00, v17  }
0x8e: {  	v20 =	vld [tilespmem:$0x19030]  }
0x8f: {  	v17 =	vadd.f32 v18, v17  }
0x90: {  	v18 =	vld [tilespmem:$0x19040]  }
0x91: {  	v17 =	vadd.f32 v19, v17  }
0x92: {  	v19 =	vld [tilespmem:$0x19050]  }
0x93: {  	v17 =	vadd.f32 v20, v17  }
0x94: {  	v60 =	vld [tilespmem:$0x19060]  }
0x95: {  	v17 =	vadd.f32 v18, v17  }
0x96: {  	v18 =	vld [tilespmem:$0x19070]  }
0x97: {  	v17 =	vadd.f32 v19, v17  }
0x98: {  	v19 =	vld [tilespmem:$0x19080]  }
0x99: {  	v17 =	vadd.f32 v60, v17  }
0x9a: {  	v61 =	vld [tilespmem:$0x19090]  }
0x9b: {  	v17 =	vadd.f32 v18, v17  }
0x9c: {  	v18 =	vld [tilespmem:$0x190A0]  }
0x9d: {  	v17 =	vadd.f32 v19, v17  }
0x9e: {  	v19 =	vld [tilespmem:$0x190B0]  }
0x9f: {  	v62 =	vld [tilespmem:$0x190B8];
	v17 =	vadd.f32 v61, v17;
	_ =	sdelay $0x1  }
0xa0: {  	v17 =	vadd.f32 v18, v17;
	_ =	sdelay $0x1  }
0xa1: {  	v17 =	vadd.f32 v19, v17  }
0xa2: {  	v18 =	vsel vm0, $0x0, v62  }
0xa3: {  	v17 =	vadd.f32 v18, v17;
	_ =	sdelay $0x1  }
0xa4: {  	(xrf2) =	vadd.scan.msk.f32 $0xffff, v17  }
0xa5: {  	v10 =	vld.idx.msk [tilespmem:v10+s11+$0x0], $0xffff  }
0xa6: {  	v63 =	vld [tilespmem:s8+$0xFFFFFFB0]  }
0xa7: {  	v21 =	vld [tilespmem:s8+$0xFFFFFFC0]  }
0xa8: {  	v22 =	vld [tilespmem:s8+$0xFFFFFFD0]  }
0xa9: {  	v23 =	vld [tilespmem:s8+$0xFFFFFFE0]  }
0xaa: {  	v24 =	vld [tilespmem:s8+$0xFFFFFFF0]  }
0xab: {  	v25 =	vld [tilespmem:s8+$0x60]  }
0xac: {  	v26 =	vld [tilespmem:s8+$0x70]  }
0xad: {  	v19 =	vld [tilespmem:s8+$0xFFFFFFA0]  }
0xae: {  	v18 =	vld [tilespmem:s8+$0xFFFFFF80];
	v27, _, _ =	vpop (xrf2)  }
0xaf: {  	v17 =	vld [tilespmem:s8+$0xFFFFFF90];
	[tilespmem:$0x19000] =	vst v27  }
0xb0: {  	v27 =	vld.idx.msk [tilespmem:v0+s11+$0x0], $0xffff;
	_ =	sdelay $0x4  }
0xb1: {  	(erf) = vrcp.f32 v27  }
0xb2: {  	v11 =	vmul.f32 v11, v1  }
0xb3: {  	v12 =	vmul.f32 v12, v1;
	v13 =	vmul.f32 v13, v1  }
0xb4: {  	v14 =	vmul.f32 v14, v1;
	v18 =	vmul.f32 v18, v10  }
0xb5: {  	v15 =	vmul.f32 v15, v1;
	v17 =	vmul.f32 v17, v10  }
0xb6: {  	v9 =	vadd.f32 v18, v9;
	v18 =	vmul.f32 v19, v10;
	v19 =	vmul.f32 v63, v10  }
0xb7: {  	v16 =	vmul.f32 v16, v1;
	v8 =	vadd.f32 v17, v8;
	v17 =	vmul.f32 v21, v10  }
0xb8: {  	v6 =	vadd.f32 v18, v6;
	v7 =	vadd.f32 v19, v7;
	v18 =	vmul.f32 v22, v10  }
0xb9: {  	v19 =	vmul.f32 v23, v10;
	v9 =	vadd.f32 v11, v9;
	v8 =	vadd.f32 v12, v8  }
0xba: {  	s12 =	smul.u32 $0x600, s3;
	v10 =	vmul.f32 v24, v10;
	v6 =	vadd.f32 v13, v6;
	v7 =	vadd.f32 v14, v7;
	v11 =	vpop (erf)  }
0xbb: {  	v3 =	vadd.f32 v17, v3;
	v5 =	vadd.f32 v18, v5;
	v9 =	vmul.f32 v11, v9  }
0xbc: {  	s8 =	sshra.s32 s12, $0x2;
	v12 =	vmul.f32 v25, v1;
	v2 =	vadd.f32 v10, v2;
	v8 =	vmul.f32 v11, v8  }
0xbd: {  	v1 =	vmul.f32 v26, v1;
	v3 =	vadd.f32 v15, v3;
	v6 =	vmul.f32 v11, v6;
	[tilespmem:s8+$0x19300] =	vst v9  }
0xbe: {  	v4 =	vadd.f32 v19, v4;
	v5 =	vadd.f32 v16, v5;
	v7 =	vmul.f32 v11, v7;
	[tilespmem:s8+$0x19310] =	vst v8  }
0xbf: {  	v1 =	vadd.f32 v1, v2;
	v3 =	vmul.f32 v11, v3;
	[tilespmem:s8+$0x19320] =	vst v6  }
0xc0: {  	v4 =	vadd.f32 v12, v4;
	v2 =	vmul.f32 v11, v5;
	[tilespmem:s8+$0x19330] =	vst v7  }
0xc1: {  	s10 =	smul.u32 $0x960, s3;
	v1 =	vmul.f32 v11, v1;
	[tilespmem:s8+$0x19340] =	vst v3  }
0xc2: {  	v3 =	vmul.f32 v11, v4;
	[tilespmem:s8+$0x19350] =	vst v2  }
0xc3: {  	s10 =	sshra.s32 s10, $0x2;
	[tilespmem:s8+$0x19370] =	vst v1  }
0xc4: {  	s0 =	simm.s32 $0x6400;
	s12 =	sadd.s32 $0x258, s10;
	[tilespmem:s8+$0x19360] =	vst v3  }
0xc5: {  	[tilespmem:s0], [sflag:$0x1] =	stream.indirect.gather [hbm4b:s2+s9], $0x80, s12, s9, $0xb8;
	[tilespmem:$0x1D300] =	vst v63  }
0xc6: {  	_ = 	snop  }
0xc7: {  	[tilespmem:s11], [sflag:$0x1] =	stream.indirect.gather [hbm4b:s4+s9], $0x1, s12, s9, $0xb8;
	[tilespmem:$0x1D300] =	vst v63  }
0xc8: {  	s26 =	simm.s32 $0x7800;
	s12 =	sadd.s32 $0x280, s10  }
0xc9: {  	[tilespmem:s26], [sflag:$0x1] =	stream.indirect.gather [hbm4b:s2+s9], $0x80, s12, s9, $0xb8;
	[tilespmem:$0x1D300] =	vst v63  }
0xca: {  	_ = 	snop  }
0xcb: {  	[tilespmem:s13], [sflag:$0x1] =	stream.indirect.gather [hbm4b:s4+s9], $0x1, s12, s9, $0xb8;
	[tilespmem:$0x1D300] =	vst v63  }
0xcc: {  	s26 =	sadd.s32 $0x2A8, s10  }
0xcd: {  	[tilespmem:s15], [sflag:$0x1] =	stream.indirect.gather [hbm4b:s2+s9], $0x80, s26, s9, $0xb8;
	[tilespmem:$0x1D300] =	vst v63  }
0xce: {  	_ = 	snop  }
0xcf: {  	[tilespmem:s16], [sflag:$0x1] =	stream.indirect.gather [hbm4b:s4+s9], $0x1, s26, s9, $0xb8;
	[tilespmem:$0x1D300] =	vst v63  }
0xd0: {  	s0 =	sadd.s32 $0x2D0, s10  }
0xd1: {  	[tilespmem:s18], [sflag:$0x1] =	stream.indirect.gather [hbm4b:s2+s9], $0x80, s0, s9, $0xb8;
	[tilespmem:$0x1D300] =	vst v63  }
0xd2: {  	_ = 	snop  }
0xd3: {  	[tilespmem:s19], [sflag:$0x1] =	stream.indirect.gather [hbm4b:s4+s9], $0x1, s0, s9, $0xb8;
	[tilespmem:$0x1D300] =	vst v63  }
0xd4: {  	s26 =	sadd.s32 $0x2F8, s10  }
0xd5: {  	[tilespmem:s21], [sflag:$0x1] =	stream.indirect.gather [hbm4b:s2+s9], $0x80, s26, s9, $0xb8;
	[tilespmem:$0x1D300] =	vst v63  }
0xd6: {  	_ = 	snop  }
0xd7: {  	[tilespmem:s22], [sflag:$0x1] =	stream.indirect.gather [hbm4b:s4+s9], $0x1, s26, s9, $0xb8;
	[tilespmem:$0x1D300] =	vst v63  }
0xd8: {  	_ =	swait.ge [sflag:s30], $0x1400  }
0xd9: {  	[sflag:s30] =	ssyncset.done $0x0  }
0xda: {  	[sflag:s30] =	ssyncadd.s32 $0xFFFFEC00  }
0xdb: {  	_ =	swait.ge [sflag:s30], $0x28  }
0xdc: {  	[sflag:s30] =	ssyncset.done $0x0  }
0xdd: {  	[sflag:s30] =	ssyncadd.s32 $0xFFFFFFD8  }
0xde: {  	_ =	swait.ge [sflag:s30], $0x1400  }
0xdf: {  	[sflag:s30] =	ssyncset.done $0x0  }
0xe0: {  	[sflag:s30] =	ssyncadd.s32 $0xFFFFEC00  }
0xe1: {  	_ =	swait.ge [sflag:s30], $0x28  }
0xe2: {  	[sflag:s30] =	ssyncset.done $0x0  }
0xe3: {  	[sflag:s30] =	ssyncadd.s32 $0xFFFFFFD8  }
0xe4: {  	_ =	swait.ge [sflag:s30], $0x1400  }
0xe5: {  	[sflag:s30] =	ssyncset.done $0x0  }
0xe6: {  	[sflag:s30] =	ssyncadd.s32 $0xFFFFEC00  }
0xe7: {  	_ =	swait.ge [sflag:s30], $0x28  }
0xe8: {  	[sflag:s30] =	ssyncset.done $0x0  }
0xe9: {  	[sflag:s30] =	ssyncadd.s32 $0xFFFFFFD8  }
0xea: {  	_ =	swait.ge [sflag:s30], $0x1400  }
0xeb: {  	[sflag:s30] =	ssyncset.done $0x0  }
0xec: {  	[sflag:s30] =	ssyncadd.s32 $0xFFFFEC00  }
0xed: {  	_ =	swait.ge [sflag:s30], $0x28  }
0xee: {  	[sflag:s30] =	ssyncset.done $0x0  }
0xef: {  	[sflag:s30] =	ssyncadd.s32 $0xFFFFFFD8  }
0xf0: {  	_ =	swait.ge [sflag:s30], $0x1400  }
0xf1: {  	[sflag:s30] =	ssyncset.done $0x0  }
0xf2: {  	[sflag:s30] =	ssyncadd.s32 $0xFFFFEC00  }
0xf3: {  	_ =	swait.ge [sflag:s30], $0x28  }
0xf4: {  	[sflag:s30] =	ssyncset.done $0x0  }
0xf5: {  	s0 =	simm.s32 $0x1;
	s26 =	simm.s32 $0xC880;
	[sflag:s30] =	ssyncadd.s32 $0xFFFFFFD8  }
0xf6: {  	v1 =	vmov s0;
	s0 =	simm.s32 $0x0;
	v11 =	vld [tilespmem:s26+$0x0]  }
0xf7: {  	v2 =	vmov s0;
	v12 =	vld [tilespmem:s26+$0x10]  }
0xf8: {  	v2 =	vand.u32 $0xFFFFFFFE, v2;
	v13 =	vld [tilespmem:s26+$0x20]  }
0xf9: {  	v10 =	vbroadcast v2, $0x0;
	v14 =	vld [tilespmem:s26+$0x30]  }
0xfa: {  	v5 =	vimm.f32 $0.0e+00;
	v9 =	vimm.f32 $0.0e+00;
	v15 =	vld [tilespmem:s26+$0x40]  }
0xfb: {  	v8 =	vimm.f32 $0.0e+00;
	v6 =	vimm.f32 $0.0e+00;
	v7 =	vimm.f32 $0.0e+00;
	v16 =	vld [tilespmem:s26+$0x50]  }
0xfc: {  	v4 =	vimm.f32 $0.0e+00;
	v3 =	vimm.f32 $0.0e+00;
	s12 =	simm.s32 $0x2;
	v2 =	vimm.f32 $0.0e+00;
	v1 =	vld.idx.msk [tilespmem:v1+s25+$0x0], $0xffff  }
.LBB2_5:
0xfd: {  	p0 =	slt.u32 s12, $0xC6;
	v17 =	vld [tilespmem:s26+$0xFFFFFF80]  }
0xfe: {  	v18 =	vld [tilespmem:s26+$0xFFFFFF90]  }
0xff: {  	v19 =	vmov s12;
	v20 =	vld.idx.msk [tilespmem:v10+s25+$0x0], $0xffff  }
0x100: {  	v10 =	vand.u32 $0xFFFFFFFE, v19;
	v19 =	vld [tilespmem:s26+$0xFFFFFFA0]  }
0x101: {  	v10 =	vbroadcast v10, $0x0;
	v21 =	vld [tilespmem:s26+$0xFFFFFFB0]  }
0x102: {  	v23 =	vmul.f32 v11, v1;
	v24 =	vmul.f32 v12, v1;
	v22 =	vld [tilespmem:s26+$0xFFFFFFC0]  }
0x103: {  	v25 =	vmul.f32 v13, v1;
	v14 =	vmul.f32 v14, v1;
	v12 =	vld [tilespmem:s26+$0xFFFFFFD0]  }
0x104: {  	v26 =	vmul.f32 v15, v1;
	v27 =	vmul.f32 v16, v1;
	v13 =	vld [tilespmem:s26+$0xFFFFFFE0]  }
0x105: {  	s0 =	sadd.s32 $0x1, s12;
	v11 =	vmul.f32 v17, v20;
	v15 =	vmul.f32 v18, v20;
	v16 =	vld [tilespmem:s26+$0xFFFFFFF0]  }
0x106: {  	v17 =	vmov s0;
	v18 =	vmul.f32 v19, v20;
	v19 =	vmul.f32 v21, v20;
	v21 =	vld [tilespmem:s26+$0x60]  }
0x107: {  	v9 =	vadd.f32 v11, v9;
	v8 =	vadd.f32 v15, v8;
	v15 =	vmul.f32 v22, v20;
	v22 =	vld [tilespmem:s26+$0x70];
	s26 =	sadd.s32 $0x100, s26  }
0x108: {  	v6 =	vadd.f32 v18, v6;
	v11 =	vld [tilespmem:s26+$0x0];
	v7 =	vadd.f32 v19, v7;
	v18 =	vmul.f32 v12, v20  }
0x109: {  	v9 =	vadd.f32 v23, v9;
	v8 =	vadd.f32 v24, v8;
	v12 =	vld [tilespmem:s26+$0x10];
	v19 =	vmul.f32 v13, v20  }
.Ltmp1:
0x10a: {  	v6 =	vadd.f32 v25, v6;
	v13 =	vld [tilespmem:s26+$0x20];
	v16 =	vmul.f32 v16, v20;
	v7 =	vadd.f32 v14, v7;
	(pc) =	sbr.rel @p0 .LBB2_5-.Ltmp1, $4  }
0x10b: {  	v3 =	vadd.f32 v15, v3;
	v5 =	vadd.f32 v18, v5;
	v14 =	vld [tilespmem:s26+$0x30];
	v18 =	vmul.f32 v21, v1  }
0x10c: {  	v4 =	vadd.f32 v19, v4;
	v15 =	vld [tilespmem:s26+$0x40];
	v2 =	vadd.f32 v16, v2;
	v19 =	vmul.f32 v22, v1  }
0x10d: {  	v3 =	vadd.f32 v26, v3;
	v5 =	vadd.f32 v27, v5;
	v16 =	vld [tilespmem:s26+$0x50]  }
0x10e: {  	s12 =	sadd.s32 $0x2, s12;
	v4 =	vadd.f32 v18, v4;
	v1 =	vld.idx.msk [tilespmem:v17+s25+$0x0], $0xffff;
	v2 =	vadd.f32 v19, v2  }
0x10f: {  	v17 =	vld [tilespmem:$0x19100];
	_ =	sdelay $0x1  }
0x110: {  	v18 =	vld [tilespmem:$0x19110];
	_ =	sdelay $0x1  }
0x111: {  	v19 =	vld [tilespmem:$0x19120]  }
0x112: {  	v17 =	vadd.f32 $0.0e+00, v17  }
0x113: {  	v20 =	vld [tilespmem:$0x19130]  }
0x114: {  	v17 =	vadd.f32 v18, v17  }
0x115: {  	v18 =	vld [tilespmem:$0x19140]  }
0x116: {  	v17 =	vadd.f32 v19, v17  }
0x117: {  	v19 =	vld [tilespmem:$0x19150]  }
0x118: {  	v17 =	vadd.f32 v20, v17  }
0x119: {  	v60 =	vld [tilespmem:$0x19160]  }
0x11a: {  	v17 =	vadd.f32 v18, v17  }
0x11b: {  	v18 =	vld [tilespmem:$0x19170]  }
0x11c: {  	v17 =	vadd.f32 v19, v17  }
0x11d: {  	v19 =	vld [tilespmem:$0x19180]  }
0x11e: {  	v17 =	vadd.f32 v60, v17  }
0x11f: {  	v61 =	vld [tilespmem:$0x19190]  }
0x120: {  	v17 =	vadd.f32 v18, v17  }
0x121: {  	v18 =	vld [tilespmem:$0x191A0]  }
0x122: {  	v17 =	vadd.f32 v19, v17  }
0x123: {  	v19 =	vld [tilespmem:$0x191B0]  }
0x124: {  	v62 =	vld [tilespmem:$0x191B8];
	v17 =	vadd.f32 v61, v17;
	_ =	sdelay $0x1  }
0x125: {  	v17 =	vadd.f32 v18, v17;
	_ =	sdelay $0x1  }
0x126: {  	v17 =	vadd.f32 v19, v17  }
0x127: {  	v18 =	vsel vm0, $0x0, v62  }
0x128: {  	v17 =	vadd.f32 v18, v17;
	_ =	sdelay $0x1  }
0x129: {  	(xrf2) =	vadd.scan.msk.f32 $0xffff, v17  }
0x12a: {  	v10 =	vld.idx.msk [tilespmem:v10+s25+$0x0], $0xffff  }
0x12b: {  	v63 =	vld [tilespmem:s26+$0xFFFFFFB0]  }
0x12c: {  	v21 =	vld [tilespmem:s26+$0xFFFFFFC0]  }
0x12d: {  	v22 =	vld [tilespmem:s26+$0xFFFFFFD0]  }
0x12e: {  	v23 =	vld [tilespmem:s26+$0xFFFFFFE0]  }
0x12f: {  	v24 =	vld [tilespmem:s26+$0xFFFFFFF0]  }
0x130: {  	v25 =	vld [tilespmem:s26+$0x60]  }
0x131: {  	v26 =	vld [tilespmem:s26+$0x70]  }
0x132: {  	v19 =	vld [tilespmem:s26+$0xFFFFFFA0]  }
0x133: {  	v18 =	vld [tilespmem:s26+$0xFFFFFF80];
	v27, _, _ =	vpop (xrf2)  }
0x134: {  	v17 =	vld [tilespmem:s26+$0xFFFFFF90];
	[tilespmem:$0x19100] =	vst v27  }
0x135: {  	v27 =	vld.idx.msk [tilespmem:v0+s25+$0x0], $0xffff;
	_ =	sdelay $0x4  }
0x136: {  	(erf) = vrcp.f32 v27  }
0x137: {  	v11 =	vmul.f32 v11, v1  }
0x138: {  	v12 =	vmul.f32 v12, v1;
	v13 =	vmul.f32 v13, v1  }
0x139: {  	v14 =	vmul.f32 v14, v1;
	v18 =	vmul.f32 v18, v10  }
0x13a: {  	v15 =	vmul.f32 v15, v1;
	v17 =	vmul.f32 v17, v10  }
0x13b: {  	v9 =	vadd.f32 v18, v9;
	v18 =	vmul.f32 v19, v10;
	v19 =	vmul.f32 v63, v10  }
0x13c: {  	v16 =	vmul.f32 v16, v1;
	v8 =	vadd.f32 v17, v8;
	v17 =	vmul.f32 v21, v10  }
0x13d: {  	v6 =	vadd.f32 v18, v6;
	v7 =	vadd.f32 v19, v7;
	v18 =	vmul.f32 v22, v10  }
0x13e: {  	v19 =	vmul.f32 v23, v10;
	v9 =	vadd.f32 v11, v9;
	v8 =	vadd.f32 v12, v8  }
0x13f: {  	v10 =	vmul.f32 v24, v10;
	v6 =	vadd.f32 v13, v6;
	v7 =	vadd.f32 v14, v7;
	v11 =	vpop (erf)  }
0x140: {  	v3 =	vadd.f32 v17, v3;
	v5 =	vadd.f32 v18, v5;
	v9 =	vmul.f32 v11, v9  }
0x141: {  	v12 =	vmul.f32 v25, v1;
	v2 =	vadd.f32 v10, v2;
	v8 =	vmul.f32 v11, v8  }
0x142: {  	v1 =	vmul.f32 v26, v1;
	v3 =	vadd.f32 v15, v3;
	v6 =	vmul.f32 v11, v6;
	[tilespmem:s8+$0x19380] =	vst v9  }
0x143: {  	v4 =	vadd.f32 v19, v4;
	v5 =	vadd.f32 v16, v5;
	v7 =	vmul.f32 v11, v7;
	[tilespmem:s8+$0x19390] =	vst v8  }
0x144: {  	v1 =	vadd.f32 v1, v2;
	v3 =	vmul.f32 v11, v3;
	[tilespmem:s8+$0x193A0] =	vst v6  }
0x145: {  	v4 =	vadd.f32 v12, v4;
	v2 =	vmul.f32 v11, v5;
	[tilespmem:s8+$0x193B0] =	vst v7  }
0x146: {  	v1 =	vmul.f32 v11, v1;
	[tilespmem:s8+$0x193C0] =	vst v3  }
0x147: {  	v3 =	vmul.f32 v11, v4;
	[tilespmem:s8+$0x193D0] =	vst v2  }
0x148: {  	[tilespmem:s8+$0x193F0] =	vst v1  }
0x149: {  	s0 =	sadd.s32 $0x320, s10;
	[tilespmem:s8+$0x193E0] =	vst v3  }
0x14a: {  	[tilespmem:s24], [sflag:$0x2] =	stream.indirect.gather [hbm4b:s2+s9], $0x80, s0, s9, $0xb8;
	[tilespmem:$0x1D300] =	vst v63  }
0x14b: {  	_ = 	snop  }
0x14c: {  	[tilespmem:s25], [sflag:$0x2] =	stream.indirect.gather [hbm4b:s4+s9], $0x1, s0, s9, $0xb8;
	[tilespmem:$0x1D300] =	vst v63  }
0x14d: {  	s12 =	sadd.s32 $0x348, s10  }
0x14e: {  	[tilespmem:s28], [sflag:$0x2] =	stream.indirect.gather [hbm4b:s2+s9], $0x80, s12, s9, $0xb8;
	[tilespmem:$0x1D300] =	vst v63  }
0x14f: {  	_ = 	snop  }
0x150: {  	[tilespmem:s29], [sflag:$0x2] =	stream.indirect.gather [hbm4b:s4+s9], $0x1, s12, s9, $0xb8;
	[tilespmem:$0x1D300] =	vst v63  }
0x151: {  	s26 =	sadd.s32 $0x370, s10  }
0x152: {  	[tilespmem:s31], [sflag:$0x2] =	stream.indirect.gather [hbm4b:s2+s9], $0x80, s26, s9, $0xb8;
	[tilespmem:$0x1D300] =	vst v63  }
0x153: {  	_ = 	snop  }
0x154: {  	[tilespmem:s1], [sflag:$0x2] =	stream.indirect.gather [hbm4b:s4+s9], $0x1, s26, s9, $0xb8;
	[tilespmem:$0x1D300] =	vst v63  }
0x155: {  	s12 =	sadd.s32 $0x398, s10  }
0x156: {  	[tilespmem:s14], [sflag:$0x2] =	stream.indirect.gather [hbm4b:s2+s9], $0x80, s12, s9, $0xb8;
	[tilespmem:$0x1D300] =	vst v63  }
0x157: {  	_ = 	snop  }
0x158: {  	[tilespmem:s17], [sflag:$0x2] =	stream.indirect.gather [hbm4b:s4+s9], $0x1, s12, s9, $0xb8;
	[tilespmem:$0x1D300] =	vst v63  }
0x159: {  	s26 =	sadd.s32 $0x3C0, s10  }
0x15a: {  	[tilespmem:s23], [sflag:$0x2] =	stream.indirect.gather [hbm4b:s2+s9], $0x80, s26, s9, $0xb8;
	[tilespmem:$0x1D300] =	vst v63  }
0x15b: {  	_ = 	snop  }
0x15c: {  	[tilespmem:s5], [sflag:$0x2] =	stream.indirect.gather [hbm4b:s4+s9], $0x1, s26, s9, $0xb8;
	[tilespmem:$0x1D300] =	vst v63  }
0x15d: {  	_ =	swait.ge [sflag:s6], $0x1400  }
0x15e: {  	[sflag:s6] =	ssyncset.done $0x0  }
0x15f: {  	[sflag:s6] =	ssyncadd.s32 $0xFFFFEC00  }
0x160: {  	_ =	swait.ge [sflag:s6], $0x28  }
0x161: {  	[sflag:s6] =	ssyncset.done $0x0  }
0x162: {  	[sflag:s6] =	ssyncadd.s32 $0xFFFFFFD8  }
0x163: {  	_ =	swait.ge [sflag:s6], $0x1400  }
0x164: {  	[sflag:s6] =	ssyncset.done $0x0  }
0x165: {  	[sflag:s6] =	ssyncadd.s32 $0xFFFFEC00  }
0x166: {  	_ =	swait.ge [sflag:s6], $0x28  }
0x167: {  	[sflag:s6] =	ssyncset.done $0x0  }
0x168: {  	[sflag:s6] =	ssyncadd.s32 $0xFFFFFFD8  }
0x169: {  	_ =	swait.ge [sflag:s6], $0x1400  }
0x16a: {  	[sflag:s6] =	ssyncset.done $0x0  }
0x16b: {  	[sflag:s6] =	ssyncadd.s32 $0xFFFFEC00  }
0x16c: {  	_ =	swait.ge [sflag:s6], $0x28  }
0x16d: {  	[sflag:s6] =	ssyncset.done $0x0  }
0x16e: {  	[sflag:s6] =	ssyncadd.s32 $0xFFFFFFD8  }
0x16f: {  	_ =	swait.ge [sflag:s6], $0x1400  }
0x170: {  	[sflag:s6] =	ssyncset.done $0x0  }
0x171: {  	[sflag:s6] =	ssyncadd.s32 $0xFFFFEC00  }
0x172: {  	_ =	swait.ge [sflag:s6], $0x28  }
0x173: {  	[sflag:s6] =	ssyncset.done $0x0  }
0x174: {  	[sflag:s6] =	ssyncadd.s32 $0xFFFFFFD8  }
0x175: {  	_ =	swait.ge [sflag:s6], $0x1400  }
0x176: {  	[sflag:s6] =	ssyncset.done $0x0  }
0x177: {  	[sflag:s6] =	ssyncadd.s32 $0xFFFFEC00  }
0x178: {  	_ =	swait.ge [sflag:s6], $0x28  }
0x179: {  	[sflag:s6] =	ssyncset.done $0x0  }
0x17a: {  	s12 =	simm.s32 $0x1;
	s26 =	simm.s32 $0x12C80;
	[sflag:s6] =	ssyncadd.s32 $0xFFFFFFD8  }
0x17b: {  	v1 =	vmov s12;
	s12 =	simm.s32 $0x0;
	v11 =	vld [tilespmem:s26+$0x0]  }
0x17c: {  	v2 =	vmov s12;
	v12 =	vld [tilespmem:s26+$0x10]  }
0x17d: {  	v2 =	vand.u32 $0xFFFFFFFE, v2;
	v13 =	vld [tilespmem:s26+$0x20]  }
0x17e: {  	v10 =	vbroadcast v2, $0x0;
	v14 =	vld [tilespmem:s26+$0x30]  }
0x17f: {  	v5 =	vimm.f32 $0.0e+00;
	v9 =	vimm.f32 $0.0e+00;
	v15 =	vld [tilespmem:s26+$0x40]  }
0x180: {  	v8 =	vimm.f32 $0.0e+00;
	v6 =	vimm.f32 $0.0e+00;
	v7 =	vimm.f32 $0.0e+00;
	v16 =	vld [tilespmem:s26+$0x50]  }
0x181: {  	v4 =	vimm.f32 $0.0e+00;
	v3 =	vimm.f32 $0.0e+00;
	s12 =	simm.s32 $0x2;
	v2 =	vimm.f32 $0.0e+00;
	v1 =	vld.idx.msk [tilespmem:v1+s7+$0x0], $0xffff  }
.LBB2_7:
0x182: {  	p0 =	slt.u32 s12, $0xC6;
	v17 =	vld [tilespmem:s26+$0xFFFFFF80]  }
0x183: {  	v18 =	vld [tilespmem:s26+$0xFFFFFF90]  }
0x184: {  	v19 =	vmov s12;
	v20 =	vld.idx.msk [tilespmem:v10+s7+$0x0], $0xffff  }
0x185: {  	v10 =	vand.u32 $0xFFFFFFFE, v19;
	v19 =	vld [tilespmem:s26+$0xFFFFFFA0]  }
0x186: {  	v10 =	vbroadcast v10, $0x0;
	v21 =	vld [tilespmem:s26+$0xFFFFFFB0]  }
0x187: {  	v23 =	vmul.f32 v11, v1;
	v24 =	vmul.f32 v12, v1;
	v22 =	vld [tilespmem:s26+$0xFFFFFFC0]  }
0x188: {  	v25 =	vmul.f32 v13, v1;
	v14 =	vmul.f32 v14, v1;
	v12 =	vld [tilespmem:s26+$0xFFFFFFD0]  }
0x189: {  	v26 =	vmul.f32 v15, v1;
	v27 =	vmul.f32 v16, v1;
	v13 =	vld [tilespmem:s26+$0xFFFFFFE0]  }
0x18a: {  	s0 =	sadd.s32 $0x1, s12;
	v11 =	vmul.f32 v17, v20;
	v15 =	vmul.f32 v18, v20;
	v16 =	vld [tilespmem:s26+$0xFFFFFFF0]  }
0x18b: {  	v17 =	vmov s0;
	v18 =	vmul.f32 v19, v20;
	v19 =	vmul.f32 v21, v20;
	v21 =	vld [tilespmem:s26+$0x60]  }
0x18c: {  	v9 =	vadd.f32 v11, v9;
	v8 =	vadd.f32 v15, v8;
	v15 =	vmul.f32 v22, v20;
	v22 =	vld [tilespmem:s26+$0x70];
	s26 =	sadd.s32 $0x100, s26  }
0x18d: {  	v6 =	vadd.f32 v18, v6;
	v11 =	vld [tilespmem:s26+$0x0];
	v7 =	vadd.f32 v19, v7;
	v18 =	vmul.f32 v12, v20  }
0x18e: {  	v9 =	vadd.f32 v23, v9;
	v8 =	vadd.f32 v24, v8;
	v12 =	vld [tilespmem:s26+$0x10];
	v19 =	vmul.f32 v13, v20  }
.Ltmp2:
0x18f: {  	v6 =	vadd.f32 v25, v6;
	v13 =	vld [tilespmem:s26+$0x20];
	v16 =	vmul.f32 v16, v20;
	v7 =	vadd.f32 v14, v7;
	(pc) =	sbr.rel @p0 .LBB2_7-.Ltmp2, $4  }
0x190: {  	v3 =	vadd.f32 v15, v3;
	v5 =	vadd.f32 v18, v5;
	v14 =	vld [tilespmem:s26+$0x30];
	v18 =	vmul.f32 v21, v1  }
0x191: {  	v4 =	vadd.f32 v19, v4;
	v15 =	vld [tilespmem:s26+$0x40];
	v2 =	vadd.f32 v16, v2;
	v19 =	vmul.f32 v22, v1  }
0x192: {  	v3 =	vadd.f32 v26, v3;
	v5 =	vadd.f32 v27, v5;
	v16 =	vld [tilespmem:s26+$0x50]  }
0x193: {  	s12 =	sadd.s32 $0x2, s12;
	v4 =	vadd.f32 v18, v4;
	v1 =	vld.idx.msk [tilespmem:v17+s7+$0x0], $0xffff;
	v2 =	vadd.f32 v19, v2  }
0x194: {  	v17 =	vld [tilespmem:$0x19200];
	_ =	sdelay $0x1  }
0x195: {  	v18 =	vld [tilespmem:$0x19210];
	_ =	sdelay $0x1  }
0x196: {  	v19 =	vld [tilespmem:$0x19220]  }
0x197: {  	v17 =	vadd.f32 $0.0e+00, v17  }
0x198: {  	v20 =	vld [tilespmem:$0x19230]  }
0x199: {  	v17 =	vadd.f32 v18, v17  }
0x19a: {  	v43 =	vld [tilespmem:$0x19240]  }
0x19b: {  	v17 =	vadd.f32 v19, v17  }
0x19c: {  	v44 =	vld [tilespmem:$0x19250]  }
0x19d: {  	v17 =	vadd.f32 v20, v17  }
0x19e: {  	v45 =	vld [tilespmem:$0x19260]  }
0x19f: {  	v17 =	vadd.f32 v43, v17  }
0x1a0: {  	v46 =	vld [tilespmem:$0x19270]  }
0x1a1: {  	v17 =	vadd.f32 v44, v17  }
0x1a2: {  	v47 =	vld [tilespmem:$0x19280]  }
0x1a3: {  	v17 =	vadd.f32 v45, v17  }
0x1a4: {  	v48 =	vld [tilespmem:$0x19290]  }
0x1a5: {  	v17 =	vadd.f32 v46, v17  }
0x1a6: {  	v49 =	vld [tilespmem:$0x192A0]  }
0x1a7: {  	v17 =	vadd.f32 v47, v17  }
0x1a8: {  	v50 =	vld [tilespmem:$0x192B0]  }
0x1a9: {  	v51 =	vld [tilespmem:$0x192B8];
	v17 =	vadd.f32 v48, v17;
	_ =	sdelay $0x1  }
0x1aa: {  	v17 =	vadd.f32 v49, v17;
	_ =	sdelay $0x1  }
0x1ab: {  	v17 =	vadd.f32 v50, v17  }
0x1ac: {  	v52 =	vsel vm0, $0x0, v51  }
0x1ad: {  	v17 =	vadd.f32 v52, v17;
	_ =	sdelay $0x1  }
0x1ae: {  	(xrf2) =	vadd.scan.msk.f32 $0xffff, v17  }
0x1af: {  	v53 =	vld [tilespmem:s26+$0xFFFFFF80]  }
0x1b0: {  	v54 =	vld [tilespmem:s26+$0xFFFFFF90]  }
0x1b1: {  	v10 =	vld.idx.msk [tilespmem:v10+s7+$0x0], $0xffff  }
0x1b2: {  	v55 =	vld [tilespmem:s26+$0xFFFFFFA0]  }
0x1b3: {  	v56 =	vld [tilespmem:s26+$0xFFFFFFB0]  }
0x1b4: {  	v21 =	vld [tilespmem:s26+$0xFFFFFFC0]  }
0x1b5: {  	v22 =	vld [tilespmem:s26+$0xFFFFFFD0]  }
0x1b6: {  	v23 =	vld [tilespmem:s26+$0xFFFFFFE0]  }
0x1b7: {  	v24 =	vld [tilespmem:s26+$0xFFFFFFF0]  }
0x1b8: {  	v25 =	vld [tilespmem:s26+$0x60];
	v27, _, _ =	vpop (xrf2)  }
0x1b9: {  	v26 =	vld [tilespmem:s26+$0x70];
	[tilespmem:$0x19200] =	vst v27  }
0x1ba: {  	v27 =	vld.idx.msk [tilespmem:v0+s7+$0x0], $0xffff;
	_ =	sdelay $0x4  }
0x1bb: {  	(erf) = vrcp.f32 v27  }
0x1bc: {  	v11 =	vmul.f32 v11, v1;
	v12 =	vmul.f32 v12, v1  }
0x1bd: {  	v13 =	vmul.f32 v13, v1;
	v14 =	vmul.f32 v14, v1  }
0x1be: {  	v15 =	vmul.f32 v15, v1;
	v16 =	vmul.f32 v16, v1  }
0x1bf: {  	v57 =	vmul.f32 v55, v10;
	v18 =	vmul.f32 v53, v10  }
0x1c0: {  	v58 =	vmul.f32 v56, v10;
	v17 =	vmul.f32 v54, v10  }
0x1c1: {  	v59 =	vmul.f32 v21, v10;
	v60 =	vmul.f32 v22, v10;
	v9 =	vadd.f32 v18, v9  }
0x1c2: {  	v61 =	vmul.f32 v23, v10;
	v6 =	vadd.f32 v57, v6;
	v8 =	vadd.f32 v17, v8  }
0x1c3: {  	v63 =	vmul.f32 v25, v1;
	v7 =	vadd.f32 v58, v7;
	v9 =	vadd.f32 v11, v9  }
0x1c4: {  	v1 =	vmul.f32 v26, v1;
	v3 =	vadd.f32 v59, v3;
	v8 =	vadd.f32 v12, v8;
	v62 =	vpop (erf)  }
0x1c5: {  	v6 =	vadd.f32 v13, v6;
	v10 =	vmul.f32 v24, v10;
	v9 =	vmul.f32 v62, v9  }
0x1c6: {  	v5 =	vadd.f32 v60, v5;
	v7 =	vadd.f32 v14, v7;
	v8 =	vmul.f32 v62, v8  }
0x1c7: {  	v3 =	vadd.f32 v15, v3;
	v2 =	vadd.f32 v10, v2;
	v6 =	vmul.f32 v62, v6;
	[tilespmem:s8+$0x19400] =	vst v9  }
0x1c8: {  	v4 =	vadd.f32 v61, v4;
	v5 =	vadd.f32 v16, v5;
	v7 =	vmul.f32 v62, v7;
	[tilespmem:s8+$0x19410] =	vst v8  }
0x1c9: {  	p0 =	seq.s32 s3, $0x29;
	v1 =	vadd.f32 v1, v2;
	v3 =	vmul.f32 v62, v3;
	[tilespmem:s8+$0x19420] =	vst v6  }
.Ltmp3:
0x1ca: {  	v4 =	vadd.f32 v63, v4;
	v2 =	vmul.f32 v62, v5;
	[tilespmem:s8+$0x19430] =	vst v7;
	(pc) =	sbr.rel @p0 .LBB2_10-.Ltmp3, $4  }
0x1cb: {  	v1 =	vmul.f32 v62, v1;
	[tilespmem:s8+$0x19440] =	vst v3  }
0x1cc: {  	v3 =	vmul.f32 v62, v4;
	[tilespmem:s8+$0x19450] =	vst v2  }
0x1cd: {  	[tilespmem:s8+$0x19470] =	vst v1  }
0x1ce: {  	[tilespmem:s8+$0x19460] =	vst v3  }
0x1cf: {  	s0 =	sadd.s32 $0x3E8, s10;
	s8 =	simm.s32 $0x12C00  }
0x1d0: {  	[tilespmem:s8], [sflag:$0x3] =	stream.indirect.gather [hbm4b:s2+s9], $0x80, s0, s9, $0xb8;
	[tilespmem:$0x1D300] =	vst v63  }
0x1d1: {  	_ = 	snop  }
0x1d2: {  	[tilespmem:s7], [sflag:$0x3] =	stream.indirect.gather [hbm4b:s4+s9], $0x1, s0, s9, $0xb8;
	[tilespmem:$0x1D300] =	vst v63  }
0x1d3: {  	s12 =	simm.s32 $0x14000;
	s0 =	sadd.s32 $0x410, s10  }
0x1d4: {  	[tilespmem:s12], [sflag:$0x3] =	stream.indirect.gather [hbm4b:s2+s9], $0x80, s0, s9, $0xb8;
	[tilespmem:$0x1D300] =	vst v63  }
0x1d5: {  	s26 =	simm.s32 $0x19228  }
0x1d6: {  	[tilespmem:s26], [sflag:$0x3] =	stream.indirect.gather [hbm4b:s4+s9], $0x1, s0, s9, $0xb8;
	[tilespmem:$0x1D300] =	vst v63  }
0x1d7: {  	s12 =	simm.s32 $0x15400;
	s0 =	sadd.s32 $0x438, s10  }
0x1d8: {  	[tilespmem:s12], [sflag:$0x3] =	stream.indirect.gather [hbm4b:s2+s9], $0x80, s0, s9, $0xb8;
	[tilespmem:$0x1D300] =	vst v63  }
0x1d9: {  	s26 =	simm.s32 $0x19250  }
0x1da: {  	[tilespmem:s26], [sflag:$0x3] =	stream.indirect.gather [hbm4b:s4+s9], $0x1, s0, s9, $0xb8;
	[tilespmem:$0x1D300] =	vst v63  }
0x1db: {  	s12 =	simm.s32 $0x16800;
	s0 =	sadd.s32 $0x460, s10  }
0x1dc: {  	[tilespmem:s12], [sflag:$0x3] =	stream.indirect.gather [hbm4b:s2+s9], $0x80, s0, s9, $0xb8;
	[tilespmem:$0x1D300] =	vst v63  }
0x1dd: {  	s26 =	simm.s32 $0x19278  }
0x1de: {  	[tilespmem:s26], [sflag:$0x3] =	stream.indirect.gather [hbm4b:s4+s9], $0x1, s0, s9, $0xb8;
	[tilespmem:$0x1D300] =	vst v63  }
.Ltmp4:
0x1df: {  	_ = 	snop;
	(pc) =	sbr.rel .LBB2_2-.Ltmp4, $4  }
0x1e0: {  	s10 =	sadd.s32 $0x488, s10;
	s12 =	simm.s32 $0x17C00  }
0x1e1: {  	[tilespmem:s12], [sflag:$0x3] =	stream.indirect.gather [hbm4b:s2+s9], $0x80, s10, s9, $0xb8;
	[tilespmem:$0x1D300] =	vst v63  }
0x1e2: {  	s3 =	sadd.s32 $0x1, s3;
	s26 =	simm.s32 $0x192A0  }
0x1e3: {  	[tilespmem:s26], [sflag:$0x3] =	stream.indirect.gather [hbm4b:s4+s9], $0x1, s10, s9, $0xb8;
	[tilespmem:$0x1D300] =	vst v63  }
.LBB2_10:
0x1e4: {  	_ =	swait.ge [sflag:s20], $0x1400  }
0x1e5: {  	[sflag:s20] =	ssyncset.done $0x0  }
0x1e6: {  	[sflag:s20] =	ssyncadd.s32 $0xFFFFEC00  }
0x1e7: {  	_ =	swait.ge [sflag:s20], $0x28  }
0x1e8: {  	[sflag:s20] =	ssyncset.done $0x0  }
0x1e9: {  	[sflag:s20] =	ssyncadd.s32 $0xFFFFFFD8  }
0x1ea: {  	_ =	swait.ge [sflag:s20], $0x1400  }
0x1eb: {  	[sflag:s20] =	ssyncset.done $0x0  }
0x1ec: {  	[sflag:s20] =	ssyncadd.s32 $0xFFFFEC00  }
0x1ed: {  	_ =	swait.ge [sflag:s20], $0x28  }
0x1ee: {  	[sflag:s20] =	ssyncset.done $0x0  }
0x1ef: {  	[sflag:s20] =	ssyncadd.s32 $0xFFFFFFD8  }
0x1f0: {  	_ =	swait.ge [sflag:s20], $0x1400  }
0x1f1: {  	[sflag:s20] =	ssyncset.done $0x0  }
0x1f2: {  	[sflag:s20] =	ssyncadd.s32 $0xFFFFEC00  }
0x1f3: {  	_ =	swait.ge [sflag:s20], $0x28  }
0x1f4: {  	[sflag:s20] =	ssyncset.done $0x0  }
0x1f5: {  	[sflag:s20] =	ssyncadd.s32 $0xFFFFFFD8  }
0x1f6: {  	_ =	swait.ge [sflag:s20], $0x1400  }
0x1f7: {  	[sflag:s20] =	ssyncset.done $0x0  }
0x1f8: {  	[sflag:s20] =	ssyncadd.s32 $0xFFFFEC00  }
0x1f9: {  	_ =	swait.ge [sflag:s20], $0x28  }
0x1fa: {  	[sflag:s20] =	ssyncset.done $0x0  }
0x1fb: {  	[sflag:s20] =	ssyncadd.s32 $0xFFFFFFD8  }
0x1fc: {  	_ =	swait.ge [sflag:s20], $0x1400  }
0x1fd: {  	[sflag:s20] =	ssyncset.done $0x0  }
0x1fe: {  	[sflag:s20] =	ssyncadd.s32 $0xFFFFEC00  }
0x1ff: {  	_ =	swait.ge [sflag:s20], $0x28  }
0x200: {  	[sflag:s20] =	ssyncset.done $0x0  }
0x201: {  	s3 =	simm.s32 $0x6480;
	[sflag:s20] =	ssyncadd.s32 $0xFFFFFFD8  }
0x202: {  	s0 =	simm.s32 $0x1;
	s26 =	simm.s32 $0x0;
	v11 =	vld [tilespmem:s3+$0x0]  }
0x203: {  	v1 =	vmov s0;
	v2 =	vmov s26;
	v12 =	vld [tilespmem:s3+$0x10]  }
0x204: {  	v2 =	vand.u32 $0xFFFFFFFE, v2;
	v13 =	vld [tilespmem:s3+$0x20]  }
0x205: {  	v10 =	vbroadcast v2, $0x0;
	v14 =	vld [tilespmem:s3+$0x30]  }
0x206: {  	v9 =	vimm.f32 $0.0e+00;
	v8 =	vimm.f32 $0.0e+00;
	v15 =	vld [tilespmem:s3+$0x40]  }
0x207: {  	v6 =	vimm.f32 $0.0e+00;
	v7 =	vimm.f32 $0.0e+00;
	v3 =	vimm.f32 $0.0e+00;
	v16 =	vld [tilespmem:s3+$0x50]  }
0x208: {  	s8 =	simm.s32 $0x2;
	v5 =	vimm.f32 $0.0e+00;
	v4 =	vimm.f32 $0.0e+00;
	v2 =	vimm.f32 $0.0e+00;
	s10 =	rddreg [dreg:$0x7];
	v1 =	vld.idx.msk [tilespmem:v1+s11+$0x0], $0xffff  }
.LBB2_11:
0x209: {  	p0 =	slt.u32 s8, $0xC6;
	v17 =	vld [tilespmem:s3+$0xFFFFFF80]  }
0x20a: {  	v18 =	vld [tilespmem:s3+$0xFFFFFF90]  }
0x20b: {  	v19 =	vmov s8;
	v20 =	vld.idx.msk [tilespmem:v10+s11+$0x0], $0xffff  }
0x20c: {  	v10 =	vand.u32 $0xFFFFFFFE, v19;
	v19 =	vld [tilespmem:s3+$0xFFFFFFA0]  }
0x20d: {  	v10 =	vbroadcast v10, $0x0;
	v21 =	vld [tilespmem:s3+$0xFFFFFFB0]  }
0x20e: {  	v23 =	vmul.f32 v11, v1;
	v24 =	vmul.f32 v12, v1;
	v22 =	vld [tilespmem:s3+$0xFFFFFFC0]  }
0x20f: {  	v25 =	vmul.f32 v13, v1;
	v14 =	vmul.f32 v14, v1;
	v12 =	vld [tilespmem:s3+$0xFFFFFFD0]  }
0x210: {  	v26 =	vmul.f32 v15, v1;
	v27 =	vmul.f32 v16, v1;
	v13 =	vld [tilespmem:s3+$0xFFFFFFE0]  }
0x211: {  	s0 =	sadd.s32 $0x1, s8;
	v11 =	vmul.f32 v17, v20;
	v15 =	vmul.f32 v18, v20;
	v16 =	vld [tilespmem:s3+$0xFFFFFFF0]  }
0x212: {  	v17 =	vmov s0;
	v18 =	vmul.f32 v19, v20;
	v19 =	vmul.f32 v21, v20;
	v21 =	vld [tilespmem:s3+$0x60]  }
0x213: {  	v9 =	vadd.f32 v11, v9;
	v8 =	vadd.f32 v15, v8;
	v15 =	vmul.f32 v22, v20;
	v22 =	vld [tilespmem:s3+$0x70];
	s3 =	sadd.s32 $0x100, s3  }
0x214: {  	v6 =	vadd.f32 v18, v6;
	v11 =	vld [tilespmem:s3+$0x0];
	v7 =	vadd.f32 v19, v7;
	v18 =	vmul.f32 v12, v20  }
0x215: {  	v9 =	vadd.f32 v23, v9;
	v8 =	vadd.f32 v24, v8;
	v12 =	vld [tilespmem:s3+$0x10];
	v19 =	vmul.f32 v13, v20  }
.Ltmp5:
0x216: {  	v6 =	vadd.f32 v25, v6;
	v13 =	vld [tilespmem:s3+$0x20];
	v16 =	vmul.f32 v16, v20;
	v7 =	vadd.f32 v14, v7;
	(pc) =	sbr.rel @p0 .LBB2_11-.Ltmp5, $4  }
0x217: {  	v3 =	vadd.f32 v15, v3;
	v5 =	vadd.f32 v18, v5;
	v14 =	vld [tilespmem:s3+$0x30];
	v18 =	vmul.f32 v21, v1  }
0x218: {  	v4 =	vadd.f32 v19, v4;
	v15 =	vld [tilespmem:s3+$0x40];
	v2 =	vadd.f32 v16, v2;
	v19 =	vmul.f32 v22, v1  }
0x219: {  	v3 =	vadd.f32 v26, v3;
	v5 =	vadd.f32 v27, v5;
	v16 =	vld [tilespmem:s3+$0x50]  }
0x21a: {  	s8 =	sadd.s32 $0x2, s8;
	v4 =	vadd.f32 v18, v4;
	v1 =	vld.idx.msk [tilespmem:v17+s11+$0x0], $0xffff;
	v2 =	vadd.f32 v19, v2  }
0x21b: {  	v17 =	vld [tilespmem:$0x19000];
	_ =	sdelay $0x1  }
0x21c: {  	v18 =	vld [tilespmem:$0x19010];
	_ =	sdelay $0x1  }
0x21d: {  	v19 =	vld [tilespmem:$0x19020]  }
0x21e: {  	v17 =	vadd.f32 $0.0e+00, v17  }
0x21f: {  	v20 =	vld [tilespmem:$0x19030]  }
0x220: {  	v17 =	vadd.f32 v18, v17  }
0x221: {  	v18 =	vld [tilespmem:$0x19040]  }
0x222: {  	v17 =	vadd.f32 v19, v17  }
0x223: {  	v19 =	vld [tilespmem:$0x19050]  }
0x224: {  	v17 =	vadd.f32 v20, v17  }
0x225: {  	v60 =	vld [tilespmem:$0x19060]  }
0x226: {  	v17 =	vadd.f32 v18, v17  }
0x227: {  	v18 =	vld [tilespmem:$0x19070]  }
0x228: {  	v17 =	vadd.f32 v19, v17  }
0x229: {  	v19 =	vld [tilespmem:$0x19080]  }
0x22a: {  	v17 =	vadd.f32 v60, v17  }
0x22b: {  	v61 =	vld [tilespmem:$0x19090]  }
0x22c: {  	v17 =	vadd.f32 v18, v17  }
0x22d: {  	v18 =	vld [tilespmem:$0x190A0]  }
0x22e: {  	v17 =	vadd.f32 v19, v17  }
0x22f: {  	v19 =	vld [tilespmem:$0x190B0]  }
0x230: {  	v62 =	vld [tilespmem:$0x190B8];
	v17 =	vadd.f32 v61, v17;
	_ =	sdelay $0x1  }
0x231: {  	v17 =	vadd.f32 v18, v17;
	_ =	sdelay $0x1  }
0x232: {  	v17 =	vadd.f32 v19, v17  }
0x233: {  	v18 =	vsel vm0, $0x0, v62  }
0x234: {  	v17 =	vadd.f32 v18, v17;
	_ =	sdelay $0x1  }
0x235: {  	(xrf2) =	vadd.scan.msk.f32 $0xffff, v17  }
0x236: {  	v10 =	vld.idx.msk [tilespmem:v10+s11+$0x0], $0xffff  }
0x237: {  	v63 =	vld [tilespmem:s3+$0xFFFFFFB0]  }
0x238: {  	v21 =	vld [tilespmem:s3+$0xFFFFFFC0]  }
0x239: {  	v22 =	vld [tilespmem:s3+$0xFFFFFFD0]  }
0x23a: {  	v23 =	vld [tilespmem:s3+$0xFFFFFFE0]  }
0x23b: {  	v24 =	vld [tilespmem:s3+$0xFFFFFFF0]  }
0x23c: {  	v25 =	vld [tilespmem:s3+$0x60]  }
0x23d: {  	v26 =	vld [tilespmem:s3+$0x70]  }
0x23e: {  	v19 =	vld [tilespmem:s3+$0xFFFFFFA0]  }
0x23f: {  	v18 =	vld [tilespmem:s3+$0xFFFFFF80];
	v27, _, _ =	vpop (xrf2)  }
0x240: {  	v17 =	vld [tilespmem:s3+$0xFFFFFF90];
	[tilespmem:$0x19000] =	vst v27  }
0x241: {  	v27 =	vld.idx.msk [tilespmem:v0+s11+$0x0], $0xffff;
	_ =	sdelay $0x4  }
0x242: {  	(erf) = vrcp.f32 v27  }
0x243: {  	v11 =	vmul.f32 v11, v1  }
0x244: {  	v12 =	vmul.f32 v12, v1;
	v13 =	vmul.f32 v13, v1  }
0x245: {  	v14 =	vmul.f32 v14, v1;
	v18 =	vmul.f32 v18, v10  }
0x246: {  	v15 =	vmul.f32 v15, v1;
	v17 =	vmul.f32 v17, v10  }
0x247: {  	v9 =	vadd.f32 v18, v9;
	v18 =	vmul.f32 v19, v10;
	v19 =	vmul.f32 v63, v10  }
0x248: {  	v16 =	vmul.f32 v16, v1;
	v8 =	vadd.f32 v17, v8;
	v17 =	vmul.f32 v21, v10  }
0x249: {  	v6 =	vadd.f32 v18, v6;
	v7 =	vadd.f32 v19, v7;
	v18 =	vmul.f32 v22, v10  }
0x24a: {  	v19 =	vmul.f32 v23, v10;
	v9 =	vadd.f32 v11, v9;
	v8 =	vadd.f32 v12, v8  }
0x24b: {  	v10 =	vmul.f32 v24, v10;
	v6 =	vadd.f32 v13, v6;
	v7 =	vadd.f32 v14, v7;
	v11 =	vpop (erf)  }
0x24c: {  	v3 =	vadd.f32 v17, v3;
	v5 =	vadd.f32 v18, v5;
	v9 =	vmul.f32 v11, v9  }
0x24d: {  	v12 =	vmul.f32 v25, v1;
	v2 =	vadd.f32 v10, v2;
	v8 =	vmul.f32 v11, v8  }
0x24e: {  	v1 =	vmul.f32 v26, v1;
	v3 =	vadd.f32 v15, v3;
	v6 =	vmul.f32 v11, v6;
	[tilespmem:$0x1D200] =	vst v9  }
0x24f: {  	v4 =	vadd.f32 v19, v4;
	v5 =	vadd.f32 v16, v5;
	v7 =	vmul.f32 v11, v7;
	[tilespmem:$0x1D210] =	vst v8  }
0x250: {  	v1 =	vadd.f32 v1, v2;
	v3 =	vmul.f32 v11, v3;
	[tilespmem:$0x1D220] =	vst v6  }
0x251: {  	v4 =	vadd.f32 v12, v4;
	v2 =	vmul.f32 v11, v5;
	[tilespmem:$0x1D230] =	vst v7  }
0x252: {  	v1 =	vmul.f32 v11, v1;
	[tilespmem:$0x1D240] =	vst v3  }
0x253: {  	v3 =	vmul.f32 v11, v4;
	[tilespmem:$0x1D250] =	vst v2  }
0x254: {  	[tilespmem:$0x1D270] =	vst v1  }
0x255: {  	[tilespmem:$0x1D260] =	vst v3  }
0x256: {  	_ =	swait.ge [sflag:s30], $0x1400  }
0x257: {  	[sflag:s30] =	ssyncset.done $0x0  }
0x258: {  	[sflag:s30] =	ssyncadd.s32 $0xFFFFEC00  }
0x259: {  	_ =	swait.ge [sflag:s30], $0x28  }
0x25a: {  	[sflag:s30] =	ssyncset.done $0x0  }
0x25b: {  	[sflag:s30] =	ssyncadd.s32 $0xFFFFFFD8  }
0x25c: {  	_ =	swait.ge [sflag:s30], $0x1400  }
0x25d: {  	[sflag:s30] =	ssyncset.done $0x0  }
0x25e: {  	[sflag:s30] =	ssyncadd.s32 $0xFFFFEC00  }
0x25f: {  	_ =	swait.ge [sflag:s30], $0x28  }
0x260: {  	[sflag:s30] =	ssyncset.done $0x0  }
0x261: {  	[sflag:s30] =	ssyncadd.s32 $0xFFFFFFD8  }
0x262: {  	_ =	swait.ge [sflag:s30], $0x1400  }
0x263: {  	[sflag:s30] =	ssyncset.done $0x0  }
0x264: {  	[sflag:s30] =	ssyncadd.s32 $0xFFFFEC00  }
0x265: {  	_ =	swait.ge [sflag:s30], $0x28  }
0x266: {  	[sflag:s30] =	ssyncset.done $0x0  }
0x267: {  	[sflag:s30] =	ssyncadd.s32 $0xFFFFFFD8  }
0x268: {  	_ =	swait.ge [sflag:s30], $0x1400  }
0x269: {  	[sflag:s30] =	ssyncset.done $0x0  }
0x26a: {  	[sflag:s30] =	ssyncadd.s32 $0xFFFFEC00  }
0x26b: {  	_ =	swait.ge [sflag:s30], $0x28  }
0x26c: {  	[sflag:s30] =	ssyncset.done $0x0  }
0x26d: {  	[sflag:s30] =	ssyncadd.s32 $0xFFFFFFD8  }
0x26e: {  	_ =	swait.ge [sflag:s30], $0x1400  }
0x26f: {  	[sflag:s30] =	ssyncset.done $0x0  }
0x270: {  	[sflag:s30] =	ssyncadd.s32 $0xFFFFEC00  }
0x271: {  	_ =	swait.ge [sflag:s30], $0x28  }
0x272: {  	[sflag:s30] =	ssyncset.done $0x0  }
0x273: {  	s3 =	simm.s32 $0xC880;
	[sflag:s30] =	ssyncadd.s32 $0xFFFFFFD8  }
0x274: {  	s0 =	simm.s32 $0x1;
	s26 =	simm.s32 $0x0;
	v11 =	vld [tilespmem:s3+$0x0]  }
0x275: {  	v1 =	vmov s0;
	v2 =	vmov s26;
	v12 =	vld [tilespmem:s3+$0x10]  }
0x276: {  	v2 =	vand.u32 $0xFFFFFFFE, v2;
	v13 =	vld [tilespmem:s3+$0x20]  }
0x277: {  	v10 =	vbroadcast v2, $0x0;
	v14 =	vld [tilespmem:s3+$0x30]  }
0x278: {  	v5 =	vimm.f32 $0.0e+00;
	v9 =	vimm.f32 $0.0e+00;
	v15 =	vld [tilespmem:s3+$0x40]  }
0x279: {  	v8 =	vimm.f32 $0.0e+00;
	v6 =	vimm.f32 $0.0e+00;
	v7 =	vimm.f32 $0.0e+00;
	v16 =	vld [tilespmem:s3+$0x50]  }
0x27a: {  	s8 =	simm.s32 $0x2;
	v4 =	vimm.f32 $0.0e+00;
	v3 =	vimm.f32 $0.0e+00;
	v2 =	vimm.f32 $0.0e+00;
	v1 =	vld.idx.msk [tilespmem:v1+s25+$0x0], $0xffff  }
.LBB2_13:
0x27b: {  	p0 =	slt.u32 s8, $0xC6;
	v17 =	vld [tilespmem:s3+$0xFFFFFF80]  }
0x27c: {  	v18 =	vld [tilespmem:s3+$0xFFFFFF90]  }
0x27d: {  	v19 =	vmov s8;
	v20 =	vld.idx.msk [tilespmem:v10+s25+$0x0], $0xffff  }
0x27e: {  	v10 =	vand.u32 $0xFFFFFFFE, v19;
	v19 =	vld [tilespmem:s3+$0xFFFFFFA0]  }
0x27f: {  	v10 =	vbroadcast v10, $0x0;
	v21 =	vld [tilespmem:s3+$0xFFFFFFB0]  }
0x280: {  	v23 =	vmul.f32 v11, v1;
	v24 =	vmul.f32 v12, v1;
	v22 =	vld [tilespmem:s3+$0xFFFFFFC0]  }
0x281: {  	v25 =	vmul.f32 v13, v1;
	v14 =	vmul.f32 v14, v1;
	v12 =	vld [tilespmem:s3+$0xFFFFFFD0]  }
0x282: {  	v26 =	vmul.f32 v15, v1;
	v27 =	vmul.f32 v16, v1;
	v13 =	vld [tilespmem:s3+$0xFFFFFFE0]  }
0x283: {  	s0 =	sadd.s32 $0x1, s8;
	v11 =	vmul.f32 v17, v20;
	v15 =	vmul.f32 v18, v20;
	v16 =	vld [tilespmem:s3+$0xFFFFFFF0]  }
0x284: {  	v17 =	vmov s0;
	v18 =	vmul.f32 v19, v20;
	v19 =	vmul.f32 v21, v20;
	v21 =	vld [tilespmem:s3+$0x60]  }
0x285: {  	v9 =	vadd.f32 v11, v9;
	v8 =	vadd.f32 v15, v8;
	v15 =	vmul.f32 v22, v20;
	v22 =	vld [tilespmem:s3+$0x70];
	s3 =	sadd.s32 $0x100, s3  }
0x286: {  	v6 =	vadd.f32 v18, v6;
	v11 =	vld [tilespmem:s3+$0x0];
	v7 =	vadd.f32 v19, v7;
	v18 =	vmul.f32 v12, v20  }
0x287: {  	v9 =	vadd.f32 v23, v9;
	v8 =	vadd.f32 v24, v8;
	v12 =	vld [tilespmem:s3+$0x10];
	v19 =	vmul.f32 v13, v20  }
.Ltmp6:
0x288: {  	v6 =	vadd.f32 v25, v6;
	v13 =	vld [tilespmem:s3+$0x20];
	v16 =	vmul.f32 v16, v20;
	v7 =	vadd.f32 v14, v7;
	(pc) =	sbr.rel @p0 .LBB2_13-.Ltmp6, $4  }
0x289: {  	v3 =	vadd.f32 v15, v3;
	v5 =	vadd.f32 v18, v5;
	v14 =	vld [tilespmem:s3+$0x30];
	v18 =	vmul.f32 v21, v1  }
0x28a: {  	v4 =	vadd.f32 v19, v4;
	v15 =	vld [tilespmem:s3+$0x40];
	v2 =	vadd.f32 v16, v2;
	v19 =	vmul.f32 v22, v1  }
0x28b: {  	v3 =	vadd.f32 v26, v3;
	v5 =	vadd.f32 v27, v5;
	v16 =	vld [tilespmem:s3+$0x50]  }
0x28c: {  	s8 =	sadd.s32 $0x2, s8;
	v4 =	vadd.f32 v18, v4;
	v1 =	vld.idx.msk [tilespmem:v17+s25+$0x0], $0xffff;
	v2 =	vadd.f32 v19, v2  }
0x28d: {  	v17 =	vld [tilespmem:$0x19100];
	_ =	sdelay $0x1  }
0x28e: {  	v18 =	vld [tilespmem:$0x19110];
	_ =	sdelay $0x1  }
0x28f: {  	v19 =	vld [tilespmem:$0x19120]  }
0x290: {  	v17 =	vadd.f32 $0.0e+00, v17  }
0x291: {  	v20 =	vld [tilespmem:$0x19130]  }
0x292: {  	v17 =	vadd.f32 v18, v17  }
0x293: {  	v43 =	vld [tilespmem:$0x19140]  }
0x294: {  	v17 =	vadd.f32 v19, v17  }
0x295: {  	v44 =	vld [tilespmem:$0x19150]  }
0x296: {  	v17 =	vadd.f32 v20, v17  }
0x297: {  	v45 =	vld [tilespmem:$0x19160]  }
0x298: {  	v17 =	vadd.f32 v43, v17  }
0x299: {  	v46 =	vld [tilespmem:$0x19170]  }
0x29a: {  	v17 =	vadd.f32 v44, v17  }
0x29b: {  	v47 =	vld [tilespmem:$0x19180]  }
0x29c: {  	v17 =	vadd.f32 v45, v17  }
0x29d: {  	v48 =	vld [tilespmem:$0x19190]  }
0x29e: {  	v17 =	vadd.f32 v46, v17  }
0x29f: {  	v49 =	vld [tilespmem:$0x191A0]  }
0x2a0: {  	v17 =	vadd.f32 v47, v17  }
0x2a1: {  	v50 =	vld [tilespmem:$0x191B0]  }
0x2a2: {  	v51 =	vld [tilespmem:$0x191B8];
	v17 =	vadd.f32 v48, v17;
	_ =	sdelay $0x1  }
0x2a3: {  	v17 =	vadd.f32 v49, v17;
	_ =	sdelay $0x1  }
0x2a4: {  	v17 =	vadd.f32 v50, v17  }
0x2a5: {  	v52 =	vsel vm0, $0x0, v51  }
0x2a6: {  	v17 =	vadd.f32 v52, v17;
	_ =	sdelay $0x1  }
0x2a7: {  	(xrf2) =	vadd.scan.msk.f32 $0xffff, v17  }
0x2a8: {  	v53 =	vld [tilespmem:s3+$0xFFFFFF80]  }
0x2a9: {  	v54 =	vld [tilespmem:s3+$0xFFFFFF90]  }
0x2aa: {  	v10 =	vld.idx.msk [tilespmem:v10+s25+$0x0], $0xffff  }
0x2ab: {  	v55 =	vld [tilespmem:s3+$0xFFFFFFA0]  }
0x2ac: {  	v56 =	vld [tilespmem:s3+$0xFFFFFFB0]  }
0x2ad: {  	v21 =	vld [tilespmem:s3+$0xFFFFFFC0]  }
0x2ae: {  	v22 =	vld [tilespmem:s3+$0xFFFFFFD0]  }
0x2af: {  	v23 =	vld [tilespmem:s3+$0xFFFFFFE0]  }
0x2b0: {  	v24 =	vld [tilespmem:s3+$0xFFFFFFF0]  }
0x2b1: {  	v25 =	vld [tilespmem:s3+$0x60];
	v27, _, _ =	vpop (xrf2)  }
0x2b2: {  	v26 =	vld [tilespmem:s3+$0x70];
	[tilespmem:$0x19100] =	vst v27  }
0x2b3: {  	v27 =	vld.idx.msk [tilespmem:v0+s25+$0x0], $0xffff;
	_ =	sdelay $0x4  }
0x2b4: {  	(erf) = vrcp.f32 v27  }
0x2b5: {  	v11 =	vmul.f32 v11, v1;
	v12 =	vmul.f32 v12, v1  }
0x2b6: {  	v13 =	vmul.f32 v13, v1;
	v14 =	vmul.f32 v14, v1  }
0x2b7: {  	v15 =	vmul.f32 v15, v1;
	v16 =	vmul.f32 v16, v1  }
0x2b8: {  	v57 =	vmul.f32 v55, v10;
	v18 =	vmul.f32 v53, v10  }
0x2b9: {  	v58 =	vmul.f32 v56, v10;
	v17 =	vmul.f32 v54, v10  }
0x2ba: {  	v59 =	vmul.f32 v21, v10;
	v60 =	vmul.f32 v22, v10;
	v9 =	vadd.f32 v18, v9  }
0x2bb: {  	v61 =	vmul.f32 v23, v10;
	v6 =	vadd.f32 v57, v6;
	v8 =	vadd.f32 v17, v8  }
0x2bc: {  	v63 =	vmul.f32 v25, v1;
	v7 =	vadd.f32 v58, v7;
	v9 =	vadd.f32 v11, v9  }
0x2bd: {  	v1 =	vmul.f32 v26, v1;
	v3 =	vadd.f32 v59, v3;
	v8 =	vadd.f32 v12, v8;
	v62 =	vpop (erf)  }
0x2be: {  	v6 =	vadd.f32 v13, v6;
	v10 =	vmul.f32 v24, v10;
	v9 =	vmul.f32 v62, v9  }
0x2bf: {  	v5 =	vadd.f32 v60, v5;
	v7 =	vadd.f32 v14, v7;
	v8 =	vmul.f32 v62, v8  }
0x2c0: {  	v3 =	vadd.f32 v15, v3;
	v2 =	vadd.f32 v10, v2;
	v6 =	vmul.f32 v62, v6;
	[tilespmem:$0x1D280] =	vst v9  }
0x2c1: {  	v4 =	vadd.f32 v61, v4;
	v5 =	vadd.f32 v16, v5;
	v7 =	vmul.f32 v62, v7;
	[tilespmem:$0x1D290] =	vst v8  }
0x2c2: {  	v1 =	vadd.f32 v1, v2;
	v3 =	vmul.f32 v62, v3;
	[tilespmem:$0x1D2A0] =	vst v6  }
0x2c3: {  	v4 =	vadd.f32 v63, v4;
	v2 =	vmul.f32 v62, v5;
	[tilespmem:$0x1D2B0] =	vst v7  }
0x2c4: {  	v1 =	vmul.f32 v62, v1;
	[tilespmem:$0x1D2C0] =	vst v3  }
0x2c5: {  	v3 =	vmul.f32 v62, v4;
	[tilespmem:$0x1D2D0] =	vst v2  }
0x2c6: {  	s8 =	simm.s32 $0x0;
	[tilespmem:$0x1D2F0] =	vst v1  }
0x2c7: {  	s0 =	rddreg [dreg:$0x5];
	s12 =	simm.s32 $0x19300;
	s3 =	simm.s32 $0x4;
	[tilespmem:$0x1D2E0] =	vst v3  }
0x2c8: {  	[hbm4b:s0+s8] =	stream.linear.scatter [tilespmem:s12], [sflag:$0x4], $0x4000, $0x38;
	[tilespmem:$0x1D300] =	vst v63  }
0x2c9: {  	_ =	swait.ge [sflag:s3], $0x4000  }
0x2ca: {  	s10 =	sadd.s32 $0x1, s10;
	s26 =	rddreg [dreg:$0x6]  }
0x2cb: {  	p0 =	sne.s32 s10, s26  }
.Ltmp7:
0x2cc: {  	_ = 	snop;
	(pc) =	sbr.rel @p0 .LBB2_1-.Ltmp7, $3  }
0x2cd: {  	_ =	sdelay $0x1  }
0x2ce: {  	[sflag:s3] =	ssyncset.done $0x0  }
0x2cf: {  	[sflag:s3] =	ssyncadd.s32 $0xFFFFC000  }
0x2d0: {  	_ =	sfence.sel $0x180000  }
0x2d1: {  	[bflag:$0x0] =	sbarrier.arrive $0xFFFF  }
0x2d2: {  	_ =	strace $0x90000047  }
0x2d3: {  	s0 =	stileid.u32;
	[bflag:$0x2] =	sbarrier.arrive $0xFFFF  }
0x2d4: {  	p0 =	sne.s32 s0, $0x0;
	s0 =	rddreg [dreg:$0x3]  }
0x2d5: {  	s0 =	sadd.s32 @!p0 $0x100000, s0  }
0x2d6: {  	[sflag:s0] =	ssyncadd.tile.s32 @!p0 $0x1;
	_ =	shalt  }
.Lfunc_end2:
_tile_overlayer_lowered:
.L_overlay_start_2:
0x2d7: {  	(tag) =	ssettag $0x2  }
0x2d8: {  	s0 =	rddreg [dreg:$0x0];
	s2 =	stileid.u32  }
0x2d9: {  	s1 =	rddreg [dreg:$0x1];
	p0 =	sne.s32 s2, $0x0  }
0x2da: {  	s3 =	rddreg [dreg:$0x2];
	[bflag:$0x3] =	sbarrier.arrive $0xFFFF;
	s2 =	simm.s32 @!p0 $0x1C04  }
0x2db: {  	[timem:s3], [sflag:s2] =	dma.local @!p0 [hbm:s0], s1  }
0x2dc: {  	s0 =	simm.s32 @!p0 $0x4  }
0x2dd: {  	_ =	swait.ge @!p0 [sflag:s0], s1  }
0x2de: {  	s1 =	ssub.s32 @!p0 $0x0, s1;
	[sflag:s0] =	ssyncset.done @!p0 $0x0  }
0x2df: {  	[sflag:s0] =	ssyncadd.s32 @!p0 s1  }
0x2e0: {  	[bflag:$0x3] =	sbarrier.arrive $0xFFFF  }
0x2e1: {  	_ =	shalt  }

</sc_bundles>
